<compile_context>
chip_gen: v7x
topology: tpu7x:2x2x1
jax: 0.10.2.dev20260603
libtpu: 0.0.44.dev20260713+nightly
codegen_flags: <defaults>
</compile_context>

<pallas_src>
import functools

import jax
import jax.numpy as jnp
from jax import lax
from jax.experimental import pallas as pl
from jax.experimental.pallas import tpu as pltpu
from jax.experimental.pallas import tpu_sc as plsc

N = 10000
E = 320000
NC, NS = 2, 16
NW = NC * NS
CHUNK = 128
TOT = E // CHUNK
CPW = -(-TOT // NW)
LAST = TOT - (NW - 1) * CPW
NBUF = 3
ZROWS = 640
N_PAD = NS * ZROWS
BR = N_PAD // 8

_mesh = plsc.VectorSubcoreMesh(
    core_axis_name="c", subcore_axis_name="s", num_cores=NC, num_subcores=NS)


def _zero_fill(buf, rows, cols):
    def body(i, _):
        for k in range(cols // 16):
            buf[i, pl.ds(k * 16, 16)] = jnp.zeros((16,), jnp.float32)
        return 0
    lax.fori_loop(0, rows, body, 0)


def _stage_indices(ei_hbm, row, w, dstv):
    @pl.when(w < NW - 1)
    def _():
        pltpu.sync_copy(ei_hbm.at[row, pl.ds(w * CPW, CPW)], dstv)

    @pl.when(w == NW - 1)
    def _():
        pltpu.sync_copy(ei_hbm.at[row, pl.ds(w * CPW, LAST)],
                        dstv.at[pl.ds(0, LAST)])


def _deg_body(ei_hbm, out_hbm, dstv, ones_v, acc):
    c = lax.axis_index("c")
    s = lax.axis_index("s")
    w = c * NS + s
    nw = jnp.where(w == NW - 1, LAST, CPW)
    _stage_indices(ei_hbm, 1, w, dstv)
    _zero_fill(ones_v, CHUNK, 16)
    for k in range(ZROWS // CHUNK):
        pltpu.sync_copy(ones_v, acc.at[pl.ds(s * ZROWS + k * CHUNK, CHUNK)])
    def ofill(i, _):
        ones_v[i, pl.ds(0, 16)] = jnp.ones((16,), jnp.float32)
        return 0
    lax.fori_loop(0, CHUNK, ofill, 0)
    plsc.subcore_barrier()
    def step(j, _):
        pltpu.sync_copy(ones_v, acc.at[dstv.at[j]], add=True)
        return 0
    lax.fori_loop(0, nw, step, 0)
    plsc.subcore_barrier()
    pltpu.sync_copy(acc.at[pl.ds(s * ZROWS, ZROWS)],
                    out_hbm.at[c, pl.ds(s * ZROWS, ZROWS)])


_deg_call = pl.kernel(
    _deg_body,
    out_type=jax.ShapeDtypeStruct((NC, N_PAD, 16), jnp.float32),
    mesh=_mesh,
    scratch_types=[
        pltpu.VMEM((CPW, CHUNK), jnp.int32),
        pltpu.VMEM((CHUNK, 16), jnp.float32),
        pltpu.VMEM_SHARED((N_PAD, 16), jnp.float32),
    ],
    compiler_params=pltpu.CompilerParams(use_tc_tiling_on_sc=False),
)


def _prop_body(width, tab_hbm, ei_hbm, out_hbm, srcv, dstv, rows, tabsp,
               acc, gsem, ssem):
    c = lax.axis_index("c")
    s = lax.axis_index("s")
    w = c * NS + s
    nw = jnp.where(w == NW - 1, LAST, CPW)
    _zero_fill(rows.at[0], CHUNK, width)
    _stage_indices(ei_hbm, 0, w, srcv)
    _stage_indices(ei_hbm, 1, w, dstv)
    pltpu.sync_copy(tab_hbm.at[pl.ds(s * (N // NS), N // NS)],
                    tabsp.at[pl.ds(s * (N // NS), N // NS)])
    for k in range(ZROWS // CHUNK):
        pltpu.sync_copy(rows.at[0], acc.at[pl.ds(s * ZROWS + k * CHUNK, CHUNK)])
    plsc.subcore_barrier()
    for b in range(NBUF - 1):
        pltpu.async_copy(tabsp.at[srcv.at[b]], rows.at[b], gsem.at[b])
    def step(j, _):
        slot = lax.rem(j, NBUF)
        nj = j + NBUF - 1
        @pl.when(nj < nw)
        def _():
            nslot = lax.rem(nj, NBUF)
            @pl.when(j > 0)
            def _():
                pltpu.make_async_copy(rows.at[nslot],
                                      acc.at[dstv.at[j - 1]],
                                      ssem.at[nslot]).wait()
            pltpu.async_copy(tabsp.at[srcv.at[nj]], rows.at[nslot],
                             gsem.at[nslot])
        pltpu.make_async_copy(tabsp.at[srcv.at[j]], rows.at[slot],
                              gsem.at[slot]).wait()
        pltpu.async_copy(rows.at[slot], acc.at[dstv.at[j]], ssem.at[slot],
                         add=True)
        return 0
    lax.fori_loop(0, nw, step, 0)
    for b in range(NBUF):
        pltpu.make_async_copy(rows.at[b], acc.at[dstv.at[0]],
                              ssem.at[b]).wait()
    plsc.subcore_barrier()
    pltpu.sync_copy(acc.at[pl.ds(s * ZROWS, ZROWS)],
                    out_hbm.at[c, pl.ds(s * ZROWS, ZROWS)])


def _make_prop(width):
    return pl.kernel(
        functools.partial(_prop_body, width),
        out_type=jax.ShapeDtypeStruct((NC, N_PAD, width), jnp.float32),
        mesh=_mesh,
        scratch_types=[
            pltpu.VMEM((CPW, CHUNK), jnp.int32),
            pltpu.VMEM((CPW, CHUNK), jnp.int32),
            pltpu.VMEM((NBUF, CHUNK, width), jnp.float32),
            pltpu.VMEM_SHARED((N, width), jnp.float32),
            pltpu.VMEM_SHARED((N_PAD, width), jnp.float32),
            pltpu.SemaphoreType.DMA((NBUF,)),
            pltpu.SemaphoreType.DMA((NBUF,)),
        ],
        compiler_params=pltpu.CompilerParams(use_tc_tiling_on_sc=False),
    )


_prop64 = _make_prop(64)
_prop16 = _make_prop(16)


def _tc_mm_body(x_ref, wn_ref, ws_ref, h1_ref):
    x = x_ref[...]
    h1_ref[...] = jnp.concatenate(
        [jnp.dot(x[:, :64], wn_ref[...], preferred_element_type=jnp.float32,
                 precision=lax.Precision.HIGHEST),
         jnp.dot(x[:, 64:], ws_ref[...], preferred_element_type=jnp.float32,
                 precision=lax.Precision.HIGHEST)],
        axis=1)


_tc_mm = pl.pallas_call(
    _tc_mm_body,
    grid=(8,),
    in_specs=[
        pl.BlockSpec((BR, 128), lambda i: (i, 0)),
        pl.BlockSpec((64, 32), lambda i: (0, 0)),
        pl.BlockSpec((64, 32), lambda i: (0, 0)),
    ],
    out_specs=pl.BlockSpec((BR, 64), lambda i: (i, 0)),
    out_shape=jax.ShapeDtypeStruct((N, 64), jnp.float32),
)


def _tc_scale_body(h1_ref, degp_ref, m1_ref, dinv_ref):
    deg = 1.0 + degp_ref[0, :, :1] + degp_ref[1, :, :1]
    dinv = lax.rsqrt(deg)
    m1_ref[...] = h1_ref[...] * dinv
    i = pl.program_id(0)
    dinv_ref[pl.ds(i * BR, BR)] = dinv[:, 0]


_tc_scale = pl.pallas_call(
    _tc_scale_body,
    grid=(8,),
    in_specs=[
        pl.BlockSpec((BR, 64), lambda i: (i, 0)),
        pl.BlockSpec((2, BR, 16), lambda i: (0, i, 0)),
    ],
    out_specs=[pl.BlockSpec((BR, 64), lambda i: (i, 0)),
               pl.BlockSpec((N_PAD,), lambda i: (0,))],
    out_shape=[jax.ShapeDtypeStruct((N, 64), jnp.float32),
               jax.ShapeDtypeStruct((N_PAD,), jnp.float32)],
)


def _tc_b_body(p1_ref, m1_ref, dinv_ref, bcat_ref, wf_ref, m2_ref):
    i = pl.program_id(0)
    dinv = dinv_ref[pl.ds(i * BR, BR)][:, None]
    p1 = p1_ref[0] + p1_ref[1]
    pre = (p1 + m1_ref[...]) * dinv + bcat_ref[...]
    h = jnp.where(pre > 0, pre, jnp.exp(jnp.minimum(pre, 0.0)) - 1.0)
    m2_ref[...] = jnp.dot(h, wf_ref[...], preferred_element_type=jnp.float32,
                          precision=lax.Precision.HIGHEST) * dinv


_tc_b = pl.pallas_call(
    _tc_b_body,
    grid=(8,),
    in_specs=[
        pl.BlockSpec((2, BR, 64), lambda i: (0, i, 0)),
        pl.BlockSpec((BR, 64), lambda i: (i, 0)),
        pl.BlockSpec((N_PAD,), lambda i: (0,)),
        pl.BlockSpec((1, 64), lambda i: (0, 0)),
        pl.BlockSpec((64, 16), lambda i: (0, 0)),
    ],
    out_specs=pl.BlockSpec((BR, 16), lambda i: (i, 0)),
    out_shape=jax.ShapeDtypeStruct((N, 16), jnp.float32),
)


def _tc_c_body(p2_ref, m2_ref, degp_ref, bf_ref, s_ref, out_ref):
    dinv16 = lax.rsqrt(1.0 + degp_ref[0] + degp_ref[1])
    logits = (p2_ref[0] + p2_ref[1] + m2_ref[...]) * dinv16 + bf_ref[...]
    mx = jnp.max(logits, axis=1, keepdims=True)
    e = jnp.exp(logits - mx)
    den = jnp.dot(e, s_ref[...], preferred_element_type=jnp.float32,
                  precision=lax.Precision.HIGHEST)
    out_ref[...] = e / den


NP8 = N_PAD // 8
NR8 = N * 16 // 128
BR8 = NP8 // 8

_tc_c = pl.pallas_call(
    _tc_c_body,
    grid=(8,),
    in_specs=[
        pl.BlockSpec((2, BR8, 128), lambda i: (0, i, 0)),
        pl.BlockSpec((BR8, 128), lambda i: (i, 0)),
        pl.BlockSpec((2, BR8, 128), lambda i: (0, i, 0)),
        pl.BlockSpec((1, 128), lambda i: (0, 0)),
        pl.BlockSpec((128, 128), lambda i: (0, 0)),
    ],
    out_specs=pl.BlockSpec((BR8, 128), lambda i: (i, 0)),
    out_shape=jax.ShapeDtypeStruct((NR8, 128), jnp.float32),
)


def kernel(X, ei_feat, batch, W_nuc, b_nuc, W_surf, b_surf, W_fuse, b_fuse):
    eic = ei_feat.reshape(2, TOT, CHUNK)

    degp = _deg_call(eic)
    h1 = _tc_mm(X, W_nuc, W_surf)
    m1, dinv = _tc_scale(h1, degp)
    p1 = _prop64(m1, eic)
    bcat = jnp.concatenate([b_nuc, b_surf])[None, :]
    m2 = _tc_b(p1, m1, dinv, bcat, W_fuse)
    p2 = _prop16(m2, eic)
    bias128 = jnp.tile(b_fuse, (8,))[None, :]
    seg = jnp.repeat(jnp.repeat(jnp.eye(8, dtype=jnp.float32), 16, axis=0),
                     16, axis=1)
    out8 = _tc_c(p2.reshape(NC, NP8, 128), m2.reshape(NR8, 128),
                 degp.reshape(NC, NP8, 128), bias128, seg)
    return out8.reshape(N, 16)

# --- scband reference (transcript-rebuilt; emitter-appended) ---
"""Pipeline reference for scband-partitioned-encoder-75814762709164 (READ-ONLY COPY).

The authoritative reference and input builder live on the scoring server;
editing this copy changes nothing except your own understanding.
"""

import jax, jax.numpy as jnp
import numpy as np

N = 10000
F_DIM = 128
H_HALF = 32
K = 16
E = 320000


def gcn(x, src, dst, W, b):
    n = x.shape[0]
    loop = jnp.arange(n, dtype=src.dtype)
    s = jnp.concatenate([src, loop])
    d = jnp.concatenate([dst, loop])
    deg = jnp.zeros((n,), x.dtype).at[d].add(1.0)
    dinv = jnp.where(deg > 0, jax.lax.rsqrt(jnp.maximum(deg, 1e-12)), 0.0)
    h = x @ W
    norm = (dinv[s] * dinv[d])[:, None]
    out = jnp.zeros((n, W.shape[1]), x.dtype).at[d].add(h[s] * norm)
    return out + b


def setup_inputs(seed: int = 0):
    key = jax.random.key(seed)
    ks = jax.random.split(key, 8)
    X = jax.random.normal(ks[0], (N, F_DIM), dtype=jnp.float32)
    ei_feat = jax.random.randint(ks[1], (2, E), 0, N, dtype=jnp.int32)
    batch = jnp.sort(jax.random.randint(ks[2], (N,), 0, 512, dtype=jnp.int32))
    s_nuc = 1.0 / np.sqrt(64.0)
    W_nuc = jax.random.uniform(ks[3], (64, H_HALF), minval=-s_nuc, maxval=s_nuc, dtype=jnp.float32)
    b_nuc = jnp.zeros((H_HALF,), jnp.float32)
    W_surf = jax.random.uniform(ks[4], (64, H_HALF), minval=-s_nuc, maxval=s_nuc, dtype=jnp.float32)
    b_surf = jnp.zeros((H_HALF,), jnp.float32)
    s_fuse = 1.0 / np.sqrt(64.0)
    W_fuse = jax.random.uniform(ks[5], (64, K), minval=-s_fuse, maxval=s_fuse, dtype=jnp.float32)
    b_fuse = jnp.zeros((K,), jnp.float32)
    return {"X": X, "ei_feat": ei_feat, "batch": batch, "W_nuc": W_nuc, "b_nuc": b_nuc, "W_surf": W_surf, "b_surf": b_surf, "W_fuse": W_fuse, "b_fuse": b_fuse}


def reference(X, ei_feat, batch, W_nuc, b_nuc, W_surf, b_surf, W_fuse, b_fuse):
    src, dst = ei_feat[0], ei_feat[1]
    X_nuc = X[:, 0:64]
    X_surf = X[:, 64:128]
    h_nuc = jax.nn.elu(gcn(X_nuc, src, dst, W_nuc, b_nuc))
    h_surf = jax.nn.elu(gcn(X_surf, src, dst, W_surf, b_surf))
    h_fused = jnp.concatenate([h_nuc, h_surf], axis=1)
    return jax.nn.softmax(gcn(h_fused, src, dst, W_fuse, b_fuse), axis=1)

if __name__ == "__main__":
    import jax
    _d = setup_inputs()
    print(jax.jit(kernel)(*tuple(_d.values())))

</pallas_src>

<mosaic_0001>
#map = affine_map<(d0, d1) -> (0, 0, 0)>
module attributes {stable_mosaic.version = 14 : i64} {
  func.func @_deg_body(%arg0: i32, %arg1: i32, %arg2: memref<2x2500x128xi32, #tpu.memory_space<hbm>>, %arg3: memref<2x10240x16xf32, #tpu.memory_space<hbm>>, %arg4: memref<79x128xi32, #tpu.memory_space<vmem>>, %arg5: memref<128x16xf32, #tpu.memory_space<vmem>>, %arg6: memref<10240x16xf32, #tpu.memory_space<vmem_shared>>) attributes {dimension_semantics = [#tpu.dimension_semantics<core_parallel>, #tpu.dimension_semantics<subcore_parallel>], iteration_bounds = array<i64: 2, 16>, scalar_prefetch = 0 : i64, scratch_operands = 3 : i64, tpu.core_type = #tpu.core_type<sc_vector_subcore>, window_params = [{transform_indices = #map}, {transform_indices = #map}]} {
    %mul3A = arith.constant 16 : i32
    %mul3A_0 = arith.muli %arg0, %mul3A : i32
    %add3A = arith.addi %mul3A_0, %arg1 : i32
    %eq3A = arith.constant 31 : i32
    %eq3A_1 = arith.cmpi eq, %add3A, %eq3A : i32
    %jit3A = arith.constant 51 : i32
    %jit3A_2 = arith.constant 79 : i32
    %select_n3A = arith.select %eq3A_1, %jit3A, %jit3A_2 : i32
    %lt3A = arith.constant 31 : i32
    %lt3A_3 = arith.cmpi slt, %add3A, %lt3A : i32
    %convert_element_type3A = arith.extui %lt3A_3 : i1 to i32
    %cond3A = arith.constant 0 : i32
    %cond3A_4 = arith.cmpi ne, %convert_element_type3A, %cond3A : i32
    scf.if %cond3A_4 {
      %mul3A_59 = arith.constant 79 : i32
      %mul3A_60 = arith.muli %add3A, %mul3A_59 : i32
      %run_scoped3A = arith.constant 1 : i32
      "tpu.region"() ({
        %run_scoped3A_61 = tpu.sem_alloc : memref<!tpu.dma_semaphore, #tpu.memory_space<semaphore_mem>>
        %dma_start3A = arith.constant 0 : i32
        %dma_start3A_62 = tpu.memref_slice %arg2[%run_scoped3A, %mul3A_60, %dma_start3A] : memref<2x2500x128xi32, #tpu.memory_space<hbm>> -> memref<1x79x128xi32, #tpu.memory_space<hbm>>
        %dma_start3A_63 = tpu.memref_squeeze %dma_start3A_62 : memref<1x79x128xi32, #tpu.memory_space<hbm>> -> memref<79x128xi32, #tpu.memory_space<hbm>>
        %dma_start3A_64 = arith.constant 0 : i32
        %dma_start3A_65 = tpu.memref_slice %arg2[%run_scoped3A, %mul3A_60, %dma_start3A_64] : memref<2x2500x128xi32, #tpu.memory_space<hbm>> -> memref<1x79x128xi32, #tpu.memory_space<hbm>>
        %dma_start3A_66 = tpu.memref_squeeze %dma_start3A_65 : memref<1x79x128xi32, #tpu.memory_space<hbm>> -> memref<79x128xi32, #tpu.memory_space<hbm>>
        tpu.enqueue_dma source(%dma_start3A_66 : memref<79x128xi32, #tpu.memory_space<hbm>>) target(%arg4 : memref<79x128xi32, #tpu.memory_space<vmem>>) target_semaphore(%run_scoped3A_61 : memref<!tpu.dma_semaphore, #tpu.memory_space<semaphore_mem>>)
        %dma_wait3A = arith.constant 0 : i32
        %dma_wait3A_67 = tpu.memref_slice %arg2[%run_scoped3A, %mul3A_60, %dma_wait3A] : memref<2x2500x128xi32, #tpu.memory_space<hbm>> -> memref<1x79x128xi32, #tpu.memory_space<hbm>>
        %dma_wait3A_68 = tpu.memref_squeeze %dma_wait3A_67 : memref<1x79x128xi32, #tpu.memory_space<hbm>> -> memref<79x128xi32, #tpu.memory_space<hbm>>
        %dma_wait3A_69 = arith.constant 0 : i32
        %dma_wait3A_70 = tpu.memref_slice %arg2[%run_scoped3A, %mul3A_60, %dma_wait3A_69] : memref<2x2500x128xi32, #tpu.memory_space<hbm>> -> memref<1x79x128xi32, #tpu.memory_space<hbm>>
        %dma_wait3A_71 = tpu.memref_squeeze %dma_wait3A_70 : memref<1x79x128xi32, #tpu.memory_space<hbm>> -> memref<79x128xi32, #tpu.memory_space<hbm>>
        tpu.wait_dma2 semaphore(%run_scoped3A_61 : memref<!tpu.dma_semaphore, #tpu.memory_space<semaphore_mem>>) src(%dma_wait3A_71 : memref<79x128xi32, #tpu.memory_space<hbm>>) dst(%arg4 : memref<79x128xi32, #tpu.memory_space<vmem>>)
        tpu.yield
      }) : () -> ()
    } else {
    }
    %eq3A_5 = arith.constant 31 : i32
    %eq3A_6 = arith.cmpi eq, %add3A, %eq3A_5 : i32
    %convert_element_type3A_7 = arith.extui %eq3A_6 : i1 to i32
    %cond3A_8 = arith.constant 0 : i32
    %cond3A_9 = arith.cmpi ne, %convert_element_type3A_7, %cond3A_8 : i32
    scf.if %cond3A_9 {
      %mul3A_59 = arith.constant 79 : i32
      %mul3A_60 = arith.muli %add3A, %mul3A_59 : i32
      %run_scoped3A = arith.constant 1 : i32
      "tpu.region"() ({
        %run_scoped3A_61 = tpu.sem_alloc : memref<!tpu.dma_semaphore, #tpu.memory_space<semaphore_mem>>
        %dma_start3A = arith.constant 0 : i32
        %dma_start3A_62 = arith.constant 0 : i32
        %dma_start3A_63 = tpu.memref_slice %arg4[%dma_start3A, %dma_start3A_62] : memref<79x128xi32, #tpu.memory_space<vmem>> -> memref<51x128xi32, #tpu.memory_space<vmem>>
        %dma_start3A_64 = arith.constant 0 : i32
        %dma_start3A_65 = tpu.memref_slice %arg2[%run_scoped3A, %mul3A_60, %dma_start3A_64] : memref<2x2500x128xi32, #tpu.memory_space<hbm>> -> memref<1x51x128xi32, #tpu.memory_space<hbm>>
        %dma_start3A_66 = tpu.memref_squeeze %dma_start3A_65 : memref<1x51x128xi32, #tpu.memory_space<hbm>> -> memref<51x128xi32, #tpu.memory_space<hbm>>
        %dma_start3A_67 = arith.constant 0 : i32
        %dma_start3A_68 = arith.constant 0 : i32
        %dma_start3A_69 = tpu.memref_slice %arg4[%dma_start3A_67, %dma_start3A_68] : memref<79x128xi32, #tpu.memory_space<vmem>> -> memref<51x128xi32, #tpu.memory_space<vmem>>
        %dma_start3A_70 = arith.constant 0 : i32
        %dma_start3A_71 = tpu.memref_slice %arg2[%run_scoped3A, %mul3A_60, %dma_start3A_70] : memref<2x2500x128xi32, #tpu.memory_space<hbm>> -> memref<1x51x128xi32, #tpu.memory_space<hbm>>
        %dma_start3A_72 = tpu.memref_squeeze %dma_start3A_71 : memref<1x51x128xi32, #tpu.memory_space<hbm>> -> memref<51x128xi32, #tpu.memory_space<hbm>>
        tpu.enqueue_dma source(%dma_start3A_72 : memref<51x128xi32, #tpu.memory_space<hbm>>) target(%dma_start3A_69 : memref<51x128xi32, #tpu.memory_space<vmem>>) target_semaphore(%run_scoped3A_61 : memref<!tpu.dma_semaphore, #tpu.memory_space<semaphore_mem>>)
        %dma_wait3A = arith.constant 0 : i32
        %dma_wait3A_73 = arith.constant 0 : i32
        %dma_wait3A_74 = tpu.memref_slice %arg4[%dma_wait3A, %dma_wait3A_73] : memref<79x128xi32, #tpu.memory_space<vmem>> -> memref<51x128xi32, #tpu.memory_space<vmem>>
        %dma_wait3A_75 = arith.constant 0 : i32
        %dma_wait3A_76 = tpu.memref_slice %arg2[%run_scoped3A, %mul3A_60, %dma_wait3A_75] : memref<2x2500x128xi32, #tpu.memory_space<hbm>> -> memref<1x51x128xi32, #tpu.memory_space<hbm>>
        %dma_wait3A_77 = tpu.memref_squeeze %dma_wait3A_76 : memref<1x51x128xi32, #tpu.memory_space<hbm>> -> memref<51x128xi32, #tpu.memory_space<hbm>>
        %dma_wait3A_78 = arith.constant 0 : i32
        %dma_wait3A_79 = arith.constant 0 : i32
        %dma_wait3A_80 = tpu.memref_slice %arg4[%dma_wait3A_78, %dma_wait3A_79] : memref<79x128xi32, #tpu.memory_space<vmem>> -> memref<51x128xi32, #tpu.memory_space<vmem>>
        %dma_wait3A_81 = arith.constant 0 : i32
        %dma_wait3A_82 = tpu.memref_slice %arg2[%run_scoped3A, %mul3A_60, %dma_wait3A_81] : memref<2x2500x128xi32, #tpu.memory_space<hbm>> -> memref<1x51x128xi32, #tpu.memory_space<hbm>>
        %dma_wait3A_83 = tpu.memref_squeeze %dma_wait3A_82 : memref<1x51x128xi32, #tpu.memory_space<hbm>> -> memref<51x128xi32, #tpu.memory_space<hbm>>
        tpu.wait_dma2 semaphore(%run_scoped3A_61 : memref<!tpu.dma_semaphore, #tpu.memory_space<semaphore_mem>>) src(%dma_wait3A_83 : memref<51x128xi32, #tpu.memory_space<hbm>>) dst(%dma_wait3A_80 : memref<51x128xi32, #tpu.memory_space<vmem>>)
        tpu.yield
      }) : () -> ()
    } else {
    }
    %scan3A = arith.constant 0 : i32
    %scan3A_10 = arith.constant 0 : i32
    %scan3A_11 = arith.constant 128 : i32
    %scan3A_12 = arith.addi %scan3A_10, %scan3A_11 : i32
    %scan3A_13 = arith.constant 1 : i32
    %scan3A_14 = scf.for %scan3A_59 = %scan3A_10 to %scan3A_12 step %scan3A_13 iter_args(%scan3A_60 = %scan3A) -> (i32)  : i32 {
      %broadcast_in_dim3A = arith.constant 0.000000e+00 : f32
      %broadcast_in_dim3A_61 = vector.broadcast %broadcast_in_dim3A : f32 to vector<16xf32>
      %swap3A = arith.index_cast %scan3A_59 : i32 to index
      %swap3A_62 = arith.constant 0 : index
      %swap3A_63 = tpu.vector_load %arg5[%swap3A, %swap3A_62] {strides = array<i32>} : memref<128x16xf32, #tpu.memory_space<vmem>>, vector<1x16xf32>,
      %swap3A_64 = vector.shape_cast %swap3A_63 : vector<1x16xf32> to vector<16xf32>
      %swap3A_65 = vector.shape_cast %broadcast_in_dim3A_61 : vector<16xf32> to vector<1x16xf32>
      tpu.vector_store %arg5[%swap3A, %swap3A_62], %swap3A_65 {strides = array<i32>} : memref<128x16xf32, #tpu.memory_space<vmem>>, vector<1x16xf32>,
      %scan3A_66 = arith.constant 0 : i32
      scf.yield %scan3A_66 : i32
    }
    %scan3A_15 = arith.constant 128 : i32
    %mul3A_16 = arith.constant 640 : i32
    %mul3A_17 = arith.muli %arg1, %mul3A_16 : i32
    %add3A_18 = arith.constant 0 : i32
    %add3A_19 = arith.addi %mul3A_17, %add3A_18 : i32
    "tpu.region"() ({
      %run_scoped3A = tpu.sem_alloc : memref<!tpu.dma_semaphore, #tpu.memory_space<semaphore_mem>>
      %dma_start3A = arith.constant 0 : i32
      %dma_start3A_59 = tpu.memref_slice %arg6[%add3A_19, %dma_start3A] : memref<10240x16xf32, #tpu.memory_space<vmem_shared>> -> memref<128x16xf32, #tpu.memory_space<vmem_shared>>
      %dma_start3A_60 = arith.constant 0 : i32
      %dma_start3A_61 = tpu.memref_slice %arg6[%add3A_19, %dma_start3A_60] : memref<10240x16xf32, #tpu.memory_space<vmem_shared>> -> memref<128x16xf32, #tpu.memory_space<vmem_shared>>
      tpu.enqueue_dma source(%arg5 : memref<128x16xf32, #tpu.memory_space<vmem>>) target(%dma_start3A_61 : memref<128x16xf32, #tpu.memory_space<vmem_shared>>) target_semaphore(%run_scoped3A : memref<!tpu.dma_semaphore, #tpu.memory_space<semaphore_mem>>)
      %dma_wait3A = arith.constant 0 : i32
      %dma_wait3A_62 = tpu.memref_slice %arg6[%add3A_19, %dma_wait3A] : memref<10240x16xf32, #tpu.memory_space<vmem_shared>> -> memref<128x16xf32, #tpu.memory_space<vmem_shared>>
      %dma_wait3A_63 = arith.constant 0 : i32
      %dma_wait3A_64 = tpu.memref_slice %arg6[%add3A_19, %dma_wait3A_63] : memref<10240x16xf32, #tpu.memory_space<vmem_shared>> -> memref<128x16xf32, #tpu.memory_space<vmem_shared>>
      tpu.wait_dma2 semaphore(%run_scoped3A : memref<!tpu.dma_semaphore, #tpu.memory_space<semaphore_mem>>) src(%arg5 : memref<128x16xf32, #tpu.memory_space<vmem>>) dst(%dma_wait3A_64 : memref<128x16xf32, #tpu.memory_space<vmem_shared>>)
      tpu.yield
    }) : () -> ()
    %mul3A_20 = arith.constant 640 : i32
    %mul3A_21 = arith.muli %arg1, %mul3A_20 : i32
    %add3A_22 = arith.constant 128 : i32
    %add3A_23 = arith.addi %mul3A_21, %add3A_22 : i32
    "tpu.region"() ({
      %run_scoped3A = tpu.sem_alloc : memref<!tpu.dma_semaphore, #tpu.memory_space<semaphore_mem>>
      %dma_start3A = arith.constant 0 : i32
      %dma_start3A_59 = tpu.memref_slice %arg6[%add3A_23, %dma_start3A] : memref<10240x16xf32, #tpu.memory_space<vmem_shared>> -> memref<128x16xf32, #tpu.memory_space<vmem_shared>>
      %dma_start3A_60 = arith.constant 0 : i32
      %dma_start3A_61 = tpu.memref_slice %arg6[%add3A_23, %dma_start3A_60] : memref<10240x16xf32, #tpu.memory_space<vmem_shared>> -> memref<128x16xf32, #tpu.memory_space<vmem_shared>>
      tpu.enqueue_dma source(%arg5 : memref<128x16xf32, #tpu.memory_space<vmem>>) target(%dma_start3A_61 : memref<128x16xf32, #tpu.memory_space<vmem_shared>>) target_semaphore(%run_scoped3A : memref<!tpu.dma_semaphore, #tpu.memory_space<semaphore_mem>>)
      %dma_wait3A = arith.constant 0 : i32
      %dma_wait3A_62 = tpu.memref_slice %arg6[%add3A_23, %dma_wait3A] : memref<10240x16xf32, #tpu.memory_space<vmem_shared>> -> memref<128x16xf32, #tpu.memory_space<vmem_shared>>
      %dma_wait3A_63 = arith.constant 0 : i32
      %dma_wait3A_64 = tpu.memref_slice %arg6[%add3A_23, %dma_wait3A_63] : memref<10240x16xf32, #tpu.memory_space<vmem_shared>> -> memref<128x16xf32, #tpu.memory_space<vmem_shared>>
      tpu.wait_dma2 semaphore(%run_scoped3A : memref<!tpu.dma_semaphore, #tpu.memory_space<semaphore_mem>>) src(%arg5 : memref<128x16xf32, #tpu.memory_space<vmem>>) dst(%dma_wait3A_64 : memref<128x16xf32, #tpu.memory_space<vmem_shared>>)
      tpu.yield
    }) : () -> ()
    %mul3A_24 = arith.constant 640 : i32
    %mul3A_25 = arith.muli %arg1, %mul3A_24 : i32
    %add3A_26 = arith.constant 256 : i32
    %add3A_27 = arith.addi %mul3A_25, %add3A_26 : i32
    "tpu.region"() ({
      %run_scoped3A = tpu.sem_alloc : memref<!tpu.dma_semaphore, #tpu.memory_space<semaphore_mem>>
      %dma_start3A = arith.constant 0 : i32
      %dma_start3A_59 = tpu.memref_slice %arg6[%add3A_27, %dma_start3A] : memref<10240x16xf32, #tpu.memory_space<vmem_shared>> -> memref<128x16xf32, #tpu.memory_space<vmem_shared>>
      %dma_start3A_60 = arith.constant 0 : i32
      %dma_start3A_61 = tpu.memref_slice %arg6[%add3A_27, %dma_start3A_60] : memref<10240x16xf32, #tpu.memory_space<vmem_shared>> -> memref<128x16xf32, #tpu.memory_space<vmem_shared>>
      tpu.enqueue_dma source(%arg5 : memref<128x16xf32, #tpu.memory_space<vmem>>) target(%dma_start3A_61 : memref<128x16xf32, #tpu.memory_space<vmem_shared>>) target_semaphore(%run_scoped3A : memref<!tpu.dma_semaphore, #tpu.memory_space<semaphore_mem>>)
      %dma_wait3A = arith.constant 0 : i32
      %dma_wait3A_62 = tpu.memref_slice %arg6[%add3A_27, %dma_wait3A] : memref<10240x16xf32, #tpu.memory_space<vmem_shared>> -> memref<128x16xf32, #tpu.memory_space<vmem_shared>>
      %dma_wait3A_63 = arith.constant 0 : i32
      %dma_wait3A_64 = tpu.memref_slice %arg6[%add3A_27, %dma_wait3A_63] : memref<10240x16xf32, #tpu.memory_space<vmem_shared>> -> memref<128x16xf32, #tpu.memory_space<vmem_shared>>
      tpu.wait_dma2 semaphore(%run_scoped3A : memref<!tpu.dma_semaphore, #tpu.memory_space<semaphore_mem>>) src(%arg5 : memref<128x16xf32, #tpu.memory_space<vmem>>) dst(%dma_wait3A_64 : memref<128x16xf32, #tpu.memory_space<vmem_shared>>)
      tpu.yield
    }) : () -> ()
    %mul3A_28 = arith.constant 640 : i32
    %mul3A_29 = arith.muli %arg1, %mul3A_28 : i32
    %add3A_30 = arith.constant 384 : i32
    %add3A_31 = arith.addi %mul3A_29, %add3A_30 : i32
    "tpu.region"() ({
      %run_scoped3A = tpu.sem_alloc : memref<!tpu.dma_semaphore, #tpu.memory_space<semaphore_mem>>
      %dma_start3A = arith.constant 0 : i32
      %dma_start3A_59 = tpu.memref_slice %arg6[%add3A_31, %dma_start3A] : memref<10240x16xf32, #tpu.memory_space<vmem_shared>> -> memref<128x16xf32, #tpu.memory_space<vmem_shared>>
      %dma_start3A_60 = arith.constant 0 : i32
      %dma_start3A_61 = tpu.memref_slice %arg6[%add3A_31, %dma_start3A_60] : memref<10240x16xf32, #tpu.memory_space<vmem_shared>> -> memref<128x16xf32, #tpu.memory_space<vmem_shared>>
      tpu.enqueue_dma source(%arg5 : memref<128x16xf32, #tpu.memory_space<vmem>>) target(%dma_start3A_61 : memref<128x16xf32, #tpu.memory_space<vmem_shared>>) target_semaphore(%run_scoped3A : memref<!tpu.dma_semaphore, #tpu.memory_space<semaphore_mem>>)
      %dma_wait3A = arith.constant 0 : i32
      %dma_wait3A_62 = tpu.memref_slice %arg6[%add3A_31, %dma_wait3A] : memref<10240x16xf32, #tpu.memory_space<vmem_shared>> -> memref<128x16xf32, #tpu.memory_space<vmem_shared>>
      %dma_wait3A_63 = arith.constant 0 : i32
      %dma_wait3A_64 = tpu.memref_slice %arg6[%add3A_31, %dma_wait3A_63] : memref<10240x16xf32, #tpu.memory_space<vmem_shared>> -> memref<128x16xf32, #tpu.memory_space<vmem_shared>>
      tpu.wait_dma2 semaphore(%run_scoped3A : memref<!tpu.dma_semaphore, #tpu.memory_space<semaphore_mem>>) src(%arg5 : memref<128x16xf32, #tpu.memory_space<vmem>>) dst(%dma_wait3A_64 : memref<128x16xf32, #tpu.memory_space<vmem_shared>>)
      tpu.yield
    }) : () -> ()
    %mul3A_32 = arith.constant 640 : i32
    %mul3A_33 = arith.muli %arg1, %mul3A_32 : i32
    %add3A_34 = arith.constant 512 : i32
    %add3A_35 = arith.addi %mul3A_33, %add3A_34 : i32
    "tpu.region"() ({
      %run_scoped3A = tpu.sem_alloc : memref<!tpu.dma_semaphore, #tpu.memory_space<semaphore_mem>>
      %dma_start3A = arith.constant 0 : i32
      %dma_start3A_59 = tpu.memref_slice %arg6[%add3A_35, %dma_start3A] : memref<10240x16xf32, #tpu.memory_space<vmem_shared>> -> memref<128x16xf32, #tpu.memory_space<vmem_shared>>
      %dma_start3A_60 = arith.constant 0 : i32
      %dma_start3A_61 = tpu.memref_slice %arg6[%add3A_35, %dma_start3A_60] : memref<10240x16xf32, #tpu.memory_space<vmem_shared>> -> memref<128x16xf32, #tpu.memory_space<vmem_shared>>
      tpu.enqueue_dma source(%arg5 : memref<128x16xf32, #tpu.memory_space<vmem>>) target(%dma_start3A_61 : memref<128x16xf32, #tpu.memory_space<vmem_shared>>) target_semaphore(%run_scoped3A : memref<!tpu.dma_semaphore, #tpu.memory_space<semaphore_mem>>)
      %dma_wait3A = arith.constant 0 : i32
      %dma_wait3A_62 = tpu.memref_slice %arg6[%add3A_35, %dma_wait3A] : memref<10240x16xf32, #tpu.memory_space<vmem_shared>> -> memref<128x16xf32, #tpu.memory_space<vmem_shared>>
      %dma_wait3A_63 = arith.constant 0 : i32
      %dma_wait3A_64 = tpu.memref_slice %arg6[%add3A_35, %dma_wait3A_63] : memref<10240x16xf32, #tpu.memory_space<vmem_shared>> -> memref<128x16xf32, #tpu.memory_space<vmem_shared>>
      tpu.wait_dma2 semaphore(%run_scoped3A : memref<!tpu.dma_semaphore, #tpu.memory_space<semaphore_mem>>) src(%arg5 : memref<128x16xf32, #tpu.memory_space<vmem>>) dst(%dma_wait3A_64 : memref<128x16xf32, #tpu.memory_space<vmem_shared>>)
      tpu.yield
    }) : () -> ()
    %scan3A_36 = arith.constant 0 : i32
    %scan3A_37 = arith.constant 0 : i32
    %scan3A_38 = arith.constant 128 : i32
    %scan3A_39 = arith.addi %scan3A_37, %scan3A_38 : i32
    %scan3A_40 = arith.constant 1 : i32
    %scan3A_41 = scf.for %scan3A_59 = %scan3A_37 to %scan3A_39 step %scan3A_40 iter_args(%scan3A_60 = %scan3A_36) -> (i32)  : i32 {
      %broadcast_in_dim3A = arith.constant 1.000000e+00 : f32
      %broadcast_in_dim3A_61 = vector.broadcast %broadcast_in_dim3A : f32 to vector<16xf32>
      %swap3A = arith.index_cast %scan3A_59 : i32 to index
      %swap3A_62 = arith.constant 0 : index
      %swap3A_63 = tpu.vector_load %arg5[%swap3A, %swap3A_62] {strides = array<i32>} : memref<128x16xf32, #tpu.memory_space<vmem>>, vector<1x16xf32>,
      %swap3A_64 = vector.shape_cast %swap3A_63 : vector<1x16xf32> to vector<16xf32>
      %swap3A_65 = vector.shape_cast %broadcast_in_dim3A_61 : vector<16xf32> to vector<1x16xf32>
      tpu.vector_store %arg5[%swap3A, %swap3A_62], %swap3A_65 {strides = array<i32>} : memref<128x16xf32, #tpu.memory_space<vmem>>, vector<1x16xf32>,
      %scan3A_66 = arith.constant 0 : i32
      scf.yield %scan3A_66 : i32
    }
    %scan3A_42 = arith.constant 128 : i32
    %barrier3A = arith.constant 0 : index
    tpu.barrier barrier_id(%barrier3A)
    %while3A = arith.constant 0 : i32
    %while3A_43 = arith.constant 0 : i32
    %while3A_44 = arith.subi %select_n3A, %while3A : i32
    %while3A_45 = arith.addi %while3A, %while3A_44 : i32
    %while3A_46 = arith.constant 1 : i32
    %while3A_47 = arith.divsi %while3A_44, %while3A_46 : i32
    %while3A_48 = arith.muli %while3A_47, %while3A_46 : i32
    %while3A_49 = arith.addi %while3A, %while3A_48 : i32
    %while3A_50 = arith.constant 1 : i32
    %while3A_51 = scf.for %while3A_59 = %while3A to %while3A_49 step %while3A_50 iter_args(%while3A_60 = %while3A_43) -> (i32)  : i32 {
      "tpu.region"() ({
        %run_scoped3A = tpu.sem_alloc : memref<!tpu.dma_semaphore, #tpu.memory_space<semaphore_mem>>
        %dma_start3A = arith.constant 0 : i32
        %dma_start3A_62 = tpu.memref_slice %arg4[%while3A_59, %dma_start3A] : memref<79x128xi32, #tpu.memory_space<vmem>> -> memref<1x128xi32, #tpu.memory_space<vmem>>
        %dma_start3A_63 = tpu.memref_squeeze %dma_start3A_62 : memref<1x128xi32, #tpu.memory_space<vmem>> -> memref<128xi32, #tpu.memory_space<vmem>>
        %dma_start3A_64 = arith.constant 0 : i32
        %dma_start3A_65 = arith.constant 0 : i32
        %dma_start3A_66 = tpu.memref_slice %arg6[%dma_start3A_64, %dma_start3A_65] : memref<10240x16xf32, #tpu.memory_space<vmem_shared>> -> memref<10240x16xf32, #tpu.memory_space<vmem_shared>>
        tpu.enqueue_indirect_dma source(%arg5 : memref<128x16xf32, #tpu.memory_space<vmem>>) target(%dma_start3A_66 : memref<10240x16xf32, #tpu.memory_space<vmem_shared>>) offsets(%dma_start3A_63 : memref<128xi32, #tpu.memory_space<vmem>>) semaphore(%run_scoped3A : memref<!tpu.dma_semaphore, #tpu.memory_space<semaphore_mem>>) {add = true}
        %dma_wait3A = arith.constant 0 : i32
        %dma_wait3A_67 = tpu.memref_slice %arg4[%while3A_59, %dma_wait3A] : memref<79x128xi32, #tpu.memory_space<vmem>> -> memref<1x128xi32, #tpu.memory_space<vmem>>
        %dma_wait3A_68 = tpu.memref_squeeze %dma_wait3A_67 : memref<1x128xi32, #tpu.memory_space<vmem>> -> memref<128xi32, #tpu.memory_space<vmem>>
        %dma_wait3A_69 = arith.constant 0 : i32
        %dma_wait3A_70 = arith.constant 0 : i32
        %dma_wait3A_71 = tpu.memref_slice %arg6[%dma_wait3A_69, %dma_wait3A_70] : memref<10240x16xf32, #tpu.memory_space<vmem_shared>> -> memref<10240x16xf32, #tpu.memory_space<vmem_shared>>
        tpu.wait_indirect_dma semaphore(%run_scoped3A : memref<!tpu.dma_semaphore, #tpu.memory_space<semaphore_mem>>) src(%arg5 : memref<128x16xf32, #tpu.memory_space<vmem>>) dst(%dma_wait3A_71 : memref<10240x16xf32, #tpu.memory_space<vmem_shared>>)
        tpu.yield
      }) : () -> ()
      %while3A_61 = arith.constant 0 : i32
      scf.yield %while3A_61 : i32
    }
    %while3A_52 = arith.constant 1 : i32
    %while3A_53 = scf.for %while3A_59 = %while3A_49 to %while3A_45 step %while3A_52 iter_args(%while3A_60 = %while3A_51) -> (i32)  : i32 {
      "tpu.region"() ({
        %run_scoped3A = tpu.sem_alloc : memref<!tpu.dma_semaphore, #tpu.memory_space<semaphore_mem>>
        %dma_start3A = arith.constant 0 : i32
        %dma_start3A_62 = tpu.memref_slice %arg4[%while3A_59, %dma_start3A] : memref<79x128xi32, #tpu.memory_space<vmem>> -> memref<1x128xi32, #tpu.memory_space<vmem>>
        %dma_start3A_63 = tpu.memref_squeeze %dma_start3A_62 : memref<1x128xi32, #tpu.memory_space<vmem>> -> memref<128xi32, #tpu.memory_space<vmem>>
        %dma_start3A_64 = arith.constant 0 : i32
        %dma_start3A_65 = arith.constant 0 : i32
        %dma_start3A_66 = tpu.memref_slice %arg6[%dma_start3A_64, %dma_start3A_65] : memref<10240x16xf32, #tpu.memory_space<vmem_shared>> -> memref<10240x16xf32, #tpu.memory_space<vmem_shared>>
        tpu.enqueue_indirect_dma source(%arg5 : memref<128x16xf32, #tpu.memory_space<vmem>>) target(%dma_start3A_66 : memref<10240x16xf32, #tpu.memory_space<vmem_shared>>) offsets(%dma_start3A_63 : memref<128xi32, #tpu.memory_space<vmem>>) semaphore(%run_scoped3A : memref<!tpu.dma_semaphore, #tpu.memory_space<semaphore_mem>>) {add = true}
        %dma_wait3A = arith.constant 0 : i32
        %dma_wait3A_67 = tpu.memref_slice %arg4[%while3A_59, %dma_wait3A] : memref<79x128xi32, #tpu.memory_space<vmem>> -> memref<1x128xi32, #tpu.memory_space<vmem>>
        %dma_wait3A_68 = tpu.memref_squeeze %dma_wait3A_67 : memref<1x128xi32, #tpu.memory_space<vmem>> -> memref<128xi32, #tpu.memory_space<vmem>>
        %dma_wait3A_69 = arith.constant 0 : i32
        %dma_wait3A_70 = arith.constant 0 : i32
        %dma_wait3A_71 = tpu.memref_slice %arg6[%dma_wait3A_69, %dma_wait3A_70] : memref<10240x16xf32, #tpu.memory_space<vmem_shared>> -> memref<10240x16xf32, #tpu.memory_space<vmem_shared>>
        tpu.wait_indirect_dma semaphore(%run_scoped3A : memref<!tpu.dma_semaphore, #tpu.memory_space<semaphore_mem>>) src(%arg5 : memref<128x16xf32, #tpu.memory_space<vmem>>) dst(%dma_wait3A_71 : memref<10240x16xf32, #tpu.memory_space<vmem_shared>>)
        tpu.yield
      }) : () -> ()
      %while3A_61 = arith.constant 0 : i32
      scf.yield %while3A_61 : i32
    }
    %barrier3A_54 = arith.constant 0 : index
    tpu.barrier barrier_id(%barrier3A_54)
    %mul3A_55 = arith.constant 640 : i32
    %mul3A_56 = arith.muli %arg1, %mul3A_55 : i32
    %mul3A_57 = arith.constant 640 : i32
    %mul3A_58 = arith.muli %arg1, %mul3A_57 : i32
    "tpu.region"() ({
      %run_scoped3A = tpu.sem_alloc : memref<!tpu.dma_semaphore, #tpu.memory_space<semaphore_mem>>
      %dma_start3A = arith.constant 0 : i32
      %dma_start3A_59 = tpu.memref_slice %arg3[%arg0, %mul3A_58, %dma_start3A] : memref<2x10240x16xf32, #tpu.memory_space<hbm>> -> memref<1x640x16xf32, #tpu.memory_space<hbm>>
      %dma_start3A_60 = tpu.memref_squeeze %dma_start3A_59 : memref<1x640x16xf32, #tpu.memory_space<hbm>> -> memref<640x16xf32, #tpu.memory_space<hbm>>
      %dma_start3A_61 = arith.constant 0 : i32
      %dma_start3A_62 = tpu.memref_slice %arg6[%mul3A_56, %dma_start3A_61] : memref<10240x16xf32, #tpu.memory_space<vmem_shared>> -> memref<640x16xf32, #tpu.memory_space<vmem_shared>>
      tpu.enqueue_dma source(%dma_start3A_62 : memref<640x16xf32, #tpu.memory_space<vmem_shared>>) target(%dma_start3A_60 : memref<640x16xf32, #tpu.memory_space<hbm>>) target_semaphore(%run_scoped3A : memref<!tpu.dma_semaphore, #tpu.memory_space<semaphore_mem>>)
      %dma_wait3A = arith.constant 0 : i32
      %dma_wait3A_63 = tpu.memref_slice %arg3[%arg0, %mul3A_58, %dma_wait3A] : memref<2x10240x16xf32, #tpu.memory_space<hbm>> -> memref<1x640x16xf32, #tpu.memory_space<hbm>>
      %dma_wait3A_64 = tpu.memref_squeeze %dma_wait3A_63 : memref<1x640x16xf32, #tpu.memory_space<hbm>> -> memref<640x16xf32, #tpu.memory_space<hbm>>
      %dma_wait3A_65 = arith.constant 0 : i32
      %dma_wait3A_66 = tpu.memref_slice %arg6[%mul3A_56, %dma_wait3A_65] : memref<10240x16xf32, #tpu.memory_space<vmem_shared>> -> memref<640x16xf32, #tpu.memory_space<vmem_shared>>
      tpu.wait_dma2 semaphore(%run_scoped3A : memref<!tpu.dma_semaphore, #tpu.memory_space<semaphore_mem>>) src(%dma_wait3A_66 : memref<640x16xf32, #tpu.memory_space<vmem_shared>>) dst(%dma_wait3A_64 : memref<640x16xf32, #tpu.memory_space<hbm>>)
      tpu.yield
    }) : () -> ()
    return
  }
}

#map = affine_map<(d0, d1) -> (0, 0)>
#map1 = affine_map<(d0, d1) -> (0, 0, 0)>
module attributes {stable_mosaic.version = 14 : i64} {
  func.func @_prop_body(%arg0: i32, %arg1: i32, %arg2: memref<10000x16xf32, #tpu.memory_space<hbm>>, %arg3: memref<2x2500x128xi32, #tpu.memory_space<hbm>>, %arg4: memref<2x10240x16xf32, #tpu.memory_space<hbm>>, %arg5: memref<79x128xi32, #tpu.memory_space<vmem>>, %arg6: memref<79x128xi32, #tpu.memory_space<vmem>>, %arg7: memref<3x128x16xf32, #tpu.memory_space<vmem>>, %arg8: memref<10000x16xf32, #tpu.memory_space<vmem_shared>>, %arg9: memref<10240x16xf32, #tpu.memory_space<vmem_shared>>, %arg10: memref<3x!tpu.dma_semaphore, #tpu.memory_space<semaphore_mem>>, %arg11: memref<3x!tpu.dma_semaphore, #tpu.memory_space<semaphore_mem>>) attributes {dimension_semantics = [#tpu.dimension_semantics<core_parallel>, #tpu.dimension_semantics<subcore_parallel>], iteration_bounds = array<i64: 2, 16>, scalar_prefetch = 0 : i64, scratch_operands = 7 : i64, tpu.core_type = #tpu.core_type<sc_vector_subcore>, window_params = [{transform_indices = #map}, {transform_indices = #map1}, {transform_indices = #map1}]} {
    %mul3A = arith.constant 16 : i32
    %mul3A_0 = arith.muli %arg0, %mul3A : i32
    %add3A = arith.addi %mul3A_0, %arg1 : i32
    %eq3A = arith.constant 31 : i32
    %eq3A_1 = arith.cmpi eq, %add3A, %eq3A : i32
    %jit3A = arith.constant 51 : i32
    %jit3A_2 = arith.constant 79 : i32
    %select_n3A = arith.select %eq3A_1, %jit3A, %jit3A_2 : i32
    %scan3A = arith.constant 0 : i32
    %scan3A_3 = arith.constant 0 : i32
    %scan3A_4 = arith.constant 0 : i32
    %scan3A_5 = arith.constant 128 : i32
    %scan3A_6 = arith.addi %scan3A_4, %scan3A_5 : i32
    %scan3A_7 = arith.constant 1 : i32
    %scan3A_8 = scf.for %scan3A_144 = %scan3A_4 to %scan3A_6 step %scan3A_7 iter_args(%scan3A_145 = %scan3A_3) -> (i32)  : i32 {
      %broadcast_in_dim3A = arith.constant 0.000000e+00 : f32
      %broadcast_in_dim3A_146 = vector.broadcast %broadcast_in_dim3A : f32 to vector<16xf32>
      %swap3A = arith.constant 0 : i32
      %swap3A_147 = arith.constant 0 : i32
      %swap3A_148 = tpu.memref_slice %arg7[%scan3A, %swap3A, %swap3A_147] : memref<3x128x16xf32, #tpu.memory_space<vmem>> -> memref<1x128x16xf32, #tpu.memory_space<vmem>>
      %swap3A_149 = tpu.memref_squeeze %swap3A_148 : memref<1x128x16xf32, #tpu.memory_space<vmem>> -> memref<128x16xf32, #tpu.memory_space<vmem>>
      %swap3A_150 = arith.index_cast %scan3A_144 : i32 to index
      %swap3A_151 = arith.constant 0 : index
      %swap3A_152 = tpu.vector_load %swap3A_149[%swap3A_150, %swap3A_151] {strides = array<i32>} : memref<128x16xf32, #tpu.memory_space<vmem>>, vector<1x16xf32>,
      %swap3A_153 = vector.shape_cast %swap3A_152 : vector<1x16xf32> to vector<16xf32>
      %swap3A_154 = vector.shape_cast %broadcast_in_dim3A_146 : vector<16xf32> to vector<1x16xf32>
      tpu.vector_store %swap3A_149[%swap3A_150, %swap3A_151], %swap3A_154 {strides = array<i32>} : memref<128x16xf32, #tpu.memory_space<vmem>>, vector<1x16xf32>,
      %scan3A_155 = arith.constant 0 : i32
      scf.yield %scan3A_155 : i32
    }
    %scan3A_9 = arith.constant 128 : i32
    %lt3A = arith.constant 31 : i32
    %lt3A_10 = arith.cmpi slt, %add3A, %lt3A : i32
    %convert_element_type3A = arith.extui %lt3A_10 : i1 to i32
    %cond3A = arith.constant 0 : i32
    %cond3A_11 = arith.cmpi ne, %convert_element_type3A, %cond3A : i32
    scf.if %cond3A_11 {
      %mul3A_144 = arith.constant 79 : i32
      %mul3A_145 = arith.muli %add3A, %mul3A_144 : i32
      %run_scoped3A_146 = arith.constant 0 : i32
      "tpu.region"() ({
        %run_scoped3A_147 = tpu.sem_alloc : memref<!tpu.dma_semaphore, #tpu.memory_space<semaphore_mem>>
        %dma_start3A_148 = arith.constant 0 : i32
        %dma_start3A_149 = tpu.memref_slice %arg3[%run_scoped3A_146, %mul3A_145, %dma_start3A_148] : memref<2x2500x128xi32, #tpu.memory_space<hbm>> -> memref<1x79x128xi32, #tpu.memory_space<hbm>>
        %dma_start3A_150 = tpu.memref_squeeze %dma_start3A_149 : memref<1x79x128xi32, #tpu.memory_space<hbm>> -> memref<79x128xi32, #tpu.memory_space<hbm>>
        %dma_start3A_151 = arith.constant 0 : i32
        %dma_start3A_152 = tpu.memref_slice %arg3[%run_scoped3A_146, %mul3A_145, %dma_start3A_151] : memref<2x2500x128xi32, #tpu.memory_space<hbm>> -> memref<1x79x128xi32, #tpu.memory_space<hbm>>
        %dma_start3A_153 = tpu.memref_squeeze %dma_start3A_152 : memref<1x79x128xi32, #tpu.memory_space<hbm>> -> memref<79x128xi32, #tpu.memory_space<hbm>>
        tpu.enqueue_dma source(%dma_start3A_153 : memref<79x128xi32, #tpu.memory_space<hbm>>) target(%arg5 : memref<79x128xi32, #tpu.memory_space<vmem>>) target_semaphore(%run_scoped3A_147 : memref<!tpu.dma_semaphore, #tpu.memory_space<semaphore_mem>>)
        %dma_wait3A_154 = arith.constant 0 : i32
        %dma_wait3A_155 = tpu.memref_slice %arg3[%run_scoped3A_146, %mul3A_145, %dma_wait3A_154] : memref<2x2500x128xi32, #tpu.memory_space<hbm>> -> memref<1x79x128xi32, #tpu.memory_space<hbm>>
        %dma_wait3A_156 = tpu.memref_squeeze %dma_wait3A_155 : memref<1x79x128xi32, #tpu.memory_space<hbm>> -> memref<79x128xi32, #tpu.memory_space<hbm>>
        %dma_wait3A_157 = arith.constant 0 : i32
        %dma_wait3A_158 = tpu.memref_slice %arg3[%run_scoped3A_146, %mul3A_145, %dma_wait3A_157] : memref<2x2500x128xi32, #tpu.memory_space<hbm>> -> memref<1x79x128xi32, #tpu.memory_space<hbm>>
        %dma_wait3A_159 = tpu.memref_squeeze %dma_wait3A_158 : memref<1x79x128xi32, #tpu.memory_space<hbm>> -> memref<79x128xi32, #tpu.memory_space<hbm>>
        tpu.wait_dma2 semaphore(%run_scoped3A_147 : memref<!tpu.dma_semaphore, #tpu.memory_space<semaphore_mem>>) src(%dma_wait3A_159 : memref<79x128xi32, #tpu.memory_space<hbm>>) dst(%arg5 : memref<79x128xi32, #tpu.memory_space<vmem>>)
        tpu.yield
      }) : () -> ()
    } else {
    }
    %eq3A_12 = arith.constant 31 : i32
    %eq3A_13 = arith.cmpi eq, %add3A, %eq3A_12 : i32
    %convert_element_type3A_14 = arith.extui %eq3A_13 : i1 to i32
    %cond3A_15 = arith.constant 0 : i32
    %cond3A_16 = arith.cmpi ne, %convert_element_type3A_14, %cond3A_15 : i32
    scf.if %cond3A_16 {
      %mul3A_144 = arith.constant 79 : i32
      %mul3A_145 = arith.muli %add3A, %mul3A_144 : i32
      %run_scoped3A_146 = arith.constant 0 : i32
      "tpu.region"() ({
        %run_scoped3A_147 = tpu.sem_alloc : memref<!tpu.dma_semaphore, #tpu.memory_space<semaphore_mem>>
        %dma_start3A_148 = arith.constant 0 : i32
        %dma_start3A_149 = arith.constant 0 : i32
        %dma_start3A_150 = tpu.memref_slice %arg5[%dma_start3A_148, %dma_start3A_149] : memref<79x128xi32, #tpu.memory_space<vmem>> -> memref<51x128xi32, #tpu.memory_space<vmem>>
        %dma_start3A_151 = arith.constant 0 : i32
        %dma_start3A_152 = tpu.memref_slice %arg3[%run_scoped3A_146, %mul3A_145, %dma_start3A_151] : memref<2x2500x128xi32, #tpu.memory_space<hbm>> -> memref<1x51x128xi32, #tpu.memory_space<hbm>>
        %dma_start3A_153 = tpu.memref_squeeze %dma_start3A_152 : memref<1x51x128xi32, #tpu.memory_space<hbm>> -> memref<51x128xi32, #tpu.memory_space<hbm>>
        %dma_start3A_154 = arith.constant 0 : i32
        %dma_start3A_155 = arith.constant 0 : i32
        %dma_start3A_156 = tpu.memref_slice %arg5[%dma_start3A_154, %dma_start3A_155] : memref<79x128xi32, #tpu.memory_space<vmem>> -> memref<51x128xi32, #tpu.memory_space<vmem>>
        %dma_start3A_157 = arith.constant 0 : i32
        %dma_start3A_158 = tpu.memref_slice %arg3[%run_scoped3A_146, %mul3A_145, %dma_start3A_157] : memref<2x2500x128xi32, #tpu.memory_space<hbm>> -> memref<1x51x128xi32, #tpu.memory_space<hbm>>
        %dma_start3A_159 = tpu.memref_squeeze %dma_start3A_158 : memref<1x51x128xi32, #tpu.memory_space<hbm>> -> memref<51x128xi32, #tpu.memory_space<hbm>>
        tpu.enqueue_dma source(%dma_start3A_159 : memref<51x128xi32, #tpu.memory_space<hbm>>) target(%dma_start3A_156 : memref<51x128xi32, #tpu.memory_space<vmem>>) target_semaphore(%run_scoped3A_147 : memref<!tpu.dma_semaphore, #tpu.memory_space<semaphore_mem>>)
        %dma_wait3A_160 = arith.constant 0 : i32
        %dma_wait3A_161 = arith.constant 0 : i32
        %dma_wait3A_162 = tpu.memref_slice %arg5[%dma_wait3A_160, %dma_wait3A_161] : memref<79x128xi32, #tpu.memory_space<vmem>> -> memref<51x128xi32, #tpu.memory_space<vmem>>
        %dma_wait3A_163 = arith.constant 0 : i32
        %dma_wait3A_164 = tpu.memref_slice %arg3[%run_scoped3A_146, %mul3A_145, %dma_wait3A_163] : memref<2x2500x128xi32, #tpu.memory_space<hbm>> -> memref<1x51x128xi32, #tpu.memory_space<hbm>>
        %dma_wait3A_165 = tpu.memref_squeeze %dma_wait3A_164 : memref<1x51x128xi32, #tpu.memory_space<hbm>> -> memref<51x128xi32, #tpu.memory_space<hbm>>
        %dma_wait3A_166 = arith.constant 0 : i32
        %dma_wait3A_167 = arith.constant 0 : i32
        %dma_wait3A_168 = tpu.memref_slice %arg5[%dma_wait3A_166, %dma_wait3A_167] : memref<79x128xi32, #tpu.memory_space<vmem>> -> memref<51x128xi32, #tpu.memory_space<vmem>>
        %dma_wait3A_169 = arith.constant 0 : i32
        %dma_wait3A_170 = tpu.memref_slice %arg3[%run_scoped3A_146, %mul3A_145, %dma_wait3A_169] : memref<2x2500x128xi32, #tpu.memory_space<hbm>> -> memref<1x51x128xi32, #tpu.memory_space<hbm>>
        %dma_wait3A_171 = tpu.memref_squeeze %dma_wait3A_170 : memref<1x51x128xi32, #tpu.memory_space<hbm>> -> memref<51x128xi32, #tpu.memory_space<hbm>>
        tpu.wait_dma2 semaphore(%run_scoped3A_147 : memref<!tpu.dma_semaphore, #tpu.memory_space<semaphore_mem>>) src(%dma_wait3A_171 : memref<51x128xi32, #tpu.memory_space<hbm>>) dst(%dma_wait3A_168 : memref<51x128xi32, #tpu.memory_space<vmem>>)
        tpu.yield
      }) : () -> ()
    } else {
    }
    %lt3A_17 = arith.constant 31 : i32
    %lt3A_18 = arith.cmpi slt, %add3A, %lt3A_17 : i32
    %convert_element_type3A_19 = arith.extui %lt3A_18 : i1 to i32
    %cond3A_20 = arith.constant 0 : i32
    %cond3A_21 = arith.cmpi ne, %convert_element_type3A_19, %cond3A_20 : i32
    scf.if %cond3A_21 {
      %mul3A_144 = arith.constant 79 : i32
      %mul3A_145 = arith.muli %add3A, %mul3A_144 : i32
      %run_scoped3A_146 = arith.constant 1 : i32
      "tpu.region"() ({
        %run_scoped3A_147 = tpu.sem_alloc : memref<!tpu.dma_semaphore, #tpu.memory_space<semaphore_mem>>
        %dma_start3A_148 = arith.constant 0 : i32
        %dma_start3A_149 = tpu.memref_slice %arg3[%run_scoped3A_146, %mul3A_145, %dma_start3A_148] : memref<2x2500x128xi32, #tpu.memory_space<hbm>> -> memref<1x79x128xi32, #tpu.memory_space<hbm>>
        %dma_start3A_150 = tpu.memref_squeeze %dma_start3A_149 : memref<1x79x128xi32, #tpu.memory_space<hbm>> -> memref<79x128xi32, #tpu.memory_space<hbm>>
        %dma_start3A_151 = arith.constant 0 : i32
        %dma_start3A_152 = tpu.memref_slice %arg3[%run_scoped3A_146, %mul3A_145, %dma_start3A_151] : memref<2x2500x128xi32, #tpu.memory_space<hbm>> -> memref<1x79x128xi32, #tpu.memory_space<hbm>>
        %dma_start3A_153 = tpu.memref_squeeze %dma_start3A_152 : memref<1x79x128xi32, #tpu.memory_space<hbm>> -> memref<79x128xi32, #tpu.memory_space<hbm>>
        tpu.enqueue_dma source(%dma_start3A_153 : memref<79x128xi32, #tpu.memory_space<hbm>>) target(%arg6 : memref<79x128xi32, #tpu.memory_space<vmem>>) target_semaphore(%run_scoped3A_147 : memref<!tpu.dma_semaphore, #tpu.memory_space<semaphore_mem>>)
        %dma_wait3A_154 = arith.constant 0 : i32
        %dma_wait3A_155 = tpu.memref_slice %arg3[%run_scoped3A_146, %mul3A_145, %dma_wait3A_154] : memref<2x2500x128xi32, #tpu.memory_space<hbm>> -> memref<1x79x128xi32, #tpu.memory_space<hbm>>
        %dma_wait3A_156 = tpu.memref_squeeze %dma_wait3A_155 : memref<1x79x128xi32, #tpu.memory_space<hbm>> -> memref<79x128xi32, #tpu.memory_space<hbm>>
        %dma_wait3A_157 = arith.constant 0 : i32
        %dma_wait3A_158 = tpu.memref_slice %arg3[%run_scoped3A_146, %mul3A_145, %dma_wait3A_157] : memref<2x2500x128xi32, #tpu.memory_space<hbm>> -> memref<1x79x128xi32, #tpu.memory_space<hbm>>
        %dma_wait3A_159 = tpu.memref_squeeze %dma_wait3A_158 : memref<1x79x128xi32, #tpu.memory_space<hbm>> -> memref<79x128xi32, #tpu.memory_space<hbm>>
        tpu.wait_dma2 semaphore(%run_scoped3A_147 : memref<!tpu.dma_semaphore, #tpu.memory_space<semaphore_mem>>) src(%dma_wait3A_159 : memref<79x128xi32, #tpu.memory_space<hbm>>) dst(%arg6 : memref<79x128xi32, #tpu.memory_space<vmem>>)
        tpu.yield
      }) : () -> ()
    } else {
    }
    %eq3A_22 = arith.constant 31 : i32
    %eq3A_23 = arith.cmpi eq, %add3A, %eq3A_22 : i32
    %convert_element_type3A_24 = arith.extui %eq3A_23 : i1 to i32
    %cond3A_25 = arith.constant 0 : i32
    %cond3A_26 = arith.cmpi ne, %convert_element_type3A_24, %cond3A_25 : i32
    scf.if %cond3A_26 {
      %mul3A_144 = arith.constant 79 : i32
      %mul3A_145 = arith.muli %add3A, %mul3A_144 : i32
      %run_scoped3A_146 = arith.constant 1 : i32
      "tpu.region"() ({
        %run_scoped3A_147 = tpu.sem_alloc : memref<!tpu.dma_semaphore, #tpu.memory_space<semaphore_mem>>
        %dma_start3A_148 = arith.constant 0 : i32
        %dma_start3A_149 = arith.constant 0 : i32
        %dma_start3A_150 = tpu.memref_slice %arg6[%dma_start3A_148, %dma_start3A_149] : memref<79x128xi32, #tpu.memory_space<vmem>> -> memref<51x128xi32, #tpu.memory_space<vmem>>
        %dma_start3A_151 = arith.constant 0 : i32
        %dma_start3A_152 = tpu.memref_slice %arg3[%run_scoped3A_146, %mul3A_145, %dma_start3A_151] : memref<2x2500x128xi32, #tpu.memory_space<hbm>> -> memref<1x51x128xi32, #tpu.memory_space<hbm>>
        %dma_start3A_153 = tpu.memref_squeeze %dma_start3A_152 : memref<1x51x128xi32, #tpu.memory_space<hbm>> -> memref<51x128xi32, #tpu.memory_space<hbm>>
        %dma_start3A_154 = arith.constant 0 : i32
        %dma_start3A_155 = arith.constant 0 : i32
        %dma_start3A_156 = tpu.memref_slice %arg6[%dma_start3A_154, %dma_start3A_155] : memref<79x128xi32, #tpu.memory_space<vmem>> -> memref<51x128xi32, #tpu.memory_space<vmem>>
        %dma_start3A_157 = arith.constant 0 : i32
        %dma_start3A_158 = tpu.memref_slice %arg3[%run_scoped3A_146, %mul3A_145, %dma_start3A_157] : memref<2x2500x128xi32, #tpu.memory_space<hbm>> -> memref<1x51x128xi32, #tpu.memory_space<hbm>>
        %dma_start3A_159 = tpu.memref_squeeze %dma_start3A_158 : memref<1x51x128xi32, #tpu.memory_space<hbm>> -> memref<51x128xi32, #tpu.memory_space<hbm>>
        tpu.enqueue_dma source(%dma_start3A_159 : memref<51x128xi32, #tpu.memory_space<hbm>>) target(%dma_start3A_156 : memref<51x128xi32, #tpu.memory_space<vmem>>) target_semaphore(%run_scoped3A_147 : memref<!tpu.dma_semaphore, #tpu.memory_space<semaphore_mem>>)
        %dma_wait3A_160 = arith.constant 0 : i32
        %dma_wait3A_161 = arith.constant 0 : i32
        %dma_wait3A_162 = tpu.memref_slice %arg6[%dma_wait3A_160, %dma_wait3A_161] : memref<79x128xi32, #tpu.memory_space<vmem>> -> memref<51x128xi32, #tpu.memory_space<vmem>>
        %dma_wait3A_163 = arith.constant 0 : i32
        %dma_wait3A_164 = tpu.memref_slice %arg3[%run_scoped3A_146, %mul3A_145, %dma_wait3A_163] : memref<2x2500x128xi32, #tpu.memory_space<hbm>> -> memref<1x51x128xi32, #tpu.memory_space<hbm>>
        %dma_wait3A_165 = tpu.memref_squeeze %dma_wait3A_164 : memref<1x51x128xi32, #tpu.memory_space<hbm>> -> memref<51x128xi32, #tpu.memory_space<hbm>>
        %dma_wait3A_166 = arith.constant 0 : i32
        %dma_wait3A_167 = arith.constant 0 : i32
        %dma_wait3A_168 = tpu.memref_slice %arg6[%dma_wait3A_166, %dma_wait3A_167] : memref<79x128xi32, #tpu.memory_space<vmem>> -> memref<51x128xi32, #tpu.memory_space<vmem>>
        %dma_wait3A_169 = arith.constant 0 : i32
        %dma_wait3A_170 = tpu.memref_slice %arg3[%run_scoped3A_146, %mul3A_145, %dma_wait3A_169] : memref<2x2500x128xi32, #tpu.memory_space<hbm>> -> memref<1x51x128xi32, #tpu.memory_space<hbm>>
        %dma_wait3A_171 = tpu.memref_squeeze %dma_wait3A_170 : memref<1x51x128xi32, #tpu.memory_space<hbm>> -> memref<51x128xi32, #tpu.memory_space<hbm>>
        tpu.wait_dma2 semaphore(%run_scoped3A_147 : memref<!tpu.dma_semaphore, #tpu.memory_space<semaphore_mem>>) src(%dma_wait3A_171 : memref<51x128xi32, #tpu.memory_space<hbm>>) dst(%dma_wait3A_168 : memref<51x128xi32, #tpu.memory_space<vmem>>)
        tpu.yield
      }) : () -> ()
    } else {
    }
    %mul3A_27 = arith.constant 625 : i32
    %mul3A_28 = arith.muli %arg1, %mul3A_27 : i32
    %mul3A_29 = arith.constant 625 : i32
    %mul3A_30 = arith.muli %arg1, %mul3A_29 : i32
    "tpu.region"() ({
      %run_scoped3A_144 = tpu.sem_alloc : memref<!tpu.dma_semaphore, #tpu.memory_space<semaphore_mem>>
      %dma_start3A_145 = arith.constant 0 : i32
      %dma_start3A_146 = tpu.memref_slice %arg8[%mul3A_30, %dma_start3A_145] : memref<10000x16xf32, #tpu.memory_space<vmem_shared>> -> memref<625x16xf32, #tpu.memory_space<vmem_shared>>
      %dma_start3A_147 = arith.constant 0 : i32
      %dma_start3A_148 = tpu.memref_slice %arg2[%mul3A_28, %dma_start3A_147] : memref<10000x16xf32, #tpu.memory_space<hbm>> -> memref<625x16xf32, #tpu.memory_space<hbm>>
      tpu.enqueue_dma source(%dma_start3A_148 : memref<625x16xf32, #tpu.memory_space<hbm>>) target(%dma_start3A_146 : memref<625x16xf32, #tpu.memory_space<vmem_shared>>) target_semaphore(%run_scoped3A_144 : memref<!tpu.dma_semaphore, #tpu.memory_space<semaphore_mem>>)
      %dma_wait3A_149 = arith.constant 0 : i32
      %dma_wait3A_150 = tpu.memref_slice %arg8[%mul3A_30, %dma_wait3A_149] : memref<10000x16xf32, #tpu.memory_space<vmem_shared>> -> memref<625x16xf32, #tpu.memory_space<vmem_shared>>
      %dma_wait3A_151 = arith.constant 0 : i32
      %dma_wait3A_152 = tpu.memref_slice %arg2[%mul3A_28, %dma_wait3A_151] : memref<10000x16xf32, #tpu.memory_space<hbm>> -> memref<625x16xf32, #tpu.memory_space<hbm>>
      tpu.wait_dma2 semaphore(%run_scoped3A_144 : memref<!tpu.dma_semaphore, #tpu.memory_space<semaphore_mem>>) src(%dma_wait3A_152 : memref<625x16xf32, #tpu.memory_space<hbm>>) dst(%dma_wait3A_150 : memref<625x16xf32, #tpu.memory_space<vmem_shared>>)
      tpu.yield
    }) : () -> ()
    %mul3A_31 = arith.constant 640 : i32
    %mul3A_32 = arith.muli %arg1, %mul3A_31 : i32
    %add3A_33 = arith.constant 0 : i32
    %add3A_34 = arith.addi %mul3A_32, %add3A_33 : i32
    %run_scoped3A = arith.constant 0 : i32
    "tpu.region"() ({
      %run_scoped3A_144 = tpu.sem_alloc : memref<!tpu.dma_semaphore, #tpu.memory_space<semaphore_mem>>
      %dma_start3A_145 = arith.constant 0 : i32
      %dma_start3A_146 = arith.constant 0 : i32
      %dma_start3A_147 = tpu.memref_slice %arg7[%run_scoped3A, %dma_start3A_145, %dma_start3A_146] : memref<3x128x16xf32, #tpu.memory_space<vmem>> -> memref<1x128x16xf32, #tpu.memory_space<vmem>>
      %dma_start3A_148 = tpu.memref_squeeze %dma_start3A_147 : memref<1x128x16xf32, #tpu.memory_space<vmem>> -> memref<128x16xf32, #tpu.memory_space<vmem>>
      %dma_start3A_149 = arith.constant 0 : i32
      %dma_start3A_150 = tpu.memref_slice %arg9[%add3A_34, %dma_start3A_149] : memref<10240x16xf32, #tpu.memory_space<vmem_shared>> -> memref<128x16xf32, #tpu.memory_space<vmem_shared>>
      %dma_start3A_151 = arith.constant 0 : i32
      %dma_start3A_152 = tpu.memref_slice %arg9[%add3A_34, %dma_start3A_151] : memref<10240x16xf32, #tpu.memory_space<vmem_shared>> -> memref<128x16xf32, #tpu.memory_space<vmem_shared>>
      %dma_start3A_153 = arith.constant 0 : i32
      %dma_start3A_154 = arith.constant 0 : i32
      %dma_start3A_155 = tpu.memref_slice %arg7[%run_scoped3A, %dma_start3A_153, %dma_start3A_154] : memref<3x128x16xf32, #tpu.memory_space<vmem>> -> memref<1x128x16xf32, #tpu.memory_space<vmem>>
      %dma_start3A_156 = tpu.memref_squeeze %dma_start3A_155 : memref<1x128x16xf32, #tpu.memory_space<vmem>> -> memref<128x16xf32, #tpu.memory_space<vmem>>
      tpu.enqueue_dma source(%dma_start3A_156 : memref<128x16xf32, #tpu.memory_space<vmem>>) target(%dma_start3A_152 : memref<128x16xf32, #tpu.memory_space<vmem_shared>>) target_semaphore(%run_scoped3A_144 : memref<!tpu.dma_semaphore, #tpu.memory_space<semaphore_mem>>)
      %dma_wait3A_157 = arith.constant 0 : i32
      %dma_wait3A_158 = arith.constant 0 : i32
      %dma_wait3A_159 = tpu.memref_slice %arg7[%run_scoped3A, %dma_wait3A_157, %dma_wait3A_158] : memref<3x128x16xf32, #tpu.memory_space<vmem>> -> memref<1x128x16xf32, #tpu.memory_space<vmem>>
      %dma_wait3A_160 = tpu.memref_squeeze %dma_wait3A_159 : memref<1x128x16xf32, #tpu.memory_space<vmem>> -> memref<128x16xf32, #tpu.memory_space<vmem>>
      %dma_wait3A_161 = arith.constant 0 : i32
      %dma_wait3A_162 = tpu.memref_slice %arg9[%add3A_34, %dma_wait3A_161] : memref<10240x16xf32, #tpu.memory_space<vmem_shared>> -> memref<128x16xf32, #tpu.memory_space<vmem_shared>>
      %dma_wait3A_163 = arith.constant 0 : i32
      %dma_wait3A_164 = tpu.memref_slice %arg9[%add3A_34, %dma_wait3A_163] : memref<10240x16xf32, #tpu.memory_space<vmem_shared>> -> memref<128x16xf32, #tpu.memory_space<vmem_shared>>
      %dma_wait3A_165 = arith.constant 0 : i32
      %dma_wait3A_166 = arith.constant 0 : i32
      %dma_wait3A_167 = tpu.memref_slice %arg7[%run_scoped3A, %dma_wait3A_165, %dma_wait3A_166] : memref<3x128x16xf32, #tpu.memory_space<vmem>> -> memref<1x128x16xf32, #tpu.memory_space<vmem>>
      %dma_wait3A_168 = tpu.memref_squeeze %dma_wait3A_167 : memref<1x128x16xf32, #tpu.memory_space<vmem>> -> memref<128x16xf32, #tpu.memory_space<vmem>>
      tpu.wait_dma2 semaphore(%run_scoped3A_144 : memref<!tpu.dma_semaphore, #tpu.memory_space<semaphore_mem>>) src(%dma_wait3A_168 : memref<128x16xf32, #tpu.memory_space<vmem>>) dst(%dma_wait3A_164 : memref<128x16xf32, #tpu.memory_space<vmem_shared>>)
      tpu.yield
    }) : () -> ()
    %mul3A_35 = arith.constant 640 : i32
    %mul3A_36 = arith.muli %arg1, %mul3A_35 : i32
    %add3A_37 = arith.constant 128 : i32
    %add3A_38 = arith.addi %mul3A_36, %add3A_37 : i32
    %run_scoped3A_39 = arith.constant 0 : i32
    "tpu.region"() ({
      %run_scoped3A_144 = tpu.sem_alloc : memref<!tpu.dma_semaphore, #tpu.memory_space<semaphore_mem>>
      %dma_start3A_145 = arith.constant 0 : i32
      %dma_start3A_146 = arith.constant 0 : i32
      %dma_start3A_147 = tpu.memref_slice %arg7[%run_scoped3A_39, %dma_start3A_145, %dma_start3A_146] : memref<3x128x16xf32, #tpu.memory_space<vmem>> -> memref<1x128x16xf32, #tpu.memory_space<vmem>>
      %dma_start3A_148 = tpu.memref_squeeze %dma_start3A_147 : memref<1x128x16xf32, #tpu.memory_space<vmem>> -> memref<128x16xf32, #tpu.memory_space<vmem>>
      %dma_start3A_149 = arith.constant 0 : i32
      %dma_start3A_150 = tpu.memref_slice %arg9[%add3A_38, %dma_start3A_149] : memref<10240x16xf32, #tpu.memory_space<vmem_shared>> -> memref<128x16xf32, #tpu.memory_space<vmem_shared>>
      %dma_start3A_151 = arith.constant 0 : i32
      %dma_start3A_152 = tpu.memref_slice %arg9[%add3A_38, %dma_start3A_151] : memref<10240x16xf32, #tpu.memory_space<vmem_shared>> -> memref<128x16xf32, #tpu.memory_space<vmem_shared>>
      %dma_start3A_153 = arith.constant 0 : i32
      %dma_start3A_154 = arith.constant 0 : i32
      %dma_start3A_155 = tpu.memref_slice %arg7[%run_scoped3A_39, %dma_start3A_153, %dma_start3A_154] : memref<3x128x16xf32, #tpu.memory_space<vmem>> -> memref<1x128x16xf32, #tpu.memory_space<vmem>>
      %dma_start3A_156 = tpu.memref_squeeze %dma_start3A_155 : memref<1x128x16xf32, #tpu.memory_space<vmem>> -> memref<128x16xf32, #tpu.memory_space<vmem>>
      tpu.enqueue_dma source(%dma_start3A_156 : memref<128x16xf32, #tpu.memory_space<vmem>>) target(%dma_start3A_152 : memref<128x16xf32, #tpu.memory_space<vmem_shared>>) target_semaphore(%run_scoped3A_144 : memref<!tpu.dma_semaphore, #tpu.memory_space<semaphore_mem>>)
      %dma_wait3A_157 = arith.constant 0 : i32
      %dma_wait3A_158 = arith.constant 0 : i32
      %dma_wait3A_159 = tpu.memref_slice %arg7[%run_scoped3A_39, %dma_wait3A_157, %dma_wait3A_158] : memref<3x128x16xf32, #tpu.memory_space<vmem>> -> memref<1x128x16xf32, #tpu.memory_space<vmem>>
      %dma_wait3A_160 = tpu.memref_squeeze %dma_wait3A_159 : memref<1x128x16xf32, #tpu.memory_space<vmem>> -> memref<128x16xf32, #tpu.memory_space<vmem>>
      %dma_wait3A_161 = arith.constant 0 : i32
      %dma_wait3A_162 = tpu.memref_slice %arg9[%add3A_38, %dma_wait3A_161] : memref<10240x16xf32, #tpu.memory_space<vmem_shared>> -> memref<128x16xf32, #tpu.memory_space<vmem_shared>>
      %dma_wait3A_163 = arith.constant 0 : i32
      %dma_wait3A_164 = tpu.memref_slice %arg9[%add3A_38, %dma_wait3A_163] : memref<10240x16xf32, #tpu.memory_space<vmem_shared>> -> memref<128x16xf32, #tpu.memory_space<vmem_shared>>
      %dma_wait3A_165 = arith.constant 0 : i32
      %dma_wait3A_166 = arith.constant 0 : i32
      %dma_wait3A_167 = tpu.memref_slice %arg7[%run_scoped3A_39, %dma_wait3A_165, %dma_wait3A_166] : memref<3x128x16xf32, #tpu.memory_space<vmem>> -> memref<1x128x16xf32, #tpu.memory_space<vmem>>
      %dma_wait3A_168 = tpu.memref_squeeze %dma_wait3A_167 : memref<1x128x16xf32, #tpu.memory_space<vmem>> -> memref<128x16xf32, #tpu.memory_space<vmem>>
      tpu.wait_dma2 semaphore(%run_scoped3A_144 : memref<!tpu.dma_semaphore, #tpu.memory_space<semaphore_mem>>) src(%dma_wait3A_168 : memref<128x16xf32, #tpu.memory_space<vmem>>) dst(%dma_wait3A_164 : memref<128x16xf32, #tpu.memory_space<vmem_shared>>)
      tpu.yield
    }) : () -> ()
    %mul3A_40 = arith.constant 640 : i32
    %mul3A_41 = arith.muli %arg1, %mul3A_40 : i32
    %add3A_42 = arith.constant 256 : i32
    %add3A_43 = arith.addi %mul3A_41, %add3A_42 : i32
    %run_scoped3A_44 = arith.constant 0 : i32
    "tpu.region"() ({
      %run_scoped3A_144 = tpu.sem_alloc : memref<!tpu.dma_semaphore, #tpu.memory_space<semaphore_mem>>
      %dma_start3A_145 = arith.constant 0 : i32
      %dma_start3A_146 = arith.constant 0 : i32
      %dma_start3A_147 = tpu.memref_slice %arg7[%run_scoped3A_44, %dma_start3A_145, %dma_start3A_146] : memref<3x128x16xf32, #tpu.memory_space<vmem>> -> memref<1x128x16xf32, #tpu.memory_space<vmem>>
      %dma_start3A_148 = tpu.memref_squeeze %dma_start3A_147 : memref<1x128x16xf32, #tpu.memory_space<vmem>> -> memref<128x16xf32, #tpu.memory_space<vmem>>
      %dma_start3A_149 = arith.constant 0 : i32
      %dma_start3A_150 = tpu.memref_slice %arg9[%add3A_43, %dma_start3A_149] : memref<10240x16xf32, #tpu.memory_space<vmem_shared>> -> memref<128x16xf32, #tpu.memory_space<vmem_shared>>
      %dma_start3A_151 = arith.constant 0 : i32
      %dma_start3A_152 = tpu.memref_slice %arg9[%add3A_43, %dma_start3A_151] : memref<10240x16xf32, #tpu.memory_space<vmem_shared>> -> memref<128x16xf32, #tpu.memory_space<vmem_shared>>
      %dma_start3A_153 = arith.constant 0 : i32
      %dma_start3A_154 = arith.constant 0 : i32
      %dma_start3A_155 = tpu.memref_slice %arg7[%run_scoped3A_44, %dma_start3A_153, %dma_start3A_154] : memref<3x128x16xf32, #tpu.memory_space<vmem>> -> memref<1x128x16xf32, #tpu.memory_space<vmem>>
      %dma_start3A_156 = tpu.memref_squeeze %dma_start3A_155 : memref<1x128x16xf32, #tpu.memory_space<vmem>> -> memref<128x16xf32, #tpu.memory_space<vmem>>
      tpu.enqueue_dma source(%dma_start3A_156 : memref<128x16xf32, #tpu.memory_space<vmem>>) target(%dma_start3A_152 : memref<128x16xf32, #tpu.memory_space<vmem_shared>>) target_semaphore(%run_scoped3A_144 : memref<!tpu.dma_semaphore, #tpu.memory_space<semaphore_mem>>)
      %dma_wait3A_157 = arith.constant 0 : i32
      %dma_wait3A_158 = arith.constant 0 : i32
      %dma_wait3A_159 = tpu.memref_slice %arg7[%run_scoped3A_44, %dma_wait3A_157, %dma_wait3A_158] : memref<3x128x16xf32, #tpu.memory_space<vmem>> -> memref<1x128x16xf32, #tpu.memory_space<vmem>>
      %dma_wait3A_160 = tpu.memref_squeeze %dma_wait3A_159 : memref<1x128x16xf32, #tpu.memory_space<vmem>> -> memref<128x16xf32, #tpu.memory_space<vmem>>
      %dma_wait3A_161 = arith.constant 0 : i32
      %dma_wait3A_162 = tpu.memref_slice %arg9[%add3A_43, %dma_wait3A_161] : memref<10240x16xf32, #tpu.memory_space<vmem_shared>> -> memref<128x16xf32, #tpu.memory_space<vmem_shared>>
      %dma_wait3A_163 = arith.constant 0 : i32
      %dma_wait3A_164 = tpu.memref_slice %arg9[%add3A_43, %dma_wait3A_163] : memref<10240x16xf32, #tpu.memory_space<vmem_shared>> -> memref<128x16xf32, #tpu.memory_space<vmem_shared>>
      %dma_wait3A_165 = arith.constant 0 : i32
      %dma_wait3A_166 = arith.constant 0 : i32
      %dma_wait3A_167 = tpu.memref_slice %arg7[%run_scoped3A_44, %dma_wait3A_165, %dma_wait3A_166] : memref<3x128x16xf32, #tpu.memory_space<vmem>> -> memref<1x128x16xf32, #tpu.memory_space<vmem>>
      %dma_wait3A_168 = tpu.memref_squeeze %dma_wait3A_167 : memref<1x128x16xf32, #tpu.memory_space<vmem>> -> memref<128x16xf32, #tpu.memory_space<vmem>>
      tpu.wait_dma2 semaphore(%run_scoped3A_144 : memref<!tpu.dma_semaphore, #tpu.memory_space<semaphore_mem>>) src(%dma_wait3A_168 : memref<128x16xf32, #tpu.memory_space<vmem>>) dst(%dma_wait3A_164 : memref<128x16xf32, #tpu.memory_space<vmem_shared>>)
      tpu.yield
    }) : () -> ()
    %mul3A_45 = arith.constant 640 : i32
    %mul3A_46 = arith.muli %arg1, %mul3A_45 : i32
    %add3A_47 = arith.constant 384 : i32
    %add3A_48 = arith.addi %mul3A_46, %add3A_47 : i32
    %run_scoped3A_49 = arith.constant 0 : i32
    "tpu.region"() ({
      %run_scoped3A_144 = tpu.sem_alloc : memref<!tpu.dma_semaphore, #tpu.memory_space<semaphore_mem>>
      %dma_start3A_145 = arith.constant 0 : i32
      %dma_start3A_146 = arith.constant 0 : i32
      %dma_start3A_147 = tpu.memref_slice %arg7[%run_scoped3A_49, %dma_start3A_145, %dma_start3A_146] : memref<3x128x16xf32, #tpu.memory_space<vmem>> -> memref<1x128x16xf32, #tpu.memory_space<vmem>>
      %dma_start3A_148 = tpu.memref_squeeze %dma_start3A_147 : memref<1x128x16xf32, #tpu.memory_space<vmem>> -> memref<128x16xf32, #tpu.memory_space<vmem>>
      %dma_start3A_149 = arith.constant 0 : i32
      %dma_start3A_150 = tpu.memref_slice %arg9[%add3A_48, %dma_start3A_149] : memref<10240x16xf32, #tpu.memory_space<vmem_shared>> -> memref<128x16xf32, #tpu.memory_space<vmem_shared>>
      %dma_start3A_151 = arith.constant 0 : i32
      %dma_start3A_152 = tpu.memref_slice %arg9[%add3A_48, %dma_start3A_151] : memref<10240x16xf32, #tpu.memory_space<vmem_shared>> -> memref<128x16xf32, #tpu.memory_space<vmem_shared>>
      %dma_start3A_153 = arith.constant 0 : i32
      %dma_start3A_154 = arith.constant 0 : i32
      %dma_start3A_155 = tpu.memref_slice %arg7[%run_scoped3A_49, %dma_start3A_153, %dma_start3A_154] : memref<3x128x16xf32, #tpu.memory_space<vmem>> -> memref<1x128x16xf32, #tpu.memory_space<vmem>>
      %dma_start3A_156 = tpu.memref_squeeze %dma_start3A_155 : memref<1x128x16xf32, #tpu.memory_space<vmem>> -> memref<128x16xf32, #tpu.memory_space<vmem>>
      tpu.enqueue_dma source(%dma_start3A_156 : memref<128x16xf32, #tpu.memory_space<vmem>>) target(%dma_start3A_152 : memref<128x16xf32, #tpu.memory_space<vmem_shared>>) target_semaphore(%run_scoped3A_144 : memref<!tpu.dma_semaphore, #tpu.memory_space<semaphore_mem>>)
      %dma_wait3A_157 = arith.constant 0 : i32
      %dma_wait3A_158 = arith.constant 0 : i32
      %dma_wait3A_159 = tpu.memref_slice %arg7[%run_scoped3A_49, %dma_wait3A_157, %dma_wait3A_158] : memref<3x128x16xf32, #tpu.memory_space<vmem>> -> memref<1x128x16xf32, #tpu.memory_space<vmem>>
      %dma_wait3A_160 = tpu.memref_squeeze %dma_wait3A_159 : memref<1x128x16xf32, #tpu.memory_space<vmem>> -> memref<128x16xf32, #tpu.memory_space<vmem>>
      %dma_wait3A_161 = arith.constant 0 : i32
      %dma_wait3A_162 = tpu.memref_slice %arg9[%add3A_48, %dma_wait3A_161] : memref<10240x16xf32, #tpu.memory_space<vmem_shared>> -> memref<128x16xf32, #tpu.memory_space<vmem_shared>>
      %dma_wait3A_163 = arith.constant 0 : i32
      %dma_wait3A_164 = tpu.memref_slice %arg9[%add3A_48, %dma_wait3A_163] : memref<10240x16xf32, #tpu.memory_space<vmem_shared>> -> memref<128x16xf32, #tpu.memory_space<vmem_shared>>
      %dma_wait3A_165 = arith.constant 0 : i32
      %dma_wait3A_166 = arith.constant 0 : i32
      %dma_wait3A_167 = tpu.memref_slice %arg7[%run_scoped3A_49, %dma_wait3A_165, %dma_wait3A_166] : memref<3x128x16xf32, #tpu.memory_space<vmem>> -> memref<1x128x16xf32, #tpu.memory_space<vmem>>
      %dma_wait3A_168 = tpu.memref_squeeze %dma_wait3A_167 : memref<1x128x16xf32, #tpu.memory_space<vmem>> -> memref<128x16xf32, #tpu.memory_space<vmem>>
      tpu.wait_dma2 semaphore(%run_scoped3A_144 : memref<!tpu.dma_semaphore, #tpu.memory_space<semaphore_mem>>) src(%dma_wait3A_168 : memref<128x16xf32, #tpu.memory_space<vmem>>) dst(%dma_wait3A_164 : memref<128x16xf32, #tpu.memory_space<vmem_shared>>)
      tpu.yield
    }) : () -> ()
    %mul3A_50 = arith.constant 640 : i32
    %mul3A_51 = arith.muli %arg1, %mul3A_50 : i32
    %add3A_52 = arith.constant 512 : i32
    %add3A_53 = arith.addi %mul3A_51, %add3A_52 : i32
    %run_scoped3A_54 = arith.constant 0 : i32
    "tpu.region"() ({
      %run_scoped3A_144 = tpu.sem_alloc : memref<!tpu.dma_semaphore, #tpu.memory_space<semaphore_mem>>
      %dma_start3A_145 = arith.constant 0 : i32
      %dma_start3A_146 = arith.constant 0 : i32
      %dma_start3A_147 = tpu.memref_slice %arg7[%run_scoped3A_54, %dma_start3A_145, %dma_start3A_146] : memref<3x128x16xf32, #tpu.memory_space<vmem>> -> memref<1x128x16xf32, #tpu.memory_space<vmem>>
      %dma_start3A_148 = tpu.memref_squeeze %dma_start3A_147 : memref<1x128x16xf32, #tpu.memory_space<vmem>> -> memref<128x16xf32, #tpu.memory_space<vmem>>
      %dma_start3A_149 = arith.constant 0 : i32
      %dma_start3A_150 = tpu.memref_slice %arg9[%add3A_53, %dma_start3A_149] : memref<10240x16xf32, #tpu.memory_space<vmem_shared>> -> memref<128x16xf32, #tpu.memory_space<vmem_shared>>
      %dma_start3A_151 = arith.constant 0 : i32
      %dma_start3A_152 = tpu.memref_slice %arg9[%add3A_53, %dma_start3A_151] : memref<10240x16xf32, #tpu.memory_space<vmem_shared>> -> memref<128x16xf32, #tpu.memory_space<vmem_shared>>
      %dma_start3A_153 = arith.constant 0 : i32
      %dma_start3A_154 = arith.constant 0 : i32
      %dma_start3A_155 = tpu.memref_slice %arg7[%run_scoped3A_54, %dma_start3A_153, %dma_start3A_154] : memref<3x128x16xf32, #tpu.memory_space<vmem>> -> memref<1x128x16xf32, #tpu.memory_space<vmem>>
      %dma_start3A_156 = tpu.memref_squeeze %dma_start3A_155 : memref<1x128x16xf32, #tpu.memory_space<vmem>> -> memref<128x16xf32, #tpu.memory_space<vmem>>
      tpu.enqueue_dma source(%dma_start3A_156 : memref<128x16xf32, #tpu.memory_space<vmem>>) target(%dma_start3A_152 : memref<128x16xf32, #tpu.memory_space<vmem_shared>>) target_semaphore(%run_scoped3A_144 : memref<!tpu.dma_semaphore, #tpu.memory_space<semaphore_mem>>)
      %dma_wait3A_157 = arith.constant 0 : i32
      %dma_wait3A_158 = arith.constant 0 : i32
      %dma_wait3A_159 = tpu.memref_slice %arg7[%run_scoped3A_54, %dma_wait3A_157, %dma_wait3A_158] : memref<3x128x16xf32, #tpu.memory_space<vmem>> -> memref<1x128x16xf32, #tpu.memory_space<vmem>>
      %dma_wait3A_160 = tpu.memref_squeeze %dma_wait3A_159 : memref<1x128x16xf32, #tpu.memory_space<vmem>> -> memref<128x16xf32, #tpu.memory_space<vmem>>
      %dma_wait3A_161 = arith.constant 0 : i32
      %dma_wait3A_162 = tpu.memref_slice %arg9[%add3A_53, %dma_wait3A_161] : memref<10240x16xf32, #tpu.memory_space<vmem_shared>> -> memref<128x16xf32, #tpu.memory_space<vmem_shared>>
      %dma_wait3A_163 = arith.constant 0 : i32
      %dma_wait3A_164 = tpu.memref_slice %arg9[%add3A_53, %dma_wait3A_163] : memref<10240x16xf32, #tpu.memory_space<vmem_shared>> -> memref<128x16xf32, #tpu.memory_space<vmem_shared>>
      %dma_wait3A_165 = arith.constant 0 : i32
      %dma_wait3A_166 = arith.constant 0 : i32
      %dma_wait3A_167 = tpu.memref_slice %arg7[%run_scoped3A_54, %dma_wait3A_165, %dma_wait3A_166] : memref<3x128x16xf32, #tpu.memory_space<vmem>> -> memref<1x128x16xf32, #tpu.memory_space<vmem>>
      %dma_wait3A_168 = tpu.memref_squeeze %dma_wait3A_167 : memref<1x128x16xf32, #tpu.memory_space<vmem>> -> memref<128x16xf32, #tpu.memory_space<vmem>>
      tpu.wait_dma2 semaphore(%run_scoped3A_144 : memref<!tpu.dma_semaphore, #tpu.memory_space<semaphore_mem>>) src(%dma_wait3A_168 : memref<128x16xf32, #tpu.memory_space<vmem>>) dst(%dma_wait3A_164 : memref<128x16xf32, #tpu.memory_space<vmem_shared>>)
      tpu.yield
    }) : () -> ()
    %barrier3A = arith.constant 0 : index
    tpu.barrier barrier_id(%barrier3A)
    %dma_start3A = arith.constant 0 : i32
    %dma_start3A_55 = arith.constant 0 : i32
    %dma_start3A_56 = arith.constant 0 : i32
    %dma_start3A_57 = arith.constant 0 : i32
    %dma_start3A_58 = arith.constant 0 : i32
    %dma_start3A_59 = tpu.memref_slice %arg7[%dma_start3A_55, %dma_start3A_57, %dma_start3A_58] : memref<3x128x16xf32, #tpu.memory_space<vmem>> -> memref<1x128x16xf32, #tpu.memory_space<vmem>>
    %dma_start3A_60 = tpu.memref_squeeze %dma_start3A_59 : memref<1x128x16xf32, #tpu.memory_space<vmem>> -> memref<128x16xf32, #tpu.memory_space<vmem>>
    %dma_start3A_61 = arith.constant 0 : i32
    %dma_start3A_62 = tpu.memref_slice %arg5[%dma_start3A, %dma_start3A_61] : memref<79x128xi32, #tpu.memory_space<vmem>> -> memref<1x128xi32, #tpu.memory_space<vmem>>
    %dma_start3A_63 = tpu.memref_squeeze %dma_start3A_62 : memref<1x128xi32, #tpu.memory_space<vmem>> -> memref<128xi32, #tpu.memory_space<vmem>>
    %dma_start3A_64 = arith.constant 0 : i32
    %dma_start3A_65 = arith.constant 0 : i32
    %dma_start3A_66 = tpu.memref_slice %arg8[%dma_start3A_64, %dma_start3A_65] : memref<10000x16xf32, #tpu.memory_space<vmem_shared>> -> memref<10000x16xf32, #tpu.memory_space<vmem_shared>>
    %dma_start3A_67 = tpu.memref_slice %arg10[%dma_start3A_56] : memref<3x!tpu.dma_semaphore, #tpu.memory_space<semaphore_mem>> -> memref<1x!tpu.dma_semaphore, #tpu.memory_space<semaphore_mem>>
    %dma_start3A_68 = tpu.memref_squeeze %dma_start3A_67 : memref<1x!tpu.dma_semaphore, #tpu.memory_space<semaphore_mem>> -> memref<!tpu.dma_semaphore, #tpu.memory_space<semaphore_mem>>
    tpu.enqueue_indirect_dma source(%dma_start3A_66 : memref<10000x16xf32, #tpu.memory_space<vmem_shared>>) target(%dma_start3A_60 : memref<128x16xf32, #tpu.memory_space<vmem>>) offsets(%dma_start3A_63 : memref<128xi32, #tpu.memory_space<vmem>>) semaphore(%dma_start3A_68 : memref<!tpu.dma_semaphore, #tpu.memory_space<semaphore_mem>>)
    %dma_start3A_69 = arith.constant 1 : i32
    %dma_start3A_70 = arith.constant 1 : i32
    %dma_start3A_71 = arith.constant 1 : i32
    %dma_start3A_72 = arith.constant 0 : i32
    %dma_start3A_73 = arith.constant 0 : i32
    %dma_start3A_74 = tpu.memref_slice %arg7[%dma_start3A_70, %dma_start3A_72, %dma_start3A_73] : memref<3x128x16xf32, #tpu.memory_space<vmem>> -> memref<1x128x16xf32, #tpu.memory_space<vmem>>
    %dma_start3A_75 = tpu.memref_squeeze %dma_start3A_74 : memref<1x128x16xf32, #tpu.memory_space<vmem>> -> memref<128x16xf32, #tpu.memory_space<vmem>>
    %dma_start3A_76 = arith.constant 0 : i32
    %dma_start3A_77 = tpu.memref_slice %arg5[%dma_start3A_69, %dma_start3A_76] : memref<79x128xi32, #tpu.memory_space<vmem>> -> memref<1x128xi32, #tpu.memory_space<vmem>>
    %dma_start3A_78 = tpu.memref_squeeze %dma_start3A_77 : memref<1x128xi32, #tpu.memory_space<vmem>> -> memref<128xi32, #tpu.memory_space<vmem>>
    %dma_start3A_79 = arith.constant 0 : i32
    %dma_start3A_80 = arith.constant 0 : i32
    %dma_start3A_81 = tpu.memref_slice %arg8[%dma_start3A_79, %dma_start3A_80] : memref<10000x16xf32, #tpu.memory_space<vmem_shared>> -> memref<10000x16xf32, #tpu.memory_space<vmem_shared>>
    %dma_start3A_82 = tpu.memref_slice %arg10[%dma_start3A_71] : memref<3x!tpu.dma_semaphore, #tpu.memory_space<semaphore_mem>> -> memref<1x!tpu.dma_semaphore, #tpu.memory_space<semaphore_mem>>
    %dma_start3A_83 = tpu.memref_squeeze %dma_start3A_82 : memref<1x!tpu.dma_semaphore, #tpu.memory_space<semaphore_mem>> -> memref<!tpu.dma_semaphore, #tpu.memory_space<semaphore_mem>>
    tpu.enqueue_indirect_dma source(%dma_start3A_81 : memref<10000x16xf32, #tpu.memory_space<vmem_shared>>) target(%dma_start3A_75 : memref<128x16xf32, #tpu.memory_space<vmem>>) offsets(%dma_start3A_78 : memref<128xi32, #tpu.memory_space<vmem>>) semaphore(%dma_start3A_83 : memref<!tpu.dma_semaphore, #tpu.memory_space<semaphore_mem>>)
    %while3A = arith.constant 0 : i32
    %while3A_84 = arith.constant 0 : i32
    %while3A_85 = arith.subi %select_n3A, %while3A : i32
    %while3A_86 = arith.addi %while3A, %while3A_85 : i32
    %while3A_87 = arith.constant 1 : i32
    %while3A_88 = arith.divsi %while3A_85, %while3A_87 : i32
    %while3A_89 = arith.muli %while3A_88, %while3A_87 : i32
    %while3A_90 = arith.addi %while3A, %while3A_89 : i32
    %while3A_91 = arith.constant 1 : i32
    %while3A_92 = scf.for %while3A_144 = %while3A to %while3A_90 step %while3A_91 iter_args(%while3A_145 = %while3A_84) -> (i32)  : i32 {
      %rem3A = arith.constant 3 : i32
      %rem3A_146 = arith.remsi %while3A_144, %rem3A : i32
      %add3A_147 = arith.constant 3 : i32
      %add3A_148 = arith.addi %while3A_144, %add3A_147 : i32
      %sub3A = arith.constant 1 : i32
      %sub3A_149 = arith.subi %add3A_148, %sub3A : i32
      %lt3A_150 = arith.cmpi slt, %sub3A_149, %select_n3A : i32
      %convert_element_type3A_151 = arith.extui %lt3A_150 : i1 to i32
      %cond3A_152 = arith.constant 0 : i32
      %cond3A_153 = arith.cmpi ne, %convert_element_type3A_151, %cond3A_152 : i32
      scf.if %cond3A_153 {
        %rem3A_179 = arith.constant 3 : i32
        %rem3A_180 = arith.remsi %sub3A_149, %rem3A_179 : i32
        %gt3A = arith.constant 0 : i32
        %gt3A_181 = arith.cmpi sgt, %while3A_144, %gt3A : i32
        %convert_element_type3A_182 = arith.extui %gt3A_181 : i1 to i32
        %cond3A_183 = arith.constant 0 : i32
        %cond3A_184 = arith.cmpi ne, %convert_element_type3A_182, %cond3A_183 : i32
        scf.if %cond3A_184 {
          %sub3A_197 = arith.constant 1 : i32
          %sub3A_198 = arith.subi %while3A_144, %sub3A_197 : i32
          %dma_wait3A_199 = arith.constant 0 : i32
          %dma_wait3A_200 = arith.constant 0 : i32
          %dma_wait3A_201 = tpu.memref_slice %arg7[%rem3A_180, %dma_wait3A_199, %dma_wait3A_200] : memref<3x128x16xf32, #tpu.memory_space<vmem>> -> memref<1x128x16xf32, #tpu.memory_space<vmem>>
          %dma_wait3A_202 = tpu.memref_squeeze %dma_wait3A_201 : memref<1x128x16xf32, #tpu.memory_space<vmem>> -> memref<128x16xf32, #tpu.memory_space<vmem>>
          %dma_wait3A_203 = arith.constant 0 : i32
          %dma_wait3A_204 = tpu.memref_slice %arg6[%sub3A_198, %dma_wait3A_203] : memref<79x128xi32, #tpu.memory_space<vmem>> -> memref<1x128xi32, #tpu.memory_space<vmem>>
          %dma_wait3A_205 = tpu.memref_squeeze %dma_wait3A_204 : memref<1x128xi32, #tpu.memory_space<vmem>> -> memref<128xi32, #tpu.memory_space<vmem>>
          %dma_wait3A_206 = arith.constant 0 : i32
          %dma_wait3A_207 = arith.constant 0 : i32
          %dma_wait3A_208 = tpu.memref_slice %arg9[%dma_wait3A_206, %dma_wait3A_207] : memref<10240x16xf32, #tpu.memory_space<vmem_shared>> -> memref<10240x16xf32, #tpu.memory_space<vmem_shared>>
          %dma_wait3A_209 = tpu.memref_slice %arg11[%rem3A_180] : memref<3x!tpu.dma_semaphore, #tpu.memory_space<semaphore_mem>> -> memref<1x!tpu.dma_semaphore, #tpu.memory_space<semaphore_mem>>
          %dma_wait3A_210 = tpu.memref_squeeze %dma_wait3A_209 : memref<1x!tpu.dma_semaphore, #tpu.memory_space<semaphore_mem>> -> memref<!tpu.dma_semaphore, #tpu.memory_space<semaphore_mem>>
          tpu.wait_indirect_dma semaphore(%dma_wait3A_210 : memref<!tpu.dma_semaphore, #tpu.memory_space<semaphore_mem>>) src(%dma_wait3A_202 : memref<128x16xf32, #tpu.memory_space<vmem>>) dst(%dma_wait3A_208 : memref<10240x16xf32, #tpu.memory_space<vmem_shared>>)
        } else {
        }
        %dma_start3A_185 = arith.constant 0 : i32
        %dma_start3A_186 = arith.constant 0 : i32
        %dma_start3A_187 = tpu.memref_slice %arg7[%rem3A_180, %dma_start3A_185, %dma_start3A_186] : memref<3x128x16xf32, #tpu.memory_space<vmem>> -> memref<1x128x16xf32, #tpu.memory_space<vmem>>
        %dma_start3A_188 = tpu.memref_squeeze %dma_start3A_187 : memref<1x128x16xf32, #tpu.memory_space<vmem>> -> memref<128x16xf32, #tpu.memory_space<vmem>>
        %dma_start3A_189 = arith.constant 0 : i32
        %dma_start3A_190 = tpu.memref_slice %arg5[%sub3A_149, %dma_start3A_189] : memref<79x128xi32, #tpu.memory_space<vmem>> -> memref<1x128xi32, #tpu.memory_space<vmem>>
        %dma_start3A_191 = tpu.memref_squeeze %dma_start3A_190 : memref<1x128xi32, #tpu.memory_space<vmem>> -> memref<128xi32, #tpu.memory_space<vmem>>
        %dma_start3A_192 = arith.constant 0 : i32
        %dma_start3A_193 = arith.constant 0 : i32
        %dma_start3A_194 = tpu.memref_slice %arg8[%dma_start3A_192, %dma_start3A_193] : memref<10000x16xf32, #tpu.memory_space<vmem_shared>> -> memref<10000x16xf32, #tpu.memory_space<vmem_shared>>
        %dma_start3A_195 = tpu.memref_slice %arg10[%rem3A_180] : memref<3x!tpu.dma_semaphore, #tpu.memory_space<semaphore_mem>> -> memref<1x!tpu.dma_semaphore, #tpu.memory_space<semaphore_mem>>
        %dma_start3A_196 = tpu.memref_squeeze %dma_start3A_195 : memref<1x!tpu.dma_semaphore, #tpu.memory_space<semaphore_mem>> -> memref<!tpu.dma_semaphore, #tpu.memory_space<semaphore_mem>>
        tpu.enqueue_indirect_dma source(%dma_start3A_194 : memref<10000x16xf32, #tpu.memory_space<vmem_shared>>) target(%dma_start3A_188 : memref<128x16xf32, #tpu.memory_space<vmem>>) offsets(%dma_start3A_191 : memref<128xi32, #tpu.memory_space<vmem>>) semaphore(%dma_start3A_196 : memref<!tpu.dma_semaphore, #tpu.memory_space<semaphore_mem>>)
      } else {
      }
      %dma_wait3A_154 = arith.constant 0 : i32
      %dma_wait3A_155 = arith.constant 0 : i32
      %dma_wait3A_156 = tpu.memref_slice %arg7[%rem3A_146, %dma_wait3A_154, %dma_wait3A_155] : memref<3x128x16xf32, #tpu.memory_space<vmem>> -> memref<1x128x16xf32, #tpu.memory_space<vmem>>
      %dma_wait3A_157 = tpu.memref_squeeze %dma_wait3A_156 : memref<1x128x16xf32, #tpu.memory_space<vmem>> -> memref<128x16xf32, #tpu.memory_space<vmem>>
      %dma_wait3A_158 = arith.constant 0 : i32
      %dma_wait3A_159 = tpu.memref_slice %arg5[%while3A_144, %dma_wait3A_158] : memref<79x128xi32, #tpu.memory_space<vmem>> -> memref<1x128xi32, #tpu.memory_space<vmem>>
      %dma_wait3A_160 = tpu.memref_squeeze %dma_wait3A_159 : memref<1x128xi32, #tpu.memory_space<vmem>> -> memref<128xi32, #tpu.memory_space<vmem>>
      %dma_wait3A_161 = arith.constant 0 : i32
      %dma_wait3A_162 = arith.constant 0 : i32
      %dma_wait3A_163 = tpu.memref_slice %arg8[%dma_wait3A_161, %dma_wait3A_162] : memref<10000x16xf32, #tpu.memory_space<vmem_shared>> -> memref<10000x16xf32, #tpu.memory_space<vmem_shared>>
      %dma_wait3A_164 = tpu.memref_slice %arg10[%rem3A_146] : memref<3x!tpu.dma_semaphore, #tpu.memory_space<semaphore_mem>> -> memref<1x!tpu.dma_semaphore, #tpu.memory_space<semaphore_mem>>
      %dma_wait3A_165 = tpu.memref_squeeze %dma_wait3A_164 : memref<1x!tpu.dma_semaphore, #tpu.memory_space<semaphore_mem>> -> memref<!tpu.dma_semaphore, #tpu.memory_space<semaphore_mem>>
      tpu.wait_indirect_dma semaphore(%dma_wait3A_165 : memref<!tpu.dma_semaphore, #tpu.memory_space<semaphore_mem>>) src(%dma_wait3A_163 : memref<10000x16xf32, #tpu.memory_space<vmem_shared>>) dst(%dma_wait3A_157 : memref<128x16xf32, #tpu.memory_space<vmem>>)
      %dma_start3A_166 = arith.constant 0 : i32
      %dma_start3A_167 = arith.constant 0 : i32
      %dma_start3A_168 = tpu.memref_slice %arg7[%rem3A_146, %dma_start3A_166, %dma_start3A_167] : memref<3x128x16xf32, #tpu.memory_space<vmem>> -> memref<1x128x16xf32, #tpu.memory_space<vmem>>
      %dma_start3A_169 = tpu.memref_squeeze %dma_start3A_168 : memref<1x128x16xf32, #tpu.memory_space<vmem>> -> memref<128x16xf32, #tpu.memory_space<vmem>>
      %dma_start3A_170 = arith.constant 0 : i32
      %dma_start3A_171 = tpu.memref_slice %arg6[%while3A_144, %dma_start3A_170] : memref<79x128xi32, #tpu.memory_space<vmem>> -> memref<1x128xi32, #tpu.memory_space<vmem>>
      %dma_start3A_172 = tpu.memref_squeeze %dma_start3A_171 : memref<1x128xi32, #tpu.memory_space<vmem>> -> memref<128xi32, #tpu.memory_space<vmem>>
      %dma_start3A_173 = arith.constant 0 : i32
      %dma_start3A_174 = arith.constant 0 : i32
      %dma_start3A_175 = tpu.memref_slice %arg9[%dma_start3A_173, %dma_start3A_174] : memref<10240x16xf32, #tpu.memory_space<vmem_shared>> -> memref<10240x16xf32, #tpu.memory_space<vmem_shared>>
      %dma_start3A_176 = tpu.memref_slice %arg11[%rem3A_146] : memref<3x!tpu.dma_semaphore, #tpu.memory_space<semaphore_mem>> -> memref<1x!tpu.dma_semaphore, #tpu.memory_space<semaphore_mem>>
      %dma_start3A_177 = tpu.memref_squeeze %dma_start3A_176 : memref<1x!tpu.dma_semaphore, #tpu.memory_space<semaphore_mem>> -> memref<!tpu.dma_semaphore, #tpu.memory_space<semaphore_mem>>
      tpu.enqueue_indirect_dma source(%dma_start3A_169 : memref<128x16xf32, #tpu.memory_space<vmem>>) target(%dma_start3A_175 : memref<10240x16xf32, #tpu.memory_space<vmem_shared>>) offsets(%dma_start3A_172 : memref<128xi32, #tpu.memory_space<vmem>>) semaphore(%dma_start3A_177 : memref<!tpu.dma_semaphore, #tpu.memory_space<semaphore_mem>>) {add = true}
      %while3A_178 = arith.constant 0 : i32
      scf.yield %while3A_178 : i32
    }
    %while3A_93 = arith.constant 1 : i32
    %while3A_94 = scf.for %while3A_144 = %while3A_90 to %while3A_86 step %while3A_93 iter_args(%while3A_145 = %while3A_92) -> (i32)  : i32 {
      %rem3A = arith.constant 3 : i32
      %rem3A_146 = arith.remsi %while3A_144, %rem3A : i32
      %add3A_147 = arith.constant 3 : i32
      %add3A_148 = arith.addi %while3A_144, %add3A_147 : i32
      %sub3A = arith.constant 1 : i32
      %sub3A_149 = arith.subi %add3A_148, %sub3A : i32
      %lt3A_150 = arith.cmpi slt, %sub3A_149, %select_n3A : i32
      %convert_element_type3A_151 = arith.extui %lt3A_150 : i1 to i32
      %cond3A_152 = arith.constant 0 : i32
      %cond3A_153 = arith.cmpi ne, %convert_element_type3A_151, %cond3A_152 : i32
      scf.if %cond3A_153 {
        %rem3A_179 = arith.constant 3 : i32
        %rem3A_180 = arith.remsi %sub3A_149, %rem3A_179 : i32
        %gt3A = arith.constant 0 : i32
        %gt3A_181 = arith.cmpi sgt, %while3A_144, %gt3A : i32
        %convert_element_type3A_182 = arith.extui %gt3A_181 : i1 to i32
        %cond3A_183 = arith.constant 0 : i32
        %cond3A_184 = arith.cmpi ne, %convert_element_type3A_182, %cond3A_183 : i32
        scf.if %cond3A_184 {
          %sub3A_197 = arith.constant 1 : i32
          %sub3A_198 = arith.subi %while3A_144, %sub3A_197 : i32
          %dma_wait3A_199 = arith.constant 0 : i32
          %dma_wait3A_200 = arith.constant 0 : i32
          %dma_wait3A_201 = tpu.memref_slice %arg7[%rem3A_180, %dma_wait3A_199, %dma_wait3A_200] : memref<3x128x16xf32, #tpu.memory_space<vmem>> -> memref<1x128x16xf32, #tpu.memory_space<vmem>>
          %dma_wait3A_202 = tpu.memref_squeeze %dma_wait3A_201 : memref<1x128x16xf32, #tpu.memory_space<vmem>> -> memref<128x16xf32, #tpu.memory_space<vmem>>
          %dma_wait3A_203 = arith.constant 0 : i32
          %dma_wait3A_204 = tpu.memref_slice %arg6[%sub3A_198, %dma_wait3A_203] : memref<79x128xi32, #tpu.memory_space<vmem>> -> memref<1x128xi32, #tpu.memory_space<vmem>>
          %dma_wait3A_205 = tpu.memref_squeeze %dma_wait3A_204 : memref<1x128xi32, #tpu.memory_space<vmem>> -> memref<128xi32, #tpu.memory_space<vmem>>
          %dma_wait3A_206 = arith.constant 0 : i32
          %dma_wait3A_207 = arith.constant 0 : i32
          %dma_wait3A_208 = tpu.memref_slice %arg9[%dma_wait3A_206, %dma_wait3A_207] : memref<10240x16xf32, #tpu.memory_space<vmem_shared>> -> memref<10240x16xf32, #tpu.memory_space<vmem_shared>>
          %dma_wait3A_209 = tpu.memref_slice %arg11[%rem3A_180] : memref<3x!tpu.dma_semaphore, #tpu.memory_space<semaphore_mem>> -> memref<1x!tpu.dma_semaphore, #tpu.memory_space<semaphore_mem>>
          %dma_wait3A_210 = tpu.memref_squeeze %dma_wait3A_209 : memref<1x!tpu.dma_semaphore, #tpu.memory_space<semaphore_mem>> -> memref<!tpu.dma_semaphore, #tpu.memory_space<semaphore_mem>>
          tpu.wait_indirect_dma semaphore(%dma_wait3A_210 : memref<!tpu.dma_semaphore, #tpu.memory_space<semaphore_mem>>) src(%dma_wait3A_202 : memref<128x16xf32, #tpu.memory_space<vmem>>) dst(%dma_wait3A_208 : memref<10240x16xf32, #tpu.memory_space<vmem_shared>>)
        } else {
        }
        %dma_start3A_185 = arith.constant 0 : i32
        %dma_start3A_186 = arith.constant 0 : i32
        %dma_start3A_187 = tpu.memref_slice %arg7[%rem3A_180, %dma_start3A_185, %dma_start3A_186] : memref<3x128x16xf32, #tpu.memory_space<vmem>> -> memref<1x128x16xf32, #tpu.memory_space<vmem>>
        %dma_start3A_188 = tpu.memref_squeeze %dma_start3A_187 : memref<1x128x16xf32, #tpu.memory_space<vmem>> -> memref<128x16xf32, #tpu.memory_space<vmem>>
        %dma_start3A_189 = arith.constant 0 : i32
        %dma_start3A_190 = tpu.memref_slice %arg5[%sub3A_149, %dma_start3A_189] : memref<79x128xi32, #tpu.memory_space<vmem>> -> memref<1x128xi32, #tpu.memory_space<vmem>>
        %dma_start3A_191 = tpu.memref_squeeze %dma_start3A_190 : memref<1x128xi32, #tpu.memory_space<vmem>> -> memref<128xi32, #tpu.memory_space<vmem>>
        %dma_start3A_192 = arith.constant 0 : i32
        %dma_start3A_193 = arith.constant 0 : i32
        %dma_start3A_194 = tpu.memref_slice %arg8[%dma_start3A_192, %dma_start3A_193] : memref<10000x16xf32, #tpu.memory_space<vmem_shared>> -> memref<10000x16xf32, #tpu.memory_space<vmem_shared>>
        %dma_start3A_195 = tpu.memref_slice %arg10[%rem3A_180] : memref<3x!tpu.dma_semaphore, #tpu.memory_space<semaphore_mem>> -> memref<1x!tpu.dma_semaphore, #tpu.memory_space<semaphore_mem>>
        %dma_start3A_196 = tpu.memref_squeeze %dma_start3A_195 : memref<1x!tpu.dma_semaphore, #tpu.memory_space<semaphore_mem>> -> memref<!tpu.dma_semaphore, #tpu.memory_space<semaphore_mem>>
        tpu.enqueue_indirect_dma source(%dma_start3A_194 : memref<10000x16xf32, #tpu.memory_space<vmem_shared>>) target(%dma_start3A_188 : memref<128x16xf32, #tpu.memory_space<vmem>>) offsets(%dma_start3A_191 : memref<128xi32, #tpu.memory_space<vmem>>) semaphore(%dma_start3A_196 : memref<!tpu.dma_semaphore, #tpu.memory_space<semaphore_mem>>)
      } else {
      }
      %dma_wait3A_154 = arith.constant 0 : i32
      %dma_wait3A_155 = arith.constant 0 : i32
      %dma_wait3A_156 = tpu.memref_slice %arg7[%rem3A_146, %dma_wait3A_154, %dma_wait3A_155] : memref<3x128x16xf32, #tpu.memory_space<vmem>> -> memref<1x128x16xf32, #tpu.memory_space<vmem>>
      %dma_wait3A_157 = tpu.memref_squeeze %dma_wait3A_156 : memref<1x128x16xf32, #tpu.memory_space<vmem>> -> memref<128x16xf32, #tpu.memory_space<vmem>>
      %dma_wait3A_158 = arith.constant 0 : i32
      %dma_wait3A_159 = tpu.memref_slice %arg5[%while3A_144, %dma_wait3A_158] : memref<79x128xi32, #tpu.memory_space<vmem>> -> memref<1x128xi32, #tpu.memory_space<vmem>>
      %dma_wait3A_160 = tpu.memref_squeeze %dma_wait3A_159 : memref<1x128xi32, #tpu.memory_space<vmem>> -> memref<128xi32, #tpu.memory_space<vmem>>
      %dma_wait3A_161 = arith.constant 0 : i32
      %dma_wait3A_162 = arith.constant 0 : i32
      %dma_wait3A_163 = tpu.memref_slice %arg8[%dma_wait3A_161, %dma_wait3A_162] : memref<10000x16xf32, #tpu.memory_space<vmem_shared>> -> memref<10000x16xf32, #tpu.memory_space<vmem_shared>>
      %dma_wait3A_164 = tpu.memref_slice %arg10[%rem3A_146] : memref<3x!tpu.dma_semaphore, #tpu.memory_space<semaphore_mem>> -> memref<1x!tpu.dma_semaphore, #tpu.memory_space<semaphore_mem>>
      %dma_wait3A_165 = tpu.memref_squeeze %dma_wait3A_164 : memref<1x!tpu.dma_semaphore, #tpu.memory_space<semaphore_mem>> -> memref<!tpu.dma_semaphore, #tpu.memory_space<semaphore_mem>>
      tpu.wait_indirect_dma semaphore(%dma_wait3A_165 : memref<!tpu.dma_semaphore, #tpu.memory_space<semaphore_mem>>) src(%dma_wait3A_163 : memref<10000x16xf32, #tpu.memory_space<vmem_shared>>) dst(%dma_wait3A_157 : memref<128x16xf32, #tpu.memory_space<vmem>>)
      %dma_start3A_166 = arith.constant 0 : i32
      %dma_start3A_167 = arith.constant 0 : i32
      %dma_start3A_168 = tpu.memref_slice %arg7[%rem3A_146, %dma_start3A_166, %dma_start3A_167] : memref<3x128x16xf32, #tpu.memory_space<vmem>> -> memref<1x128x16xf32, #tpu.memory_space<vmem>>
      %dma_start3A_169 = tpu.memref_squeeze %dma_start3A_168 : memref<1x128x16xf32, #tpu.memory_space<vmem>> -> memref<128x16xf32, #tpu.memory_space<vmem>>
      %dma_start3A_170 = arith.constant 0 : i32
      %dma_start3A_171 = tpu.memref_slice %arg6[%while3A_144, %dma_start3A_170] : memref<79x128xi32, #tpu.memory_space<vmem>> -> memref<1x128xi32, #tpu.memory_space<vmem>>
      %dma_start3A_172 = tpu.memref_squeeze %dma_start3A_171 : memref<1x128xi32, #tpu.memory_space<vmem>> -> memref<128xi32, #tpu.memory_space<vmem>>
      %dma_start3A_173 = arith.constant 0 : i32
      %dma_start3A_174 = arith.constant 0 : i32
      %dma_start3A_175 = tpu.memref_slice %arg9[%dma_start3A_173, %dma_start3A_174] : memref<10240x16xf32, #tpu.memory_space<vmem_shared>> -> memref<10240x16xf32, #tpu.memory_space<vmem_shared>>
      %dma_start3A_176 = tpu.memref_slice %arg11[%rem3A_146] : memref<3x!tpu.dma_semaphore, #tpu.memory_space<semaphore_mem>> -> memref<1x!tpu.dma_semaphore, #tpu.memory_space<semaphore_mem>>
      %dma_start3A_177 = tpu.memref_squeeze %dma_start3A_176 : memref<1x!tpu.dma_semaphore, #tpu.memory_space<semaphore_mem>> -> memref<!tpu.dma_semaphore, #tpu.memory_space<semaphore_mem>>
      tpu.enqueue_indirect_dma source(%dma_start3A_169 : memref<128x16xf32, #tpu.memory_space<vmem>>) target(%dma_start3A_175 : memref<10240x16xf32, #tpu.memory_space<vmem_shared>>) offsets(%dma_start3A_172 : memref<128xi32, #tpu.memory_space<vmem>>) semaphore(%dma_start3A_177 : memref<!tpu.dma_semaphore, #tpu.memory_space<semaphore_mem>>) {add = true}
      %while3A_178 = arith.constant 0 : i32
      scf.yield %while3A_178 : i32
    }
    %dma_wait3A = arith.constant 0 : i32
    %dma_wait3A_95 = arith.constant 0 : i32
    %dma_wait3A_96 = arith.constant 0 : i32
    %dma_wait3A_97 = arith.constant 0 : i32
    %dma_wait3A_98 = arith.constant 0 : i32
    %dma_wait3A_99 = tpu.memref_slice %arg7[%dma_wait3A, %dma_wait3A_97, %dma_wait3A_98] : memref<3x128x16xf32, #tpu.memory_space<vmem>> -> memref<1x128x16xf32, #tpu.memory_space<vmem>>
    %dma_wait3A_100 = tpu.memref_squeeze %dma_wait3A_99 : memref<1x128x16xf32, #tpu.memory_space<vmem>> -> memref<128x16xf32, #tpu.memory_space<vmem>>
    %dma_wait3A_101 = arith.constant 0 : i32
    %dma_wait3A_102 = tpu.memref_slice %arg6[%dma_wait3A_95, %dma_wait3A_101] : memref<79x128xi32, #tpu.memory_space<vmem>> -> memref<1x128xi32, #tpu.memory_space<vmem>>
    %dma_wait3A_103 = tpu.memref_squeeze %dma_wait3A_102 : memref<1x128xi32, #tpu.memory_space<vmem>> -> memref<128xi32, #tpu.memory_space<vmem>>
    %dma_wait3A_104 = arith.constant 0 : i32
    %dma_wait3A_105 = arith.constant 0 : i32
    %dma_wait3A_106 = tpu.memref_slice %arg9[%dma_wait3A_104, %dma_wait3A_105] : memref<10240x16xf32, #tpu.memory_space<vmem_shared>> -> memref<10240x16xf32, #tpu.memory_space<vmem_shared>>
    %dma_wait3A_107 = tpu.memref_slice %arg11[%dma_wait3A_96] : memref<3x!tpu.dma_semaphore, #tpu.memory_space<semaphore_mem>> -> memref<1x!tpu.dma_semaphore, #tpu.memory_space<semaphore_mem>>
    %dma_wait3A_108 = tpu.memref_squeeze %dma_wait3A_107 : memref<1x!tpu.dma_semaphore, #tpu.memory_space<semaphore_mem>> -> memref<!tpu.dma_semaphore, #tpu.memory_space<semaphore_mem>>
    tpu.wait_indirect_dma semaphore(%dma_wait3A_108 : memref<!tpu.dma_semaphore, #tpu.memory_space<semaphore_mem>>) src(%dma_wait3A_100 : memref<128x16xf32, #tpu.memory_space<vmem>>) dst(%dma_wait3A_106 : memref<10240x16xf32, #tpu.memory_space<vmem_shared>>)
    %dma_wait3A_109 = arith.constant 1 : i32
    %dma_wait3A_110 = arith.constant 0 : i32
    %dma_wait3A_111 = arith.constant 1 : i32
    %dma_wait3A_112 = arith.constant 0 : i32
    %dma_wait3A_113 = arith.constant 0 : i32
    %dma_wait3A_114 = tpu.memref_slice %arg7[%dma_wait3A_109, %dma_wait3A_112, %dma_wait3A_113] : memref<3x128x16xf32, #tpu.memory_space<vmem>> -> memref<1x128x16xf32, #tpu.memory_space<vmem>>
    %dma_wait3A_115 = tpu.memref_squeeze %dma_wait3A_114 : memref<1x128x16xf32, #tpu.memory_space<vmem>> -> memref<128x16xf32, #tpu.memory_space<vmem>>
    %dma_wait3A_116 = arith.constant 0 : i32
    %dma_wait3A_117 = tpu.memref_slice %arg6[%dma_wait3A_110, %dma_wait3A_116] : memref<79x128xi32, #tpu.memory_space<vmem>> -> memref<1x128xi32, #tpu.memory_space<vmem>>
    %dma_wait3A_118 = tpu.memref_squeeze %dma_wait3A_117 : memref<1x128xi32, #tpu.memory_space<vmem>> -> memref<128xi32, #tpu.memory_space<vmem>>
    %dma_wait3A_119 = arith.constant 0 : i32
    %dma_wait3A_120 = arith.constant 0 : i32
    %dma_wait3A_121 = tpu.memref_slice %arg9[%dma_wait3A_119, %dma_wait3A_120] : memref<10240x16xf32, #tpu.memory_space<vmem_shared>> -> memref<10240x16xf32, #tpu.memory_space<vmem_shared>>
    %dma_wait3A_122 = tpu.memref_slice %arg11[%dma_wait3A_111] : memref<3x!tpu.dma_semaphore, #tpu.memory_space<semaphore_mem>> -> memref<1x!tpu.dma_semaphore, #tpu.memory_space<semaphore_mem>>
    %dma_wait3A_123 = tpu.memref_squeeze %dma_wait3A_122 : memref<1x!tpu.dma_semaphore, #tpu.memory_space<semaphore_mem>> -> memref<!tpu.dma_semaphore, #tpu.memory_space<semaphore_mem>>
    tpu.wait_indirect_dma semaphore(%dma_wait3A_123 : memref<!tpu.dma_semaphore, #tpu.memory_space<semaphore_mem>>) src(%dma_wait3A_115 : memref<128x16xf32, #tpu.memory_space<vmem>>) dst(%dma_wait3A_121 : memref<10240x16xf32, #tpu.memory_space<vmem_shared>>)
    %dma_wait3A_124 = arith.constant 2 : i32
    %dma_wait3A_125 = arith.constant 0 : i32
    %dma_wait3A_126 = arith.constant 2 : i32
    %dma_wait3A_127 = arith.constant 0 : i32
    %dma_wait3A_128 = arith.constant 0 : i32
    %dma_wait3A_129 = tpu.memref_slice %arg7[%dma_wait3A_124, %dma_wait3A_127, %dma_wait3A_128] : memref<3x128x16xf32, #tpu.memory_space<vmem>> -> memref<1x128x16xf32, #tpu.memory_space<vmem>>
    %dma_wait3A_130 = tpu.memref_squeeze %dma_wait3A_129 : memref<1x128x16xf32, #tpu.memory_space<vmem>> -> memref<128x16xf32, #tpu.memory_space<vmem>>
    %dma_wait3A_131 = arith.constant 0 : i32
    %dma_wait3A_132 = tpu.memref_slice %arg6[%dma_wait3A_125, %dma_wait3A_131] : memref<79x128xi32, #tpu.memory_space<vmem>> -> memref<1x128xi32, #tpu.memory_space<vmem>>
    %dma_wait3A_133 = tpu.memref_squeeze %dma_wait3A_132 : memref<1x128xi32, #tpu.memory_space<vmem>> -> memref<128xi32, #tpu.memory_space<vmem>>
    %dma_wait3A_134 = arith.constant 0 : i32
    %dma_wait3A_135 = arith.constant 0 : i32
    %dma_wait3A_136 = tpu.memref_slice %arg9[%dma_wait3A_134, %dma_wait3A_135] : memref<10240x16xf32, #tpu.memory_space<vmem_shared>> -> memref<10240x16xf32, #tpu.memory_space<vmem_shared>>
    %dma_wait3A_137 = tpu.memref_slice %arg11[%dma_wait3A_126] : memref<3x!tpu.dma_semaphore, #tpu.memory_space<semaphore_mem>> -> memref<1x!tpu.dma_semaphore, #tpu.memory_space<semaphore_mem>>
    %dma_wait3A_138 = tpu.memref_squeeze %dma_wait3A_137 : memref<1x!tpu.dma_semaphore, #tpu.memory_space<semaphore_mem>> -> memref<!tpu.dma_semaphore, #tpu.memory_space<semaphore_mem>>
    tpu.wait_indirect_dma semaphore(%dma_wait3A_138 : memref<!tpu.dma_semaphore, #tpu.memory_space<semaphore_mem>>) src(%dma_wait3A_130 : memref<128x16xf32, #tpu.memory_space<vmem>>) dst(%dma_wait3A_136 : memref<10240x16xf32, #tpu.memory_space<vmem_shared>>)
    %barrier3A_139 = arith.constant 0 : index
    tpu.barrier barrier_id(%barrier3A_139)
    %mul3A_140 = arith.constant 640 : i32
    %mul3A_141 = arith.muli %arg1, %mul3A_140 : i32
    %mul3A_142 = arith.constant 640 : i32
    %mul3A_143 = arith.muli %arg1, %mul3A_142 : i32
    "tpu.region"() ({
      %run_scoped3A_144 = tpu.sem_alloc : memref<!tpu.dma_semaphore, #tpu.memory_space<semaphore_mem>>
      %dma_start3A_145 = arith.constant 0 : i32
      %dma_start3A_146 = tpu.memref_slice %arg4[%arg0, %mul3A_143, %dma_start3A_145] : memref<2x10240x16xf32, #tpu.memory_space<hbm>> -> memref<1x640x16xf32, #tpu.memory_space<hbm>>
      %dma_start3A_147 = tpu.memref_squeeze %dma_start3A_146 : memref<1x640x16xf32, #tpu.memory_space<hbm>> -> memref<640x16xf32, #tpu.memory_space<hbm>>
      %dma_start3A_148 = arith.constant 0 : i32
      %dma_start3A_149 = tpu.memref_slice %arg9[%mul3A_141, %dma_start3A_148] : memref<10240x16xf32, #tpu.memory_space<vmem_shared>> -> memref<640x16xf32, #tpu.memory_space<vmem_shared>>
      tpu.enqueue_dma source(%dma_start3A_149 : memref<640x16xf32, #tpu.memory_space<vmem_shared>>) target(%dma_start3A_147 : memref<640x16xf32, #tpu.memory_space<hbm>>) target_semaphore(%run_scoped3A_144 : memref<!tpu.dma_semaphore, #tpu.memory_space<semaphore_mem>>)
      %dma_wait3A_150 = arith.constant 0 : i32
      %dma_wait3A_151 = tpu.memref_slice %arg4[%arg0, %mul3A_143, %dma_wait3A_150] : memref<2x10240x16xf32, #tpu.memory_space<hbm>> -> memref<1x640x16xf32, #tpu.memory_space<hbm>>
      %dma_wait3A_152 = tpu.memref_squeeze %dma_wait3A_151 : memref<1x640x16xf32, #tpu.memory_space<hbm>> -> memref<640x16xf32, #tpu.memory_space<hbm>>
      %dma_wait3A_153 = arith.constant 0 : i32
      %dma_wait3A_154 = tpu.memref_slice %arg9[%mul3A_141, %dma_wait3A_153] : memref<10240x16xf32, #tpu.memory_space<vmem_shared>> -> memref<640x16xf32, #tpu.memory_space<vmem_shared>>
      tpu.wait_dma2 semaphore(%run_scoped3A_144 : memref<!tpu.dma_semaphore, #tpu.memory_space<semaphore_mem>>) src(%dma_wait3A_154 : memref<640x16xf32, #tpu.memory_space<vmem_shared>>) dst(%dma_wait3A_152 : memref<640x16xf32, #tpu.memory_space<hbm>>)
      tpu.yield
    }) : () -> ()
    return
  }
}

#map = affine_map<(d0, d1) -> (0, 0)>
#map1 = affine_map<(d0, d1) -> (0, 0, 0)>
module attributes {stable_mosaic.version = 14 : i64} {
  func.func @_prop_body(%arg0: i32, %arg1: i32, %arg2: memref<10000x64xf32, #tpu.memory_space<hbm>>, %arg3: memref<2x2500x128xi32, #tpu.memory_space<hbm>>, %arg4: memref<2x10240x64xf32, #tpu.memory_space<hbm>>, %arg5: memref<79x128xi32, #tpu.memory_space<vmem>>, %arg6: memref<79x128xi32, #tpu.memory_space<vmem>>, %arg7: memref<3x128x64xf32, #tpu.memory_space<vmem>>, %arg8: memref<10000x64xf32, #tpu.memory_space<vmem_shared>>, %arg9: memref<10240x64xf32, #tpu.memory_space<vmem_shared>>, %arg10: memref<3x!tpu.dma_semaphore, #tpu.memory_space<semaphore_mem>>, %arg11: memref<3x!tpu.dma_semaphore, #tpu.memory_space<semaphore_mem>>) attributes {dimension_semantics = [#tpu.dimension_semantics<core_parallel>, #tpu.dimension_semantics<subcore_parallel>], iteration_bounds = array<i64: 2, 16>, scalar_prefetch = 0 : i64, scratch_operands = 7 : i64, tpu.core_type = #tpu.core_type<sc_vector_subcore>, window_params = [{transform_indices = #map}, {transform_indices = #map1}, {transform_indices = #map1}]} {
    %mul3A = arith.constant 16 : i32
    %mul3A_0 = arith.muli %arg0, %mul3A : i32
    %add3A = arith.addi %mul3A_0, %arg1 : i32
    %eq3A = arith.constant 31 : i32
    %eq3A_1 = arith.cmpi eq, %add3A, %eq3A : i32
    %jit3A = arith.constant 51 : i32
    %jit3A_2 = arith.constant 79 : i32
    %select_n3A = arith.select %eq3A_1, %jit3A, %jit3A_2 : i32
    %scan3A = arith.constant 0 : i32
    %scan3A_3 = arith.constant 0 : i32
    %scan3A_4 = arith.constant 0 : i32
    %scan3A_5 = arith.constant 128 : i32
    %scan3A_6 = arith.addi %scan3A_4, %scan3A_5 : i32
    %scan3A_7 = arith.constant 1 : i32
    %scan3A_8 = scf.for %scan3A_144 = %scan3A_4 to %scan3A_6 step %scan3A_7 iter_args(%scan3A_145 = %scan3A_3) -> (i32)  : i32 {
      %broadcast_in_dim3A = arith.constant 0.000000e+00 : f32
      %broadcast_in_dim3A_146 = vector.broadcast %broadcast_in_dim3A : f32 to vector<16xf32>
      %swap3A = arith.constant 0 : i32
      %swap3A_147 = arith.constant 0 : i32
      %swap3A_148 = tpu.memref_slice %arg7[%scan3A, %swap3A, %swap3A_147] : memref<3x128x64xf32, #tpu.memory_space<vmem>> -> memref<1x128x64xf32, #tpu.memory_space<vmem>>
      %swap3A_149 = tpu.memref_squeeze %swap3A_148 : memref<1x128x64xf32, #tpu.memory_space<vmem>> -> memref<128x64xf32, #tpu.memory_space<vmem>>
      %swap3A_150 = arith.index_cast %scan3A_144 : i32 to index
      %swap3A_151 = arith.constant 0 : index
      %swap3A_152 = tpu.vector_load %swap3A_149[%swap3A_150, %swap3A_151] {strides = array<i32>} : memref<128x64xf32, #tpu.memory_space<vmem>>, vector<1x16xf32>,
      %swap3A_153 = vector.shape_cast %swap3A_152 : vector<1x16xf32> to vector<16xf32>
      %swap3A_154 = vector.shape_cast %broadcast_in_dim3A_146 : vector<16xf32> to vector<1x16xf32>
      tpu.vector_store %swap3A_149[%swap3A_150, %swap3A_151], %swap3A_154 {strides = array<i32>} : memref<128x64xf32, #tpu.memory_space<vmem>>, vector<1x16xf32>,
      %broadcast_in_dim3A_155 = arith.constant 0.000000e+00 : f32
      %broadcast_in_dim3A_156 = vector.broadcast %broadcast_in_dim3A_155 : f32 to vector<16xf32>
      %swap3A_157 = arith.constant 0 : i32
      %swap3A_158 = arith.constant 0 : i32
      %swap3A_159 = tpu.memref_slice %arg7[%scan3A, %swap3A_157, %swap3A_158] : memref<3x128x64xf32, #tpu.memory_space<vmem>> -> memref<1x128x64xf32, #tpu.memory_space<vmem>>
      %swap3A_160 = tpu.memref_squeeze %swap3A_159 : memref<1x128x64xf32, #tpu.memory_space<vmem>> -> memref<128x64xf32, #tpu.memory_space<vmem>>
      %swap3A_161 = arith.index_cast %scan3A_144 : i32 to index
      %swap3A_162 = arith.constant 16 : index
      %swap3A_163 = tpu.vector_load %swap3A_160[%swap3A_161, %swap3A_162] {strides = array<i32>} : memref<128x64xf32, #tpu.memory_space<vmem>>, vector<1x16xf32>,
      %swap3A_164 = vector.shape_cast %swap3A_163 : vector<1x16xf32> to vector<16xf32>
      %swap3A_165 = vector.shape_cast %broadcast_in_dim3A_156 : vector<16xf32> to vector<1x16xf32>
      tpu.vector_store %swap3A_160[%swap3A_161, %swap3A_162], %swap3A_165 {strides = array<i32>} : memref<128x64xf32, #tpu.memory_space<vmem>>, vector<1x16xf32>,
      %broadcast_in_dim3A_166 = arith.constant 0.000000e+00 : f32
      %broadcast_in_dim3A_167 = vector.broadcast %broadcast_in_dim3A_166 : f32 to vector<16xf32>
      %swap3A_168 = arith.constant 0 : i32
      %swap3A_169 = arith.constant 0 : i32
      %swap3A_170 = tpu.memref_slice %arg7[%scan3A, %swap3A_168, %swap3A_169] : memref<3x128x64xf32, #tpu.memory_space<vmem>> -> memref<1x128x64xf32, #tpu.memory_space<vmem>>
      %swap3A_171 = tpu.memref_squeeze %swap3A_170 : memref<1x128x64xf32, #tpu.memory_space<vmem>> -> memref<128x64xf32, #tpu.memory_space<vmem>>
      %swap3A_172 = arith.index_cast %scan3A_144 : i32 to index
      %swap3A_173 = arith.constant 32 : index
      %swap3A_174 = tpu.vector_load %swap3A_171[%swap3A_172, %swap3A_173] {strides = array<i32>} : memref<128x64xf32, #tpu.memory_space<vmem>>, vector<1x16xf32>,
      %swap3A_175 = vector.shape_cast %swap3A_174 : vector<1x16xf32> to vector<16xf32>
      %swap3A_176 = vector.shape_cast %broadcast_in_dim3A_167 : vector<16xf32> to vector<1x16xf32>
      tpu.vector_store %swap3A_171[%swap3A_172, %swap3A_173], %swap3A_176 {strides = array<i32>} : memref<128x64xf32, #tpu.memory_space<vmem>>, vector<1x16xf32>,
      %broadcast_in_dim3A_177 = arith.constant 0.000000e+00 : f32
      %broadcast_in_dim3A_178 = vector.broadcast %broadcast_in_dim3A_177 : f32 to vector<16xf32>
      %swap3A_179 = arith.constant 0 : i32
      %swap3A_180 = arith.constant 0 : i32
      %swap3A_181 = tpu.memref_slice %arg7[%scan3A, %swap3A_179, %swap3A_180] : memref<3x128x64xf32, #tpu.memory_space<vmem>> -> memref<1x128x64xf32, #tpu.memory_space<vmem>>
      %swap3A_182 = tpu.memref_squeeze %swap3A_181 : memref<1x128x64xf32, #tpu.memory_space<vmem>> -> memref<128x64xf32, #tpu.memory_space<vmem>>
      %swap3A_183 = arith.index_cast %scan3A_144 : i32 to index
      %swap3A_184 = arith.constant 48 : index
      %swap3A_185 = tpu.vector_load %swap3A_182[%swap3A_183, %swap3A_184] {strides = array<i32>} : memref<128x64xf32, #tpu.memory_space<vmem>>, vector<1x16xf32>,
      %swap3A_186 = vector.shape_cast %swap3A_185 : vector<1x16xf32> to vector<16xf32>
      %swap3A_187 = vector.shape_cast %broadcast_in_dim3A_178 : vector<16xf32> to vector<1x16xf32>
      tpu.vector_store %swap3A_182[%swap3A_183, %swap3A_184], %swap3A_187 {strides = array<i32>} : memref<128x64xf32, #tpu.memory_space<vmem>>, vector<1x16xf32>,
      %scan3A_188 = arith.constant 0 : i32
      scf.yield %scan3A_188 : i32
    }
    %scan3A_9 = arith.constant 128 : i32
    %lt3A = arith.constant 31 : i32
    %lt3A_10 = arith.cmpi slt, %add3A, %lt3A : i32
    %convert_element_type3A = arith.extui %lt3A_10 : i1 to i32
    %cond3A = arith.constant 0 : i32
    %cond3A_11 = arith.cmpi ne, %convert_element_type3A, %cond3A : i32
    scf.if %cond3A_11 {
      %mul3A_144 = arith.constant 79 : i32
      %mul3A_145 = arith.muli %add3A, %mul3A_144 : i32
      %run_scoped3A_146 = arith.constant 0 : i32
      "tpu.region"() ({
        %run_scoped3A_147 = tpu.sem_alloc : memref<!tpu.dma_semaphore, #tpu.memory_space<semaphore_mem>>
        %dma_start3A_148 = arith.constant 0 : i32
        %dma_start3A_149 = tpu.memref_slice %arg3[%run_scoped3A_146, %mul3A_145, %dma_start3A_148] : memref<2x2500x128xi32, #tpu.memory_space<hbm>> -> memref<1x79x128xi32, #tpu.memory_space<hbm>>
        %dma_start3A_150 = tpu.memref_squeeze %dma_start3A_149 : memref<1x79x128xi32, #tpu.memory_space<hbm>> -> memref<79x128xi32, #tpu.memory_space<hbm>>
        %dma_start3A_151 = arith.constant 0 : i32
        %dma_start3A_152 = tpu.memref_slice %arg3[%run_scoped3A_146, %mul3A_145, %dma_start3A_151] : memref<2x2500x128xi32, #tpu.memory_space<hbm>> -> memref<1x79x128xi32, #tpu.memory_space<hbm>>
        %dma_start3A_153 = tpu.memref_squeeze %dma_start3A_152 : memref<1x79x128xi32, #tpu.memory_space<hbm>> -> memref<79x128xi32, #tpu.memory_space<hbm>>
        tpu.enqueue_dma source(%dma_start3A_153 : memref<79x128xi32, #tpu.memory_space<hbm>>) target(%arg5 : memref<79x128xi32, #tpu.memory_space<vmem>>) target_semaphore(%run_scoped3A_147 : memref<!tpu.dma_semaphore, #tpu.memory_space<semaphore_mem>>)
        %dma_wait3A_154 = arith.constant 0 : i32
        %dma_wait3A_155 = tpu.memref_slice %arg3[%run_scoped3A_146, %mul3A_145, %dma_wait3A_154] : memref<2x2500x128xi32, #tpu.memory_space<hbm>> -> memref<1x79x128xi32, #tpu.memory_space<hbm>>
        %dma_wait3A_156 = tpu.memref_squeeze %dma_wait3A_155 : memref<1x79x128xi32, #tpu.memory_space<hbm>> -> memref<79x128xi32, #tpu.memory_space<hbm>>
        %dma_wait3A_157 = arith.constant 0 : i32
        %dma_wait3A_158 = tpu.memref_slice %arg3[%run_scoped3A_146, %mul3A_145, %dma_wait3A_157] : memref<2x2500x128xi32, #tpu.memory_space<hbm>> -> memref<1x79x128xi32, #tpu.memory_space<hbm>>
        %dma_wait3A_159 = tpu.memref_squeeze %dma_wait3A_158 : memref<1x79x128xi32, #tpu.memory_space<hbm>> -> memref<79x128xi32, #tpu.memory_space<hbm>>
        tpu.wait_dma2 semaphore(%run_scoped3A_147 : memref<!tpu.dma_semaphore, #tpu.memory_space<semaphore_mem>>) src(%dma_wait3A_159 : memref<79x128xi32, #tpu.memory_space<hbm>>) dst(%arg5 : memref<79x128xi32, #tpu.memory_space<vmem>>)
        tpu.yield
      }) : () -> ()
    } else {
    }
    %eq3A_12 = arith.constant 31 : i32
    %eq3A_13 = arith.cmpi eq, %add3A, %eq3A_12 : i32
    %convert_element_type3A_14 = arith.extui %eq3A_13 : i1 to i32
    %cond3A_15 = arith.constant 0 : i32
    %cond3A_16 = arith.cmpi ne, %convert_element_type3A_14, %cond3A_15 : i32
    scf.if %cond3A_16 {
      %mul3A_144 = arith.constant 79 : i32
      %mul3A_145 = arith.muli %add3A, %mul3A_144 : i32
      %run_scoped3A_146 = arith.constant 0 : i32
      "tpu.region"() ({
        %run_scoped3A_147 = tpu.sem_alloc : memref<!tpu.dma_semaphore, #tpu.memory_space<semaphore_mem>>
        %dma_start3A_148 = arith.constant 0 : i32
        %dma_start3A_149 = arith.constant 0 : i32
        %dma_start3A_150 = tpu.memref_slice %arg5[%dma_start3A_148, %dma_start3A_149] : memref<79x128xi32, #tpu.memory_space<vmem>> -> memref<51x128xi32, #tpu.memory_space<vmem>>
        %dma_start3A_151 = arith.constant 0 : i32
        %dma_start3A_152 = tpu.memref_slice %arg3[%run_scoped3A_146, %mul3A_145, %dma_start3A_151] : memref<2x2500x128xi32, #tpu.memory_space<hbm>> -> memref<1x51x128xi32, #tpu.memory_space<hbm>>
        %dma_start3A_153 = tpu.memref_squeeze %dma_start3A_152 : memref<1x51x128xi32, #tpu.memory_space<hbm>> -> memref<51x128xi32, #tpu.memory_space<hbm>>
        %dma_start3A_154 = arith.constant 0 : i32
        %dma_start3A_155 = arith.constant 0 : i32
        %dma_start3A_156 = tpu.memref_slice %arg5[%dma_start3A_154, %dma_start3A_155] : memref<79x128xi32, #tpu.memory_space<vmem>> -> memref<51x128xi32, #tpu.memory_space<vmem>>
        %dma_start3A_157 = arith.constant 0 : i32
        %dma_start3A_158 = tpu.memref_slice %arg3[%run_scoped3A_146, %mul3A_145, %dma_start3A_157] : memref<2x2500x128xi32, #tpu.memory_space<hbm>> -> memref<1x51x128xi32, #tpu.memory_space<hbm>>
        %dma_start3A_159 = tpu.memref_squeeze %dma_start3A_158 : memref<1x51x128xi32, #tpu.memory_space<hbm>> -> memref<51x128xi32, #tpu.memory_space<hbm>>
        tpu.enqueue_dma source(%dma_start3A_159 : memref<51x128xi32, #tpu.memory_space<hbm>>) target(%dma_start3A_156 : memref<51x128xi32, #tpu.memory_space<vmem>>) target_semaphore(%run_scoped3A_147 : memref<!tpu.dma_semaphore, #tpu.memory_space<semaphore_mem>>)
        %dma_wait3A_160 = arith.constant 0 : i32
        %dma_wait3A_161 = arith.constant 0 : i32
        %dma_wait3A_162 = tpu.memref_slice %arg5[%dma_wait3A_160, %dma_wait3A_161] : memref<79x128xi32, #tpu.memory_space<vmem>> -> memref<51x128xi32, #tpu.memory_space<vmem>>
        %dma_wait3A_163 = arith.constant 0 : i32
        %dma_wait3A_164 = tpu.memref_slice %arg3[%run_scoped3A_146, %mul3A_145, %dma_wait3A_163] : memref<2x2500x128xi32, #tpu.memory_space<hbm>> -> memref<1x51x128xi32, #tpu.memory_space<hbm>>
        %dma_wait3A_165 = tpu.memref_squeeze %dma_wait3A_164 : memref<1x51x128xi32, #tpu.memory_space<hbm>> -> memref<51x128xi32, #tpu.memory_space<hbm>>
        %dma_wait3A_166 = arith.constant 0 : i32
        %dma_wait3A_167 = arith.constant 0 : i32
        %dma_wait3A_168 = tpu.memref_slice %arg5[%dma_wait3A_166, %dma_wait3A_167] : memref<79x128xi32, #tpu.memory_space<vmem>> -> memref<51x128xi32, #tpu.memory_space<vmem>>
        %dma_wait3A_169 = arith.constant 0 : i32
        %dma_wait3A_170 = tpu.memref_slice %arg3[%run_scoped3A_146, %mul3A_145, %dma_wait3A_169] : memref<2x2500x128xi32, #tpu.memory_space<hbm>> -> memref<1x51x128xi32, #tpu.memory_space<hbm>>
        %dma_wait3A_171 = tpu.memref_squeeze %dma_wait3A_170 : memref<1x51x128xi32, #tpu.memory_space<hbm>> -> memref<51x128xi32, #tpu.memory_space<hbm>>
        tpu.wait_dma2 semaphore(%run_scoped3A_147 : memref<!tpu.dma_semaphore, #tpu.memory_space<semaphore_mem>>) src(%dma_wait3A_171 : memref<51x128xi32, #tpu.memory_space<hbm>>) dst(%dma_wait3A_168 : memref<51x128xi32, #tpu.memory_space<vmem>>)
        tpu.yield
      }) : () -> ()
    } else {
    }
    %lt3A_17 = arith.constant 31 : i32
    %lt3A_18 = arith.cmpi slt, %add3A, %lt3A_17 : i32
    %convert_element_type3A_19 = arith.extui %lt3A_18 : i1 to i32
    %cond3A_20 = arith.constant 0 : i32
    %cond3A_21 = arith.cmpi ne, %convert_element_type3A_19, %cond3A_20 : i32
    scf.if %cond3A_21 {
      %mul3A_144 = arith.constant 79 : i32
      %mul3A_145 = arith.muli %add3A, %mul3A_144 : i32
      %run_scoped3A_146 = arith.constant 1 : i32
      "tpu.region"() ({
        %run_scoped3A_147 = tpu.sem_alloc : memref<!tpu.dma_semaphore, #tpu.memory_space<semaphore_mem>>
        %dma_start3A_148 = arith.constant 0 : i32
        %dma_start3A_149 = tpu.memref_slice %arg3[%run_scoped3A_146, %mul3A_145, %dma_start3A_148] : memref<2x2500x128xi32, #tpu.memory_space<hbm>> -> memref<1x79x128xi32, #tpu.memory_space<hbm>>
        %dma_start3A_150 = tpu.memref_squeeze %dma_start3A_149 : memref<1x79x128xi32, #tpu.memory_space<hbm>> -> memref<79x128xi32, #tpu.memory_space<hbm>>
        %dma_start3A_151 = arith.constant 0 : i32
        %dma_start3A_152 = tpu.memref_slice %arg3[%run_scoped3A_146, %mul3A_145, %dma_start3A_151] : memref<2x2500x128xi32, #tpu.memory_space<hbm>> -> memref<1x79x128xi32, #tpu.memory_space<hbm>>
        %dma_start3A_153 = tpu.memref_squeeze %dma_start3A_152 : memref<1x79x128xi32, #tpu.memory_space<hbm>> -> memref<79x128xi32, #tpu.memory_space<hbm>>
        tpu.enqueue_dma source(%dma_start3A_153 : memref<79x128xi32, #tpu.memory_space<hbm>>) target(%arg6 : memref<79x128xi32, #tpu.memory_space<vmem>>) target_semaphore(%run_scoped3A_147 : memref<!tpu.dma_semaphore, #tpu.memory_space<semaphore_mem>>)
        %dma_wait3A_154 = arith.constant 0 : i32
        %dma_wait3A_155 = tpu.memref_slice %arg3[%run_scoped3A_146, %mul3A_145, %dma_wait3A_154] : memref<2x2500x128xi32, #tpu.memory_space<hbm>> -> memref<1x79x128xi32, #tpu.memory_space<hbm>>
        %dma_wait3A_156 = tpu.memref_squeeze %dma_wait3A_155 : memref<1x79x128xi32, #tpu.memory_space<hbm>> -> memref<79x128xi32, #tpu.memory_space<hbm>>
        %dma_wait3A_157 = arith.constant 0 : i32
        %dma_wait3A_158 = tpu.memref_slice %arg3[%run_scoped3A_146, %mul3A_145, %dma_wait3A_157] : memref<2x2500x128xi32, #tpu.memory_space<hbm>> -> memref<1x79x128xi32, #tpu.memory_space<hbm>>
        %dma_wait3A_159 = tpu.memref_squeeze %dma_wait3A_158 : memref<1x79x128xi32, #tpu.memory_space<hbm>> -> memref<79x128xi32, #tpu.memory_space<hbm>>
        tpu.wait_dma2 semaphore(%run_scoped3A_147 : memref<!tpu.dma_semaphore, #tpu.memory_space<semaphore_mem>>) src(%dma_wait3A_159 : memref<79x128xi32, #tpu.memory_space<hbm>>) dst(%arg6 : memref<79x128xi32, #tpu.memory_space<vmem>>)
        tpu.yield
      }) : () -> ()
    } else {
    }
    %eq3A_22 = arith.constant 31 : i32
    %eq3A_23 = arith.cmpi eq, %add3A, %eq3A_22 : i32
    %convert_element_type3A_24 = arith.extui %eq3A_23 : i1 to i32
    %cond3A_25 = arith.constant 0 : i32
    %cond3A_26 = arith.cmpi ne, %convert_element_type3A_24, %cond3A_25 : i32
    scf.if %cond3A_26 {
      %mul3A_144 = arith.constant 79 : i32
      %mul3A_145 = arith.muli %add3A, %mul3A_144 : i32
      %run_scoped3A_146 = arith.constant 1 : i32
      "tpu.region"() ({
        %run_scoped3A_147 = tpu.sem_alloc : memref<!tpu.dma_semaphore, #tpu.memory_space<semaphore_mem>>
        %dma_start3A_148 = arith.constant 0 : i32
        %dma_start3A_149 = arith.constant 0 : i32
        %dma_start3A_150 = tpu.memref_slice %arg6[%dma_start3A_148, %dma_start3A_149] : memref<79x128xi32, #tpu.memory_space<vmem>> -> memref<51x128xi32, #tpu.memory_space<vmem>>
        %dma_start3A_151 = arith.constant 0 : i32
        %dma_start3A_152 = tpu.memref_slice %arg3[%run_scoped3A_146, %mul3A_145, %dma_start3A_151] : memref<2x2500x128xi32, #tpu.memory_space<hbm>> -> memref<1x51x128xi32, #tpu.memory_space<hbm>>
        %dma_start3A_153 = tpu.memref_squeeze %dma_start3A_152 : memref<1x51x128xi32, #tpu.memory_space<hbm>> -> memref<51x128xi32, #tpu.memory_space<hbm>>
        %dma_start3A_154 = arith.constant 0 : i32
        %dma_start3A_155 = arith.constant 0 : i32
        %dma_start3A_156 = tpu.memref_slice %arg6[%dma_start3A_154, %dma_start3A_155] : memref<79x128xi32, #tpu.memory_space<vmem>> -> memref<51x128xi32, #tpu.memory_space<vmem>>
        %dma_start3A_157 = arith.constant 0 : i32
        %dma_start3A_158 = tpu.memref_slice %arg3[%run_scoped3A_146, %mul3A_145, %dma_start3A_157] : memref<2x2500x128xi32, #tpu.memory_space<hbm>> -> memref<1x51x128xi32, #tpu.memory_space<hbm>>
        %dma_start3A_159 = tpu.memref_squeeze %dma_start3A_158 : memref<1x51x128xi32, #tpu.memory_space<hbm>> -> memref<51x128xi32, #tpu.memory_space<hbm>>
        tpu.enqueue_dma source(%dma_start3A_159 : memref<51x128xi32, #tpu.memory_space<hbm>>) target(%dma_start3A_156 : memref<51x128xi32, #tpu.memory_space<vmem>>) target_semaphore(%run_scoped3A_147 : memref<!tpu.dma_semaphore, #tpu.memory_space<semaphore_mem>>)
        %dma_wait3A_160 = arith.constant 0 : i32
        %dma_wait3A_161 = arith.constant 0 : i32
        %dma_wait3A_162 = tpu.memref_slice %arg6[%dma_wait3A_160, %dma_wait3A_161] : memref<79x128xi32, #tpu.memory_space<vmem>> -> memref<51x128xi32, #tpu.memory_space<vmem>>
        %dma_wait3A_163 = arith.constant 0 : i32
        %dma_wait3A_164 = tpu.memref_slice %arg3[%run_scoped3A_146, %mul3A_145, %dma_wait3A_163] : memref<2x2500x128xi32, #tpu.memory_space<hbm>> -> memref<1x51x128xi32, #tpu.memory_space<hbm>>
        %dma_wait3A_165 = tpu.memref_squeeze %dma_wait3A_164 : memref<1x51x128xi32, #tpu.memory_space<hbm>> -> memref<51x128xi32, #tpu.memory_space<hbm>>
        %dma_wait3A_166 = arith.constant 0 : i32
        %dma_wait3A_167 = arith.constant 0 : i32
        %dma_wait3A_168 = tpu.memref_slice %arg6[%dma_wait3A_166, %dma_wait3A_167] : memref<79x128xi32, #tpu.memory_space<vmem>> -> memref<51x128xi32, #tpu.memory_space<vmem>>
        %dma_wait3A_169 = arith.constant 0 : i32
        %dma_wait3A_170 = tpu.memref_slice %arg3[%run_scoped3A_146, %mul3A_145, %dma_wait3A_169] : memref<2x2500x128xi32, #tpu.memory_space<hbm>> -> memref<1x51x128xi32, #tpu.memory_space<hbm>>
        %dma_wait3A_171 = tpu.memref_squeeze %dma_wait3A_170 : memref<1x51x128xi32, #tpu.memory_space<hbm>> -> memref<51x128xi32, #tpu.memory_space<hbm>>
        tpu.wait_dma2 semaphore(%run_scoped3A_147 : memref<!tpu.dma_semaphore, #tpu.memory_space<semaphore_mem>>) src(%dma_wait3A_171 : memref<51x128xi32, #tpu.memory_space<hbm>>) dst(%dma_wait3A_168 : memref<51x128xi32, #tpu.memory_space<vmem>>)
        tpu.yield
      }) : () -> ()
    } else {
    }
    %mul3A_27 = arith.constant 625 : i32
    %mul3A_28 = arith.muli %arg1, %mul3A_27 : i32
    %mul3A_29 = arith.constant 625 : i32
    %mul3A_30 = arith.muli %arg1, %mul3A_29 : i32
    "tpu.region"() ({
      %run_scoped3A_144 = tpu.sem_alloc : memref<!tpu.dma_semaphore, #tpu.memory_space<semaphore_mem>>
      %dma_start3A_145 = arith.constant 0 : i32
      %dma_start3A_146 = tpu.memref_slice %arg8[%mul3A_30, %dma_start3A_145] : memref<10000x64xf32, #tpu.memory_space<vmem_shared>> -> memref<625x64xf32, #tpu.memory_space<vmem_shared>>
      %dma_start3A_147 = arith.constant 0 : i32
      %dma_start3A_148 = tpu.memref_slice %arg2[%mul3A_28, %dma_start3A_147] : memref<10000x64xf32, #tpu.memory_space<hbm>> -> memref<625x64xf32, #tpu.memory_space<hbm>>
      tpu.enqueue_dma source(%dma_start3A_148 : memref<625x64xf32, #tpu.memory_space<hbm>>) target(%dma_start3A_146 : memref<625x64xf32, #tpu.memory_space<vmem_shared>>) target_semaphore(%run_scoped3A_144 : memref<!tpu.dma_semaphore, #tpu.memory_space<semaphore_mem>>)
      %dma_wait3A_149 = arith.constant 0 : i32
      %dma_wait3A_150 = tpu.memref_slice %arg8[%mul3A_30, %dma_wait3A_149] : memref<10000x64xf32, #tpu.memory_space<vmem_shared>> -> memref<625x64xf32, #tpu.memory_space<vmem_shared>>
      %dma_wait3A_151 = arith.constant 0 : i32
      %dma_wait3A_152 = tpu.memref_slice %arg2[%mul3A_28, %dma_wait3A_151] : memref<10000x64xf32, #tpu.memory_space<hbm>> -> memref<625x64xf32, #tpu.memory_space<hbm>>
      tpu.wait_dma2 semaphore(%run_scoped3A_144 : memref<!tpu.dma_semaphore, #tpu.memory_space<semaphore_mem>>) src(%dma_wait3A_152 : memref<625x64xf32, #tpu.memory_space<hbm>>) dst(%dma_wait3A_150 : memref<625x64xf32, #tpu.memory_space<vmem_shared>>)
      tpu.yield
    }) : () -> ()
    %mul3A_31 = arith.constant 640 : i32
    %mul3A_32 = arith.muli %arg1, %mul3A_31 : i32
    %add3A_33 = arith.constant 0 : i32
    %add3A_34 = arith.addi %mul3A_32, %add3A_33 : i32
    %run_scoped3A = arith.constant 0 : i32
    "tpu.region"() ({
      %run_scoped3A_144 = tpu.sem_alloc : memref<!tpu.dma_semaphore, #tpu.memory_space<semaphore_mem>>
      %dma_start3A_145 = arith.constant 0 : i32
      %dma_start3A_146 = arith.constant 0 : i32
      %dma_start3A_147 = tpu.memref_slice %arg7[%run_scoped3A, %dma_start3A_145, %dma_start3A_146] : memref<3x128x64xf32, #tpu.memory_space<vmem>> -> memref<1x128x64xf32, #tpu.memory_space<vmem>>
      %dma_start3A_148 = tpu.memref_squeeze %dma_start3A_147 : memref<1x128x64xf32, #tpu.memory_space<vmem>> -> memref<128x64xf32, #tpu.memory_space<vmem>>
      %dma_start3A_149 = arith.constant 0 : i32
      %dma_start3A_150 = tpu.memref_slice %arg9[%add3A_34, %dma_start3A_149] : memref<10240x64xf32, #tpu.memory_space<vmem_shared>> -> memref<128x64xf32, #tpu.memory_space<vmem_shared>>
      %dma_start3A_151 = arith.constant 0 : i32
      %dma_start3A_152 = tpu.memref_slice %arg9[%add3A_34, %dma_start3A_151] : memref<10240x64xf32, #tpu.memory_space<vmem_shared>> -> memref<128x64xf32, #tpu.memory_space<vmem_shared>>
      %dma_start3A_153 = arith.constant 0 : i32
      %dma_start3A_154 = arith.constant 0 : i32
      %dma_start3A_155 = tpu.memref_slice %arg7[%run_scoped3A, %dma_start3A_153, %dma_start3A_154] : memref<3x128x64xf32, #tpu.memory_space<vmem>> -> memref<1x128x64xf32, #tpu.memory_space<vmem>>
      %dma_start3A_156 = tpu.memref_squeeze %dma_start3A_155 : memref<1x128x64xf32, #tpu.memory_space<vmem>> -> memref<128x64xf32, #tpu.memory_space<vmem>>
      tpu.enqueue_dma source(%dma_start3A_156 : memref<128x64xf32, #tpu.memory_space<vmem>>) target(%dma_start3A_152 : memref<128x64xf32, #tpu.memory_space<vmem_shared>>) target_semaphore(%run_scoped3A_144 : memref<!tpu.dma_semaphore, #tpu.memory_space<semaphore_mem>>)
      %dma_wait3A_157 = arith.constant 0 : i32
      %dma_wait3A_158 = arith.constant 0 : i32
      %dma_wait3A_159 = tpu.memref_slice %arg7[%run_scoped3A, %dma_wait3A_157, %dma_wait3A_158] : memref<3x128x64xf32, #tpu.memory_space<vmem>> -> memref<1x128x64xf32, #tpu.memory_space<vmem>>
      %dma_wait3A_160 = tpu.memref_squeeze %dma_wait3A_159 : memref<1x128x64xf32, #tpu.memory_space<vmem>> -> memref<128x64xf32, #tpu.memory_space<vmem>>
      %dma_wait3A_161 = arith.constant 0 : i32
      %dma_wait3A_162 = tpu.memref_slice %arg9[%add3A_34, %dma_wait3A_161] : memref<10240x64xf32, #tpu.memory_space<vmem_shared>> -> memref<128x64xf32, #tpu.memory_space<vmem_shared>>
      %dma_wait3A_163 = arith.constant 0 : i32
      %dma_wait3A_164 = tpu.memref_slice %arg9[%add3A_34, %dma_wait3A_163] : memref<10240x64xf32, #tpu.memory_space<vmem_shared>> -> memref<128x64xf32, #tpu.memory_space<vmem_shared>>
      %dma_wait3A_165 = arith.constant 0 : i32
      %dma_wait3A_166 = arith.constant 0 : i32
      %dma_wait3A_167 = tpu.memref_slice %arg7[%run_scoped3A, %dma_wait3A_165, %dma_wait3A_166] : memref<3x128x64xf32, #tpu.memory_space<vmem>> -> memref<1x128x64xf32, #tpu.memory_space<vmem>>
      %dma_wait3A_168 = tpu.memref_squeeze %dma_wait3A_167 : memref<1x128x64xf32, #tpu.memory_space<vmem>> -> memref<128x64xf32, #tpu.memory_space<vmem>>
      tpu.wait_dma2 semaphore(%run_scoped3A_144 : memref<!tpu.dma_semaphore, #tpu.memory_space<semaphore_mem>>) src(%dma_wait3A_168 : memref<128x64xf32, #tpu.memory_space<vmem>>) dst(%dma_wait3A_164 : memref<128x64xf32, #tpu.memory_space<vmem_shared>>)
      tpu.yield
    }) : () -> ()
    %mul3A_35 = arith.constant 640 : i32
    %mul3A_36 = arith.muli %arg1, %mul3A_35 : i32
    %add3A_37 = arith.constant 128 : i32
    %add3A_38 = arith.addi %mul3A_36, %add3A_37 : i32
    %run_scoped3A_39 = arith.constant 0 : i32
    "tpu.region"() ({
      %run_scoped3A_144 = tpu.sem_alloc : memref<!tpu.dma_semaphore, #tpu.memory_space<semaphore_mem>>
      %dma_start3A_145 = arith.constant 0 : i32
      %dma_start3A_146 = arith.constant 0 : i32
      %dma_start3A_147 = tpu.memref_slice %arg7[%run_scoped3A_39, %dma_start3A_145, %dma_start3A_146] : memref<3x128x64xf32, #tpu.memory_space<vmem>> -> memref<1x128x64xf32, #tpu.memory_space<vmem>>
      %dma_start3A_148 = tpu.memref_squeeze %dma_start3A_147 : memref<1x128x64xf32, #tpu.memory_space<vmem>> -> memref<128x64xf32, #tpu.memory_space<vmem>>
      %dma_start3A_149 = arith.constant 0 : i32
      %dma_start3A_150 = tpu.memref_slice %arg9[%add3A_38, %dma_start3A_149] : memref<10240x64xf32, #tpu.memory_space<vmem_shared>> -> memref<128x64xf32, #tpu.memory_space<vmem_shared>>
      %dma_start3A_151 = arith.constant 0 : i32
      %dma_start3A_152 = tpu.memref_slice %arg9[%add3A_38, %dma_start3A_151] : memref<10240x64xf32, #tpu.memory_space<vmem_shared>> -> memref<128x64xf32, #tpu.memory_space<vmem_shared>>
      %dma_start3A_153 = arith.constant 0 : i32
      %dma_start3A_154 = arith.constant 0 : i32
      %dma_start3A_155 = tpu.memref_slice %arg7[%run_scoped3A_39, %dma_start3A_153, %dma_start3A_154] : memref<3x128x64xf32, #tpu.memory_space<vmem>> -> memref<1x128x64xf32, #tpu.memory_space<vmem>>
      %dma_start3A_156 = tpu.memref_squeeze %dma_start3A_155 : memref<1x128x64xf32, #tpu.memory_space<vmem>> -> memref<128x64xf32, #tpu.memory_space<vmem>>
      tpu.enqueue_dma source(%dma_start3A_156 : memref<128x64xf32, #tpu.memory_space<vmem>>) target(%dma_start3A_152 : memref<128x64xf32, #tpu.memory_space<vmem_shared>>) target_semaphore(%run_scoped3A_144 : memref<!tpu.dma_semaphore, #tpu.memory_space<semaphore_mem>>)
      %dma_wait3A_157 = arith.constant 0 : i32
      %dma_wait3A_158 = arith.constant 0 : i32
      %dma_wait3A_159 = tpu.memref_slice %arg7[%run_scoped3A_39, %dma_wait3A_157, %dma_wait3A_158] : memref<3x128x64xf32, #tpu.memory_space<vmem>> -> memref<1x128x64xf32, #tpu.memory_space<vmem>>
      %dma_wait3A_160 = tpu.memref_squeeze %dma_wait3A_159 : memref<1x128x64xf32, #tpu.memory_space<vmem>> -> memref<128x64xf32, #tpu.memory_space<vmem>>
      %dma_wait3A_161 = arith.constant 0 : i32
      %dma_wait3A_162 = tpu.memref_slice %arg9[%add3A_38, %dma_wait3A_161] : memref<10240x64xf32, #tpu.memory_space<vmem_shared>> -> memref<128x64xf32, #tpu.memory_space<vmem_shared>>
      %dma_wait3A_163 = arith.constant 0 : i32
      %dma_wait3A_164 = tpu.memref_slice %arg9[%add3A_38, %dma_wait3A_163] : memref<10240x64xf32, #tpu.memory_space<vmem_shared>> -> memref<128x64xf32, #tpu.memory_space<vmem_shared>>
      %dma_wait3A_165 = arith.constant 0 : i32
      %dma_wait3A_166 = arith.constant 0 : i32
      %dma_wait3A_167 = tpu.memref_slice %arg7[%run_scoped3A_39, %dma_wait3A_165, %dma_wait3A_166] : memref<3x128x64xf32, #tpu.memory_space<vmem>> -> memref<1x128x64xf32, #tpu.memory_space<vmem>>
      %dma_wait3A_168 = tpu.memref_squeeze %dma_wait3A_167 : memref<1x128x64xf32, #tpu.memory_space<vmem>> -> memref<128x64xf32, #tpu.memory_space<vmem>>
      tpu.wait_dma2 semaphore(%run_scoped3A_144 : memref<!tpu.dma_semaphore, #tpu.memory_space<semaphore_mem>>) src(%dma_wait3A_168 : memref<128x64xf32, #tpu.memory_space<vmem>>) dst(%dma_wait3A_164 : memref<128x64xf32, #tpu.memory_space<vmem_shared>>)
      tpu.yield
    }) : () -> ()
    %mul3A_40 = arith.constant 640 : i32
    %mul3A_41 = arith.muli %arg1, %mul3A_40 : i32
    %add3A_42 = arith.constant 256 : i32
    %add3A_43 = arith.addi %mul3A_41, %add3A_42 : i32
    %run_scoped3A_44 = arith.constant 0 : i32
    "tpu.region"() ({
      %run_scoped3A_144 = tpu.sem_alloc : memref<!tpu.dma_semaphore, #tpu.memory_space<semaphore_mem>>
      %dma_start3A_145 = arith.constant 0 : i32
      %dma_start3A_146 = arith.constant 0 : i32
      %dma_start3A_147 = tpu.memref_slice %arg7[%run_scoped3A_44, %dma_start3A_145, %dma_start3A_146] : memref<3x128x64xf32, #tpu.memory_space<vmem>> -> memref<1x128x64xf32, #tpu.memory_space<vmem>>
      %dma_start3A_148 = tpu.memref_squeeze %dma_start3A_147 : memref<1x128x64xf32, #tpu.memory_space<vmem>> -> memref<128x64xf32, #tpu.memory_space<vmem>>
      %dma_start3A_149 = arith.constant 0 : i32
      %dma_start3A_150 = tpu.memref_slice %arg9[%add3A_43, %dma_start3A_149] : memref<10240x64xf32, #tpu.memory_space<vmem_shared>> -> memref<128x64xf32, #tpu.memory_space<vmem_shared>>
      %dma_start3A_151 = arith.constant 0 : i32
      %dma_start3A_152 = tpu.memref_slice %arg9[%add3A_43, %dma_start3A_151] : memref<10240x64xf32, #tpu.memory_space<vmem_shared>> -> memref<128x64xf32, #tpu.memory_space<vmem_shared>>
      %dma_start3A_153 = arith.constant 0 : i32
      %dma_start3A_154 = arith.constant 0 : i32
      %dma_start3A_155 = tpu.memref_slice %arg7[%run_scoped3A_44, %dma_start3A_153, %dma_start3A_154] : memref<3x128x64xf32, #tpu.memory_space<vmem>> -> memref<1x128x64xf32, #tpu.memory_space<vmem>>
      %dma_start3A_156 = tpu.memref_squeeze %dma_start3A_155 : memref<1x128x64xf32, #tpu.memory_space<vmem>> -> memref<128x64xf32, #tpu.memory_space<vmem>>
      tpu.enqueue_dma source(%dma_start3A_156 : memref<128x64xf32, #tpu.memory_space<vmem>>) target(%dma_start3A_152 : memref<128x64xf32, #tpu.memory_space<vmem_shared>>) target_semaphore(%run_scoped3A_144 : memref<!tpu.dma_semaphore, #tpu.memory_space<semaphore_mem>>)
      %dma_wait3A_157 = arith.constant 0 : i32
      %dma_wait3A_158 = arith.constant 0 : i32
      %dma_wait3A_159 = tpu.memref_slice %arg7[%run_scoped3A_44, %dma_wait3A_157, %dma_wait3A_158] : memref<3x128x64xf32, #tpu.memory_space<vmem>> -> memref<1x128x64xf32, #tpu.memory_space<vmem>>
      %dma_wait3A_160 = tpu.memref_squeeze %dma_wait3A_159 : memref<1x128x64xf32, #tpu.memory_space<vmem>> -> memref<128x64xf32, #tpu.memory_space<vmem>>
      %dma_wait3A_161 = arith.constant 0 : i32
      %dma_wait3A_162 = tpu.memref_slice %arg9[%add3A_43, %dma_wait3A_161] : memref<10240x64xf32, #tpu.memory_space<vmem_shared>> -> memref<128x64xf32, #tpu.memory_space<vmem_shared>>
      %dma_wait3A_163 = arith.constant 0 : i32
      %dma_wait3A_164 = tpu.memref_slice %arg9[%add3A_43, %dma_wait3A_163] : memref<10240x64xf32, #tpu.memory_space<vmem_shared>> -> memref<128x64xf32, #tpu.memory_space<vmem_shared>>
      %dma_wait3A_165 = arith.constant 0 : i32
      %dma_wait3A_166 = arith.constant 0 : i32
      %dma_wait3A_167 = tpu.memref_slice %arg7[%run_scoped3A_44, %dma_wait3A_165, %dma_wait3A_166] : memref<3x128x64xf32, #tpu.memory_space<vmem>> -> memref<1x128x64xf32, #tpu.memory_space<vmem>>
      %dma_wait3A_168 = tpu.memref_squeeze %dma_wait3A_167 : memref<1x128x64xf32, #tpu.memory_space<vmem>> -> memref<128x64xf32, #tpu.memory_space<vmem>>
      tpu.wait_dma2 semaphore(%run_scoped3A_144 : memref<!tpu.dma_semaphore, #tpu.memory_space<semaphore_mem>>) src(%dma_wait3A_168 : memref<128x64xf32, #tpu.memory_space<vmem>>) dst(%dma_wait3A_164 : memref<128x64xf32, #tpu.memory_space<vmem_shared>>)
      tpu.yield
    }) : () -> ()
    %mul3A_45 = arith.constant 640 : i32
    %mul3A_46 = arith.muli %arg1, %mul3A_45 : i32
    %add3A_47 = arith.constant 384 : i32
    %add3A_48 = arith.addi %mul3A_46, %add3A_47 : i32
    %run_scoped3A_49 = arith.constant 0 : i32
    "tpu.region"() ({
      %run_scoped3A_144 = tpu.sem_alloc : memref<!tpu.dma_semaphore, #tpu.memory_space<semaphore_mem>>
      %dma_start3A_145 = arith.constant 0 : i32
      %dma_start3A_146 = arith.constant 0 : i32
      %dma_start3A_147 = tpu.memref_slice %arg7[%run_scoped3A_49, %dma_start3A_145, %dma_start3A_146] : memref<3x128x64xf32, #tpu.memory_space<vmem>> -> memref<1x128x64xf32, #tpu.memory_space<vmem>>
      %dma_start3A_148 = tpu.memref_squeeze %dma_start3A_147 : memref<1x128x64xf32, #tpu.memory_space<vmem>> -> memref<128x64xf32, #tpu.memory_space<vmem>>
      %dma_start3A_149 = arith.constant 0 : i32
      %dma_start3A_150 = tpu.memref_slice %arg9[%add3A_48, %dma_start3A_149] : memref<10240x64xf32, #tpu.memory_space<vmem_shared>> -> memref<128x64xf32, #tpu.memory_space<vmem_shared>>
      %dma_start3A_151 = arith.constant 0 : i32
      %dma_start3A_152 = tpu.memref_slice %arg9[%add3A_48, %dma_start3A_151] : memref<10240x64xf32, #tpu.memory_space<vmem_shared>> -> memref<128x64xf32, #tpu.memory_space<vmem_shared>>
      %dma_start3A_153 = arith.constant 0 : i32
      %dma_start3A_154 = arith.constant 0 : i32
      %dma_start3A_155 = tpu.memref_slice %arg7[%run_scoped3A_49, %dma_start3A_153, %dma_start3A_154] : memref<3x128x64xf32, #tpu.memory_space<vmem>> -> memref<1x128x64xf32, #tpu.memory_space<vmem>>
      %dma_start3A_156 = tpu.memref_squeeze %dma_start3A_155 : memref<1x128x64xf32, #tpu.memory_space<vmem>> -> memref<128x64xf32, #tpu.memory_space<vmem>>
      tpu.enqueue_dma source(%dma_start3A_156 : memref<128x64xf32, #tpu.memory_space<vmem>>) target(%dma_start3A_152 : memref<128x64xf32, #tpu.memory_space<vmem_shared>>) target_semaphore(%run_scoped3A_144 : memref<!tpu.dma_semaphore, #tpu.memory_space<semaphore_mem>>)
      %dma_wait3A_157 = arith.constant 0 : i32
      %dma_wait3A_158 = arith.constant 0 : i32
      %dma_wait3A_159 = tpu.memref_slice %arg7[%run_scoped3A_49, %dma_wait3A_157, %dma_wait3A_158] : memref<3x128x64xf32, #tpu.memory_space<vmem>> -> memref<1x128x64xf32, #tpu.memory_space<vmem>>
      %dma_wait3A_160 = tpu.memref_squeeze %dma_wait3A_159 : memref<1x128x64xf32, #tpu.memory_space<vmem>> -> memref<128x64xf32, #tpu.memory_space<vmem>>
      %dma_wait3A_161 = arith.constant 0 : i32
      %dma_wait3A_162 = tpu.memref_slice %arg9[%add3A_48, %dma_wait3A_161] : memref<10240x64xf32, #tpu.memory_space<vmem_shared>> -> memref<128x64xf32, #tpu.memory_space<vmem_shared>>
      %dma_wait3A_163 = arith.constant 0 : i32
      %dma_wait3A_164 = tpu.memref_slice %arg9[%add3A_48, %dma_wait3A_163] : memref<10240x64xf32, #tpu.memory_space<vmem_shared>> -> memref<128x64xf32, #tpu.memory_space<vmem_shared>>
      %dma_wait3A_165 = arith.constant 0 : i32
      %dma_wait3A_166 = arith.constant 0 : i32
      %dma_wait3A_167 = tpu.memref_slice %arg7[%run_scoped3A_49, %dma_wait3A_165, %dma_wait3A_166] : memref<3x128x64xf32, #tpu.memory_space<vmem>> -> memref<1x128x64xf32, #tpu.memory_space<vmem>>
      %dma_wait3A_168 = tpu.memref_squeeze %dma_wait3A_167 : memref<1x128x64xf32, #tpu.memory_space<vmem>> -> memref<128x64xf32, #tpu.memory_space<vmem>>
      tpu.wait_dma2 semaphore(%run_scoped3A_144 : memref<!tpu.dma_semaphore, #tpu.memory_space<semaphore_mem>>) src(%dma_wait3A_168 : memref<128x64xf32, #tpu.memory_space<vmem>>) dst(%dma_wait3A_164 : memref<128x64xf32, #tpu.memory_space<vmem_shared>>)
      tpu.yield
    }) : () -> ()
    %mul3A_50 = arith.constant 640 : i32
    %mul3A_51 = arith.muli %arg1, %mul3A_50 : i32
    %add3A_52 = arith.constant 512 : i32
    %add3A_53 = arith.addi %mul3A_51, %add3A_52 : i32
    %run_scoped3A_54 = arith.constant 0 : i32
    "tpu.region"() ({
      %run_scoped3A_144 = tpu.sem_alloc : memref<!tpu.dma_semaphore, #tpu.memory_space<semaphore_mem>>
      %dma_start3A_145 = arith.constant 0 : i32
      %dma_start3A_146 = arith.constant 0 : i32
      %dma_start3A_147 = tpu.memref_slice %arg7[%run_scoped3A_54, %dma_start3A_145, %dma_start3A_146] : memref<3x128x64xf32, #tpu.memory_space<vmem>> -> memref<1x128x64xf32, #tpu.memory_space<vmem>>
      %dma_start3A_148 = tpu.memref_squeeze %dma_start3A_147 : memref<1x128x64xf32, #tpu.memory_space<vmem>> -> memref<128x64xf32, #tpu.memory_space<vmem>>
      %dma_start3A_149 = arith.constant 0 : i32
      %dma_start3A_150 = tpu.memref_slice %arg9[%add3A_53, %dma_start3A_149] : memref<10240x64xf32, #tpu.memory_space<vmem_shared>> -> memref<128x64xf32, #tpu.memory_space<vmem_shared>>
      %dma_start3A_151 = arith.constant 0 : i32
      %dma_start3A_152 = tpu.memref_slice %arg9[%add3A_53, %dma_start3A_151] : memref<10240x64xf32, #tpu.memory_space<vmem_shared>> -> memref<128x64xf32, #tpu.memory_space<vmem_shared>>
      %dma_start3A_153 = arith.constant 0 : i32
      %dma_start3A_154 = arith.constant 0 : i32
      %dma_start3A_155 = tpu.memref_slice %arg7[%run_scoped3A_54, %dma_start3A_153, %dma_start3A_154] : memref<3x128x64xf32, #tpu.memory_space<vmem>> -> memref<1x128x64xf32, #tpu.memory_space<vmem>>
      %dma_start3A_156 = tpu.memref_squeeze %dma_start3A_155 : memref<1x128x64xf32, #tpu.memory_space<vmem>> -> memref<128x64xf32, #tpu.memory_space<vmem>>
      tpu.enqueue_dma source(%dma_start3A_156 : memref<128x64xf32, #tpu.memory_space<vmem>>) target(%dma_start3A_152 : memref<128x64xf32, #tpu.memory_space<vmem_shared>>) target_semaphore(%run_scoped3A_144 : memref<!tpu.dma_semaphore, #tpu.memory_space<semaphore_mem>>)
      %dma_wait3A_157 = arith.constant 0 : i32
      %dma_wait3A_158 = arith.constant 0 : i32
      %dma_wait3A_159 = tpu.memref_slice %arg7[%run_scoped3A_54, %dma_wait3A_157, %dma_wait3A_158] : memref<3x128x64xf32, #tpu.memory_space<vmem>> -> memref<1x128x64xf32, #tpu.memory_space<vmem>>
      %dma_wait3A_160 = tpu.memref_squeeze %dma_wait3A_159 : memref<1x128x64xf32, #tpu.memory_space<vmem>> -> memref<128x64xf32, #tpu.memory_space<vmem>>
      %dma_wait3A_161 = arith.constant 0 : i32
      %dma_wait3A_162 = tpu.memref_slice %arg9[%add3A_53, %dma_wait3A_161] : memref<10240x64xf32, #tpu.memory_space<vmem_shared>> -> memref<128x64xf32, #tpu.memory_space<vmem_shared>>
      %dma_wait3A_163 = arith.constant 0 : i32
      %dma_wait3A_164 = tpu.memref_slice %arg9[%add3A_53, %dma_wait3A_163] : memref<10240x64xf32, #tpu.memory_space<vmem_shared>> -> memref<128x64xf32, #tpu.memory_space<vmem_shared>>
      %dma_wait3A_165 = arith.constant 0 : i32
      %dma_wait3A_166 = arith.constant 0 : i32
      %dma_wait3A_167 = tpu.memref_slice %arg7[%run_scoped3A_54, %dma_wait3A_165, %dma_wait3A_166] : memref<3x128x64xf32, #tpu.memory_space<vmem>> -> memref<1x128x64xf32, #tpu.memory_space<vmem>>
      %dma_wait3A_168 = tpu.memref_squeeze %dma_wait3A_167 : memref<1x128x64xf32, #tpu.memory_space<vmem>> -> memref<128x64xf32, #tpu.memory_space<vmem>>
      tpu.wait_dma2 semaphore(%run_scoped3A_144 : memref<!tpu.dma_semaphore, #tpu.memory_space<semaphore_mem>>) src(%dma_wait3A_168 : memref<128x64xf32, #tpu.memory_space<vmem>>) dst(%dma_wait3A_164 : memref<128x64xf32, #tpu.memory_space<vmem_shared>>)
      tpu.yield
    }) : () -> ()
    %barrier3A = arith.constant 0 : index
    tpu.barrier barrier_id(%barrier3A)
    %dma_start3A = arith.constant 0 : i32
    %dma_start3A_55 = arith.constant 0 : i32
    %dma_start3A_56 = arith.constant 0 : i32
    %dma_start3A_57 = arith.constant 0 : i32
    %dma_start3A_58 = arith.constant 0 : i32
    %dma_start3A_59 = tpu.memref_slice %arg7[%dma_start3A_55, %dma_start3A_57, %dma_start3A_58] : memref<3x128x64xf32, #tpu.memory_space<vmem>> -> memref<1x128x64xf32, #tpu.memory_space<vmem>>
    %dma_start3A_60 = tpu.memref_squeeze %dma_start3A_59 : memref<1x128x64xf32, #tpu.memory_space<vmem>> -> memref<128x64xf32, #tpu.memory_space<vmem>>
    %dma_start3A_61 = arith.constant 0 : i32
    %dma_start3A_62 = tpu.memref_slice %arg5[%dma_start3A, %dma_start3A_61] : memref<79x128xi32, #tpu.memory_space<vmem>> -> memref<1x128xi32, #tpu.memory_space<vmem>>
    %dma_start3A_63 = tpu.memref_squeeze %dma_start3A_62 : memref<1x128xi32, #tpu.memory_space<vmem>> -> memref<128xi32, #tpu.memory_space<vmem>>
    %dma_start3A_64 = arith.constant 0 : i32
    %dma_start3A_65 = arith.constant 0 : i32
    %dma_start3A_66 = tpu.memref_slice %arg8[%dma_start3A_64, %dma_start3A_65] : memref<10000x64xf32, #tpu.memory_space<vmem_shared>> -> memref<10000x64xf32, #tpu.memory_space<vmem_shared>>
    %dma_start3A_67 = tpu.memref_slice %arg10[%dma_start3A_56] : memref<3x!tpu.dma_semaphore, #tpu.memory_space<semaphore_mem>> -> memref<1x!tpu.dma_semaphore, #tpu.memory_space<semaphore_mem>>
    %dma_start3A_68 = tpu.memref_squeeze %dma_start3A_67 : memref<1x!tpu.dma_semaphore, #tpu.memory_space<semaphore_mem>> -> memref<!tpu.dma_semaphore, #tpu.memory_space<semaphore_mem>>
    tpu.enqueue_indirect_dma source(%dma_start3A_66 : memref<10000x64xf32, #tpu.memory_space<vmem_shared>>) target(%dma_start3A_60 : memref<128x64xf32, #tpu.memory_space<vmem>>) offsets(%dma_start3A_63 : memref<128xi32, #tpu.memory_space<vmem>>) semaphore(%dma_start3A_68 : memref<!tpu.dma_semaphore, #tpu.memory_space<semaphore_mem>>)
    %dma_start3A_69 = arith.constant 1 : i32
    %dma_start3A_70 = arith.constant 1 : i32
    %dma_start3A_71 = arith.constant 1 : i32
    %dma_start3A_72 = arith.constant 0 : i32
    %dma_start3A_73 = arith.constant 0 : i32
    %dma_start3A_74 = tpu.memref_slice %arg7[%dma_start3A_70, %dma_start3A_72, %dma_start3A_73] : memref<3x128x64xf32, #tpu.memory_space<vmem>> -> memref<1x128x64xf32, #tpu.memory_space<vmem>>
    %dma_start3A_75 = tpu.memref_squeeze %dma_start3A_74 : memref<1x128x64xf32, #tpu.memory_space<vmem>> -> memref<128x64xf32, #tpu.memory_space<vmem>>
    %dma_start3A_76 = arith.constant 0 : i32
    %dma_start3A_77 = tpu.memref_slice %arg5[%dma_start3A_69, %dma_start3A_76] : memref<79x128xi32, #tpu.memory_space<vmem>> -> memref<1x128xi32, #tpu.memory_space<vmem>>
    %dma_start3A_78 = tpu.memref_squeeze %dma_start3A_77 : memref<1x128xi32, #tpu.memory_space<vmem>> -> memref<128xi32, #tpu.memory_space<vmem>>
    %dma_start3A_79 = arith.constant 0 : i32
    %dma_start3A_80 = arith.constant 0 : i32
    %dma_start3A_81 = tpu.memref_slice %arg8[%dma_start3A_79, %dma_start3A_80] : memref<10000x64xf32, #tpu.memory_space<vmem_shared>> -> memref<10000x64xf32, #tpu.memory_space<vmem_shared>>
    %dma_start3A_82 = tpu.memref_slice %arg10[%dma_start3A_71] : memref<3x!tpu.dma_semaphore, #tpu.memory_space<semaphore_mem>> -> memref<1x!tpu.dma_semaphore, #tpu.memory_space<semaphore_mem>>
    %dma_start3A_83 = tpu.memref_squeeze %dma_start3A_82 : memref<1x!tpu.dma_semaphore, #tpu.memory_space<semaphore_mem>> -> memref<!tpu.dma_semaphore, #tpu.memory_space<semaphore_mem>>
    tpu.enqueue_indirect_dma source(%dma_start3A_81 : memref<10000x64xf32, #tpu.memory_space<vmem_shared>>) target(%dma_start3A_75 : memref<128x64xf32, #tpu.memory_space<vmem>>) offsets(%dma_start3A_78 : memref<128xi32, #tpu.memory_space<vmem>>) semaphore(%dma_start3A_83 : memref<!tpu.dma_semaphore, #tpu.memory_space<semaphore_mem>>)
    %while3A = arith.constant 0 : i32
    %while3A_84 = arith.constant 0 : i32
    %while3A_85 = arith.subi %select_n3A, %while3A : i32
    %while3A_86 = arith.addi %while3A, %while3A_85 : i32
    %while3A_87 = arith.constant 1 : i32
    %while3A_88 = arith.divsi %while3A_85, %while3A_87 : i32
    %while3A_89 = arith.muli %while3A_88, %while3A_87 : i32
    %while3A_90 = arith.addi %while3A, %while3A_89 : i32
    %while3A_91 = arith.constant 1 : i32
    %while3A_92 = scf.for %while3A_144 = %while3A to %while3A_90 step %while3A_91 iter_args(%while3A_145 = %while3A_84) -> (i32)  : i32 {
      %rem3A = arith.constant 3 : i32
      %rem3A_146 = arith.remsi %while3A_144, %rem3A : i32
      %add3A_147 = arith.constant 3 : i32
      %add3A_148 = arith.addi %while3A_144, %add3A_147 : i32
      %sub3A = arith.constant 1 : i32
      %sub3A_149 = arith.subi %add3A_148, %sub3A : i32
      %lt3A_150 = arith.cmpi slt, %sub3A_149, %select_n3A : i32
      %convert_element_type3A_151 = arith.extui %lt3A_150 : i1 to i32
      %cond3A_152 = arith.constant 0 : i32
      %cond3A_153 = arith.cmpi ne, %convert_element_type3A_151, %cond3A_152 : i32
      scf.if %cond3A_153 {
        %rem3A_179 = arith.constant 3 : i32
        %rem3A_180 = arith.remsi %sub3A_149, %rem3A_179 : i32
        %gt3A = arith.constant 0 : i32
        %gt3A_181 = arith.cmpi sgt, %while3A_144, %gt3A : i32
        %convert_element_type3A_182 = arith.extui %gt3A_181 : i1 to i32
        %cond3A_183 = arith.constant 0 : i32
        %cond3A_184 = arith.cmpi ne, %convert_element_type3A_182, %cond3A_183 : i32
        scf.if %cond3A_184 {
          %sub3A_197 = arith.constant 1 : i32
          %sub3A_198 = arith.subi %while3A_144, %sub3A_197 : i32
          %dma_wait3A_199 = arith.constant 0 : i32
          %dma_wait3A_200 = arith.constant 0 : i32
          %dma_wait3A_201 = tpu.memref_slice %arg7[%rem3A_180, %dma_wait3A_199, %dma_wait3A_200] : memref<3x128x64xf32, #tpu.memory_space<vmem>> -> memref<1x128x64xf32, #tpu.memory_space<vmem>>
          %dma_wait3A_202 = tpu.memref_squeeze %dma_wait3A_201 : memref<1x128x64xf32, #tpu.memory_space<vmem>> -> memref<128x64xf32, #tpu.memory_space<vmem>>
          %dma_wait3A_203 = arith.constant 0 : i32
          %dma_wait3A_204 = tpu.memref_slice %arg6[%sub3A_198, %dma_wait3A_203] : memref<79x128xi32, #tpu.memory_space<vmem>> -> memref<1x128xi32, #tpu.memory_space<vmem>>
          %dma_wait3A_205 = tpu.memref_squeeze %dma_wait3A_204 : memref<1x128xi32, #tpu.memory_space<vmem>> -> memref<128xi32, #tpu.memory_space<vmem>>
          %dma_wait3A_206 = arith.constant 0 : i32
          %dma_wait3A_207 = arith.constant 0 : i32
          %dma_wait3A_208 = tpu.memref_slice %arg9[%dma_wait3A_206, %dma_wait3A_207] : memref<10240x64xf32, #tpu.memory_space<vmem_shared>> -> memref<10240x64xf32, #tpu.memory_space<vmem_shared>>
          %dma_wait3A_209 = tpu.memref_slice %arg11[%rem3A_180] : memref<3x!tpu.dma_semaphore, #tpu.memory_space<semaphore_mem>> -> memref<1x!tpu.dma_semaphore, #tpu.memory_space<semaphore_mem>>
          %dma_wait3A_210 = tpu.memref_squeeze %dma_wait3A_209 : memref<1x!tpu.dma_semaphore, #tpu.memory_space<semaphore_mem>> -> memref<!tpu.dma_semaphore, #tpu.memory_space<semaphore_mem>>
          tpu.wait_indirect_dma semaphore(%dma_wait3A_210 : memref<!tpu.dma_semaphore, #tpu.memory_space<semaphore_mem>>) src(%dma_wait3A_202 : memref<128x64xf32, #tpu.memory_space<vmem>>) dst(%dma_wait3A_208 : memref<10240x64xf32, #tpu.memory_space<vmem_shared>>)
        } else {
        }
        %dma_start3A_185 = arith.constant 0 : i32
        %dma_start3A_186 = arith.constant 0 : i32
        %dma_start3A_187 = tpu.memref_slice %arg7[%rem3A_180, %dma_start3A_185, %dma_start3A_186] : memref<3x128x64xf32, #tpu.memory_space<vmem>> -> memref<1x128x64xf32, #tpu.memory_space<vmem>>
        %dma_start3A_188 = tpu.memref_squeeze %dma_start3A_187 : memref<1x128x64xf32, #tpu.memory_space<vmem>> -> memref<128x64xf32, #tpu.memory_space<vmem>>
        %dma_start3A_189 = arith.constant 0 : i32
        %dma_start3A_190 = tpu.memref_slice %arg5[%sub3A_149, %dma_start3A_189] : memref<79x128xi32, #tpu.memory_space<vmem>> -> memref<1x128xi32, #tpu.memory_space<vmem>>
        %dma_start3A_191 = tpu.memref_squeeze %dma_start3A_190 : memref<1x128xi32, #tpu.memory_space<vmem>> -> memref<128xi32, #tpu.memory_space<vmem>>
        %dma_start3A_192 = arith.constant 0 : i32
        %dma_start3A_193 = arith.constant 0 : i32
        %dma_start3A_194 = tpu.memref_slice %arg8[%dma_start3A_192, %dma_start3A_193] : memref<10000x64xf32, #tpu.memory_space<vmem_shared>> -> memref<10000x64xf32, #tpu.memory_space<vmem_shared>>
        %dma_start3A_195 = tpu.memref_slice %arg10[%rem3A_180] : memref<3x!tpu.dma_semaphore, #tpu.memory_space<semaphore_mem>> -> memref<1x!tpu.dma_semaphore, #tpu.memory_space<semaphore_mem>>
        %dma_start3A_196 = tpu.memref_squeeze %dma_start3A_195 : memref<1x!tpu.dma_semaphore, #tpu.memory_space<semaphore_mem>> -> memref<!tpu.dma_semaphore, #tpu.memory_space<semaphore_mem>>
        tpu.enqueue_indirect_dma source(%dma_start3A_194 : memref<10000x64xf32, #tpu.memory_space<vmem_shared>>) target(%dma_start3A_188 : memref<128x64xf32, #tpu.memory_space<vmem>>) offsets(%dma_start3A_191 : memref<128xi32, #tpu.memory_space<vmem>>) semaphore(%dma_start3A_196 : memref<!tpu.dma_semaphore, #tpu.memory_space<semaphore_mem>>)
      } else {
      }
      %dma_wait3A_154 = arith.constant 0 : i32
      %dma_wait3A_155 = arith.constant 0 : i32
      %dma_wait3A_156 = tpu.memref_slice %arg7[%rem3A_146, %dma_wait3A_154, %dma_wait3A_155] : memref<3x128x64xf32, #tpu.memory_space<vmem>> -> memref<1x128x64xf32, #tpu.memory_space<vmem>>
      %dma_wait3A_157 = tpu.memref_squeeze %dma_wait3A_156 : memref<1x128x64xf32, #tpu.memory_space<vmem>> -> memref<128x64xf32, #tpu.memory_space<vmem>>
      %dma_wait3A_158 = arith.constant 0 : i32
      %dma_wait3A_159 = tpu.memref_slice %arg5[%while3A_144, %dma_wait3A_158] : memref<79x128xi32, #tpu.memory_space<vmem>> -> memref<1x128xi32, #tpu.memory_space<vmem>>
      %dma_wait3A_160 = tpu.memref_squeeze %dma_wait3A_159 : memref<1x128xi32, #tpu.memory_space<vmem>> -> memref<128xi32, #tpu.memory_space<vmem>>
      %dma_wait3A_161 = arith.constant 0 : i32
      %dma_wait3A_162 = arith.constant 0 : i32
      %dma_wait3A_163 = tpu.memref_slice %arg8[%dma_wait3A_161, %dma_wait3A_162] : memref<10000x64xf32, #tpu.memory_space<vmem_shared>> -> memref<10000x64xf32, #tpu.memory_space<vmem_shared>>
      %dma_wait3A_164 = tpu.memref_slice %arg10[%rem3A_146] : memref<3x!tpu.dma_semaphore, #tpu.memory_space<semaphore_mem>> -> memref<1x!tpu.dma_semaphore, #tpu.memory_space<semaphore_mem>>
      %dma_wait3A_165 = tpu.memref_squeeze %dma_wait3A_164 : memref<1x!tpu.dma_semaphore, #tpu.memory_space<semaphore_mem>> -> memref<!tpu.dma_semaphore, #tpu.memory_space<semaphore_mem>>
      tpu.wait_indirect_dma semaphore(%dma_wait3A_165 : memref<!tpu.dma_semaphore, #tpu.memory_space<semaphore_mem>>) src(%dma_wait3A_163 : memref<10000x64xf32, #tpu.memory_space<vmem_shared>>) dst(%dma_wait3A_157 : memref<128x64xf32, #tpu.memory_space<vmem>>)
      %dma_start3A_166 = arith.constant 0 : i32
      %dma_start3A_167 = arith.constant 0 : i32
      %dma_start3A_168 = tpu.memref_slice %arg7[%rem3A_146, %dma_start3A_166, %dma_start3A_167] : memref<3x128x64xf32, #tpu.memory_space<vmem>> -> memref<1x128x64xf32, #tpu.memory_space<vmem>>
      %dma_start3A_169 = tpu.memref_squeeze %dma_start3A_168 : memref<1x128x64xf32, #tpu.memory_space<vmem>> -> memref<128x64xf32, #tpu.memory_space<vmem>>
      %dma_start3A_170 = arith.constant 0 : i32
      %dma_start3A_171 = tpu.memref_slice %arg6[%while3A_144, %dma_start3A_170] : memref<79x128xi32, #tpu.memory_space<vmem>> -> memref<1x128xi32, #tpu.memory_space<vmem>>
      %dma_start3A_172 = tpu.memref_squeeze %dma_start3A_171 : memref<1x128xi32, #tpu.memory_space<vmem>> -> memref<128xi32, #tpu.memory_space<vmem>>
      %dma_start3A_173 = arith.constant 0 : i32
      %dma_start3A_174 = arith.constant 0 : i32
      %dma_start3A_175 = tpu.memref_slice %arg9[%dma_start3A_173, %dma_start3A_174] : memref<10240x64xf32, #tpu.memory_space<vmem_shared>> -> memref<10240x64xf32, #tpu.memory_space<vmem_shared>>
      %dma_start3A_176 = tpu.memref_slice %arg11[%rem3A_146] : memref<3x!tpu.dma_semaphore, #tpu.memory_space<semaphore_mem>> -> memref<1x!tpu.dma_semaphore, #tpu.memory_space<semaphore_mem>>
      %dma_start3A_177 = tpu.memref_squeeze %dma_start3A_176 : memref<1x!tpu.dma_semaphore, #tpu.memory_space<semaphore_mem>> -> memref<!tpu.dma_semaphore, #tpu.memory_space<semaphore_mem>>
      tpu.enqueue_indirect_dma source(%dma_start3A_169 : memref<128x64xf32, #tpu.memory_space<vmem>>) target(%dma_start3A_175 : memref<10240x64xf32, #tpu.memory_space<vmem_shared>>) offsets(%dma_start3A_172 : memref<128xi32, #tpu.memory_space<vmem>>) semaphore(%dma_start3A_177 : memref<!tpu.dma_semaphore, #tpu.memory_space<semaphore_mem>>) {add = true}
      %while3A_178 = arith.constant 0 : i32
      scf.yield %while3A_178 : i32
    }
    %while3A_93 = arith.constant 1 : i32
    %while3A_94 = scf.for %while3A_144 = %while3A_90 to %while3A_86 step %while3A_93 iter_args(%while3A_145 = %while3A_92) -> (i32)  : i32 {
      %rem3A = arith.constant 3 : i32
      %rem3A_146 = arith.remsi %while3A_144, %rem3A : i32
      %add3A_147 = arith.constant 3 : i32
      %add3A_148 = arith.addi %while3A_144, %add3A_147 : i32
      %sub3A = arith.constant 1 : i32
      %sub3A_149 = arith.subi %add3A_148, %sub3A : i32
      %lt3A_150 = arith.cmpi slt, %sub3A_149, %select_n3A : i32
      %convert_element_type3A_151 = arith.extui %lt3A_150 : i1 to i32
      %cond3A_152 = arith.constant 0 : i32
      %cond3A_153 = arith.cmpi ne, %convert_element_type3A_151, %cond3A_152 : i32
      scf.if %cond3A_153 {
        %rem3A_179 = arith.constant 3 : i32
        %rem3A_180 = arith.remsi %sub3A_149, %rem3A_179 : i32
        %gt3A = arith.constant 0 : i32
        %gt3A_181 = arith.cmpi sgt, %while3A_144, %gt3A : i32
        %convert_element_type3A_182 = arith.extui %gt3A_181 : i1 to i32
        %cond3A_183 = arith.constant 0 : i32
        %cond3A_184 = arith.cmpi ne, %convert_element_type3A_182, %cond3A_183 : i32
        scf.if %cond3A_184 {
          %sub3A_197 = arith.constant 1 : i32
          %sub3A_198 = arith.subi %while3A_144, %sub3A_197 : i32
          %dma_wait3A_199 = arith.constant 0 : i32
          %dma_wait3A_200 = arith.constant 0 : i32
          %dma_wait3A_201 = tpu.memref_slice %arg7[%rem3A_180, %dma_wait3A_199, %dma_wait3A_200] : memref<3x128x64xf32, #tpu.memory_space<vmem>> -> memref<1x128x64xf32, #tpu.memory_space<vmem>>
          %dma_wait3A_202 = tpu.memref_squeeze %dma_wait3A_201 : memref<1x128x64xf32, #tpu.memory_space<vmem>> -> memref<128x64xf32, #tpu.memory_space<vmem>>
          %dma_wait3A_203 = arith.constant 0 : i32
          %dma_wait3A_204 = tpu.memref_slice %arg6[%sub3A_198, %dma_wait3A_203] : memref<79x128xi32, #tpu.memory_space<vmem>> -> memref<1x128xi32, #tpu.memory_space<vmem>>
          %dma_wait3A_205 = tpu.memref_squeeze %dma_wait3A_204 : memref<1x128xi32, #tpu.memory_space<vmem>> -> memref<128xi32, #tpu.memory_space<vmem>>
          %dma_wait3A_206 = arith.constant 0 : i32
          %dma_wait3A_207 = arith.constant 0 : i32
          %dma_wait3A_208 = tpu.memref_slice %arg9[%dma_wait3A_206, %dma_wait3A_207] : memref<10240x64xf32, #tpu.memory_space<vmem_shared>> -> memref<10240x64xf32, #tpu.memory_space<vmem_shared>>
          %dma_wait3A_209 = tpu.memref_slice %arg11[%rem3A_180] : memref<3x!tpu.dma_semaphore, #tpu.memory_space<semaphore_mem>> -> memref<1x!tpu.dma_semaphore, #tpu.memory_space<semaphore_mem>>
          %dma_wait3A_210 = tpu.memref_squeeze %dma_wait3A_209 : memref<1x!tpu.dma_semaphore, #tpu.memory_space<semaphore_mem>> -> memref<!tpu.dma_semaphore, #tpu.memory_space<semaphore_mem>>
          tpu.wait_indirect_dma semaphore(%dma_wait3A_210 : memref<!tpu.dma_semaphore, #tpu.memory_space<semaphore_mem>>) src(%dma_wait3A_202 : memref<128x64xf32, #tpu.memory_space<vmem>>) dst(%dma_wait3A_208 : memref<10240x64xf32, #tpu.memory_space<vmem_shared>>)
        } else {
        }
        %dma_start3A_185 = arith.constant 0 : i32
        %dma_start3A_186 = arith.constant 0 : i32
        %dma_start3A_187 = tpu.memref_slice %arg7[%rem3A_180, %dma_start3A_185, %dma_start3A_186] : memref<3x128x64xf32, #tpu.memory_space<vmem>> -> memref<1x128x64xf32, #tpu.memory_space<vmem>>
        %dma_start3A_188 = tpu.memref_squeeze %dma_start3A_187 : memref<1x128x64xf32, #tpu.memory_space<vmem>> -> memref<128x64xf32, #tpu.memory_space<vmem>>
        %dma_start3A_189 = arith.constant 0 : i32
        %dma_start3A_190 = tpu.memref_slice %arg5[%sub3A_149, %dma_start3A_189] : memref<79x128xi32, #tpu.memory_space<vmem>> -> memref<1x128xi32, #tpu.memory_space<vmem>>
        %dma_start3A_191 = tpu.memref_squeeze %dma_start3A_190 : memref<1x128xi32, #tpu.memory_space<vmem>> -> memref<128xi32, #tpu.memory_space<vmem>>
        %dma_start3A_192 = arith.constant 0 : i32
        %dma_start3A_193 = arith.constant 0 : i32
        %dma_start3A_194 = tpu.memref_slice %arg8[%dma_start3A_192, %dma_start3A_193] : memref<10000x64xf32, #tpu.memory_space<vmem_shared>> -> memref<10000x64xf32, #tpu.memory_space<vmem_shared>>
        %dma_start3A_195 = tpu.memref_slice %arg10[%rem3A_180] : memref<3x!tpu.dma_semaphore, #tpu.memory_space<semaphore_mem>> -> memref<1x!tpu.dma_semaphore, #tpu.memory_space<semaphore_mem>>
        %dma_start3A_196 = tpu.memref_squeeze %dma_start3A_195 : memref<1x!tpu.dma_semaphore, #tpu.memory_space<semaphore_mem>> -> memref<!tpu.dma_semaphore, #tpu.memory_space<semaphore_mem>>
        tpu.enqueue_indirect_dma source(%dma_start3A_194 : memref<10000x64xf32, #tpu.memory_space<vmem_shared>>) target(%dma_start3A_188 : memref<128x64xf32, #tpu.memory_space<vmem>>) offsets(%dma_start3A_191 : memref<128xi32, #tpu.memory_space<vmem>>) semaphore(%dma_start3A_196 : memref<!tpu.dma_semaphore, #tpu.memory_space<semaphore_mem>>)
      } else {
      }
      %dma_wait3A_154 = arith.constant 0 : i32
      %dma_wait3A_155 = arith.constant 0 : i32
      %dma_wait3A_156 = tpu.memref_slice %arg7[%rem3A_146, %dma_wait3A_154, %dma_wait3A_155] : memref<3x128x64xf32, #tpu.memory_space<vmem>> -> memref<1x128x64xf32, #tpu.memory_space<vmem>>
      %dma_wait3A_157 = tpu.memref_squeeze %dma_wait3A_156 : memref<1x128x64xf32, #tpu.memory_space<vmem>> -> memref<128x64xf32, #tpu.memory_space<vmem>>
      %dma_wait3A_158 = arith.constant 0 : i32
      %dma_wait3A_159 = tpu.memref_slice %arg5[%while3A_144, %dma_wait3A_158] : memref<79x128xi32, #tpu.memory_space<vmem>> -> memref<1x128xi32, #tpu.memory_space<vmem>>
      %dma_wait3A_160 = tpu.memref_squeeze %dma_wait3A_159 : memref<1x128xi32, #tpu.memory_space<vmem>> -> memref<128xi32, #tpu.memory_space<vmem>>
      %dma_wait3A_161 = arith.constant 0 : i32
      %dma_wait3A_162 = arith.constant 0 : i32
      %dma_wait3A_163 = tpu.memref_slice %arg8[%dma_wait3A_161, %dma_wait3A_162] : memref<10000x64xf32, #tpu.memory_space<vmem_shared>> -> memref<10000x64xf32, #tpu.memory_space<vmem_shared>>
      %dma_wait3A_164 = tpu.memref_slice %arg10[%rem3A_146] : memref<3x!tpu.dma_semaphore, #tpu.memory_space<semaphore_mem>> -> memref<1x!tpu.dma_semaphore, #tpu.memory_space<semaphore_mem>>
      %dma_wait3A_165 = tpu.memref_squeeze %dma_wait3A_164 : memref<1x!tpu.dma_semaphore, #tpu.memory_space<semaphore_mem>> -> memref<!tpu.dma_semaphore, #tpu.memory_space<semaphore_mem>>
      tpu.wait_indirect_dma semaphore(%dma_wait3A_165 : memref<!tpu.dma_semaphore, #tpu.memory_space<semaphore_mem>>) src(%dma_wait3A_163 : memref<10000x64xf32, #tpu.memory_space<vmem_shared>>) dst(%dma_wait3A_157 : memref<128x64xf32, #tpu.memory_space<vmem>>)
      %dma_start3A_166 = arith.constant 0 : i32
      %dma_start3A_167 = arith.constant 0 : i32
      %dma_start3A_168 = tpu.memref_slice %arg7[%rem3A_146, %dma_start3A_166, %dma_start3A_167] : memref<3x128x64xf32, #tpu.memory_space<vmem>> -> memref<1x128x64xf32, #tpu.memory_space<vmem>>
      %dma_start3A_169 = tpu.memref_squeeze %dma_start3A_168 : memref<1x128x64xf32, #tpu.memory_space<vmem>> -> memref<128x64xf32, #tpu.memory_space<vmem>>
      %dma_start3A_170 = arith.constant 0 : i32
      %dma_start3A_171 = tpu.memref_slice %arg6[%while3A_144, %dma_start3A_170] : memref<79x128xi32, #tpu.memory_space<vmem>> -> memref<1x128xi32, #tpu.memory_space<vmem>>
      %dma_start3A_172 = tpu.memref_squeeze %dma_start3A_171 : memref<1x128xi32, #tpu.memory_space<vmem>> -> memref<128xi32, #tpu.memory_space<vmem>>
      %dma_start3A_173 = arith.constant 0 : i32
      %dma_start3A_174 = arith.constant 0 : i32
      %dma_start3A_175 = tpu.memref_slice %arg9[%dma_start3A_173, %dma_start3A_174] : memref<10240x64xf32, #tpu.memory_space<vmem_shared>> -> memref<10240x64xf32, #tpu.memory_space<vmem_shared>>
      %dma_start3A_176 = tpu.memref_slice %arg11[%rem3A_146] : memref<3x!tpu.dma_semaphore, #tpu.memory_space<semaphore_mem>> -> memref<1x!tpu.dma_semaphore, #tpu.memory_space<semaphore_mem>>
      %dma_start3A_177 = tpu.memref_squeeze %dma_start3A_176 : memref<1x!tpu.dma_semaphore, #tpu.memory_space<semaphore_mem>> -> memref<!tpu.dma_semaphore, #tpu.memory_space<semaphore_mem>>
      tpu.enqueue_indirect_dma source(%dma_start3A_169 : memref<128x64xf32, #tpu.memory_space<vmem>>) target(%dma_start3A_175 : memref<10240x64xf32, #tpu.memory_space<vmem_shared>>) offsets(%dma_start3A_172 : memref<128xi32, #tpu.memory_space<vmem>>) semaphore(%dma_start3A_177 : memref<!tpu.dma_semaphore, #tpu.memory_space<semaphore_mem>>) {add = true}
      %while3A_178 = arith.constant 0 : i32
      scf.yield %while3A_178 : i32
    }
    %dma_wait3A = arith.constant 0 : i32
    %dma_wait3A_95 = arith.constant 0 : i32
    %dma_wait3A_96 = arith.constant 0 : i32
    %dma_wait3A_97 = arith.constant 0 : i32
    %dma_wait3A_98 = arith.constant 0 : i32
    %dma_wait3A_99 = tpu.memref_slice %arg7[%dma_wait3A, %dma_wait3A_97, %dma_wait3A_98] : memref<3x128x64xf32, #tpu.memory_space<vmem>> -> memref<1x128x64xf32, #tpu.memory_space<vmem>>
    %dma_wait3A_100 = tpu.memref_squeeze %dma_wait3A_99 : memref<1x128x64xf32, #tpu.memory_space<vmem>> -> memref<128x64xf32, #tpu.memory_space<vmem>>
    %dma_wait3A_101 = arith.constant 0 : i32
    %dma_wait3A_102 = tpu.memref_slice %arg6[%dma_wait3A_95, %dma_wait3A_101] : memref<79x128xi32, #tpu.memory_space<vmem>> -> memref<1x128xi32, #tpu.memory_space<vmem>>
    %dma_wait3A_103 = tpu.memref_squeeze %dma_wait3A_102 : memref<1x128xi32, #tpu.memory_space<vmem>> -> memref<128xi32, #tpu.memory_space<vmem>>
    %dma_wait3A_104 = arith.constant 0 : i32
    %dma_wait3A_105 = arith.constant 0 : i32
    %dma_wait3A_106 = tpu.memref_slice %arg9[%dma_wait3A_104, %dma_wait3A_105] : memref<10240x64xf32, #tpu.memory_space<vmem_shared>> -> memref<10240x64xf32, #tpu.memory_space<vmem_shared>>
    %dma_wait3A_107 = tpu.memref_slice %arg11[%dma_wait3A_96] : memref<3x!tpu.dma_semaphore, #tpu.memory_space<semaphore_mem>> -> memref<1x!tpu.dma_semaphore, #tpu.memory_space<semaphore_mem>>
    %dma_wait3A_108 = tpu.memref_squeeze %dma_wait3A_107 : memref<1x!tpu.dma_semaphore, #tpu.memory_space<semaphore_mem>> -> memref<!tpu.dma_semaphore, #tpu.memory_space<semaphore_mem>>
    tpu.wait_indirect_dma semaphore(%dma_wait3A_108 : memref<!tpu.dma_semaphore, #tpu.memory_space<semaphore_mem>>) src(%dma_wait3A_100 : memref<128x64xf32, #tpu.memory_space<vmem>>) dst(%dma_wait3A_106 : memref<10240x64xf32, #tpu.memory_space<vmem_shared>>)
    %dma_wait3A_109 = arith.constant 1 : i32
    %dma_wait3A_110 = arith.constant 0 : i32
    %dma_wait3A_111 = arith.constant 1 : i32
    %dma_wait3A_112 = arith.constant 0 : i32
    %dma_wait3A_113 = arith.constant 0 : i32
    %dma_wait3A_114 = tpu.memref_slice %arg7[%dma_wait3A_109, %dma_wait3A_112, %dma_wait3A_113] : memref<3x128x64xf32, #tpu.memory_space<vmem>> -> memref<1x128x64xf32, #tpu.memory_space<vmem>>
    %dma_wait3A_115 = tpu.memref_squeeze %dma_wait3A_114 : memref<1x128x64xf32, #tpu.memory_space<vmem>> -> memref<128x64xf32, #tpu.memory_space<vmem>>
    %dma_wait3A_116 = arith.constant 0 : i32
    %dma_wait3A_117 = tpu.memref_slice %arg6[%dma_wait3A_110, %dma_wait3A_116] : memref<79x128xi32, #tpu.memory_space<vmem>> -> memref<1x128xi32, #tpu.memory_space<vmem>>
    %dma_wait3A_118 = tpu.memref_squeeze %dma_wait3A_117 : memref<1x128xi32, #tpu.memory_space<vmem>> -> memref<128xi32, #tpu.memory_space<vmem>>
    %dma_wait3A_119 = arith.constant 0 : i32
    %dma_wait3A_120 = arith.constant 0 : i32
    %dma_wait3A_121 = tpu.memref_slice %arg9[%dma_wait3A_119, %dma_wait3A_120] : memref<10240x64xf32, #tpu.memory_space<vmem_shared>> -> memref<10240x64xf32, #tpu.memory_space<vmem_shared>>
    %dma_wait3A_122 = tpu.memref_slice %arg11[%dma_wait3A_111] : memref<3x!tpu.dma_semaphore, #tpu.memory_space<semaphore_mem>> -> memref<1x!tpu.dma_semaphore, #tpu.memory_space<semaphore_mem>>
    %dma_wait3A_123 = tpu.memref_squeeze %dma_wait3A_122 : memref<1x!tpu.dma_semaphore, #tpu.memory_space<semaphore_mem>> -> memref<!tpu.dma_semaphore, #tpu.memory_space<semaphore_mem>>
    tpu.wait_indirect_dma semaphore(%dma_wait3A_123 : memref<!tpu.dma_semaphore, #tpu.memory_space<semaphore_mem>>) src(%dma_wait3A_115 : memref<128x64xf32, #tpu.memory_space<vmem>>) dst(%dma_wait3A_121 : memref<10240x64xf32, #tpu.memory_space<vmem_shared>>)
    %dma_wait3A_124 = arith.constant 2 : i32
    %dma_wait3A_125 = arith.constant 0 : i32
    %dma_wait3A_126 = arith.constant 2 : i32
    %dma_wait3A_127 = arith.constant 0 : i32
    %dma_wait3A_128 = arith.constant 0 : i32
    %dma_wait3A_129 = tpu.memref_slice %arg7[%dma_wait3A_124, %dma_wait3A_127, %dma_wait3A_128] : memref<3x128x64xf32, #tpu.memory_space<vmem>> -> memref<1x128x64xf32, #tpu.memory_space<vmem>>
    %dma_wait3A_130 = tpu.memref_squeeze %dma_wait3A_129 : memref<1x128x64xf32, #tpu.memory_space<vmem>> -> memref<128x64xf32, #tpu.memory_space<vmem>>
    %dma_wait3A_131 = arith.constant 0 : i32
    %dma_wait3A_132 = tpu.memref_slice %arg6[%dma_wait3A_125, %dma_wait3A_131] : memref<79x128xi32, #tpu.memory_space<vmem>> -> memref<1x128xi32, #tpu.memory_space<vmem>>
    %dma_wait3A_133 = tpu.memref_squeeze %dma_wait3A_132 : memref<1x128xi32, #tpu.memory_space<vmem>> -> memref<128xi32, #tpu.memory_space<vmem>>
    %dma_wait3A_134 = arith.constant 0 : i32
    %dma_wait3A_135 = arith.constant 0 : i32
    %dma_wait3A_136 = tpu.memref_slice %arg9[%dma_wait3A_134, %dma_wait3A_135] : memref<10240x64xf32, #tpu.memory_space<vmem_shared>> -> memref<10240x64xf32, #tpu.memory_space<vmem_shared>>
    %dma_wait3A_137 = tpu.memref_slice %arg11[%dma_wait3A_126] : memref<3x!tpu.dma_semaphore, #tpu.memory_space<semaphore_mem>> -> memref<1x!tpu.dma_semaphore, #tpu.memory_space<semaphore_mem>>
    %dma_wait3A_138 = tpu.memref_squeeze %dma_wait3A_137 : memref<1x!tpu.dma_semaphore, #tpu.memory_space<semaphore_mem>> -> memref<!tpu.dma_semaphore, #tpu.memory_space<semaphore_mem>>
    tpu.wait_indirect_dma semaphore(%dma_wait3A_138 : memref<!tpu.dma_semaphore, #tpu.memory_space<semaphore_mem>>) src(%dma_wait3A_130 : memref<128x64xf32, #tpu.memory_space<vmem>>) dst(%dma_wait3A_136 : memref<10240x64xf32, #tpu.memory_space<vmem_shared>>)
    %barrier3A_139 = arith.constant 0 : index
    tpu.barrier barrier_id(%barrier3A_139)
    %mul3A_140 = arith.constant 640 : i32
    %mul3A_141 = arith.muli %arg1, %mul3A_140 : i32
    %mul3A_142 = arith.constant 640 : i32
    %mul3A_143 = arith.muli %arg1, %mul3A_142 : i32
    "tpu.region"() ({
      %run_scoped3A_144 = tpu.sem_alloc : memref<!tpu.dma_semaphore, #tpu.memory_space<semaphore_mem>>
      %dma_start3A_145 = arith.constant 0 : i32
      %dma_start3A_146 = tpu.memref_slice %arg4[%arg0, %mul3A_143, %dma_start3A_145] : memref<2x10240x64xf32, #tpu.memory_space<hbm>> -> memref<1x640x64xf32, #tpu.memory_space<hbm>>
      %dma_start3A_147 = tpu.memref_squeeze %dma_start3A_146 : memref<1x640x64xf32, #tpu.memory_space<hbm>> -> memref<640x64xf32, #tpu.memory_space<hbm>>
      %dma_start3A_148 = arith.constant 0 : i32
      %dma_start3A_149 = tpu.memref_slice %arg9[%mul3A_141, %dma_start3A_148] : memref<10240x64xf32, #tpu.memory_space<vmem_shared>> -> memref<640x64xf32, #tpu.memory_space<vmem_shared>>
      tpu.enqueue_dma source(%dma_start3A_149 : memref<640x64xf32, #tpu.memory_space<vmem_shared>>) target(%dma_start3A_147 : memref<640x64xf32, #tpu.memory_space<hbm>>) target_semaphore(%run_scoped3A_144 : memref<!tpu.dma_semaphore, #tpu.memory_space<semaphore_mem>>)
      %dma_wait3A_150 = arith.constant 0 : i32
      %dma_wait3A_151 = tpu.memref_slice %arg4[%arg0, %mul3A_143, %dma_wait3A_150] : memref<2x10240x64xf32, #tpu.memory_space<hbm>> -> memref<1x640x64xf32, #tpu.memory_space<hbm>>
      %dma_wait3A_152 = tpu.memref_squeeze %dma_wait3A_151 : memref<1x640x64xf32, #tpu.memory_space<hbm>> -> memref<640x64xf32, #tpu.memory_space<hbm>>
      %dma_wait3A_153 = arith.constant 0 : i32
      %dma_wait3A_154 = tpu.memref_slice %arg9[%mul3A_141, %dma_wait3A_153] : memref<10240x64xf32, #tpu.memory_space<vmem_shared>> -> memref<640x64xf32, #tpu.memory_space<vmem_shared>>
      tpu.wait_dma2 semaphore(%run_scoped3A_144 : memref<!tpu.dma_semaphore, #tpu.memory_space<semaphore_mem>>) src(%dma_wait3A_154 : memref<640x64xf32, #tpu.memory_space<vmem_shared>>) dst(%dma_wait3A_152 : memref<640x64xf32, #tpu.memory_space<hbm>>)
      tpu.yield
    }) : () -> ()
    return
  }
}

module attributes {stable_mosaic.version = 14 : i64} {
  func.func @_tc_scale_body(%arg0: i32, %arg1: memref<1280x64xf32, #tpu.memory_space<vmem>>, %arg2: memref<2x1280x16xf32, #tpu.memory_space<vmem>>, %arg3: memref<1280x64xf32, #tpu.memory_space<vmem>>, %arg4: memref<10240xf32, #tpu.memory_space<vmem>>) attributes {dimension_semantics = [#tpu.dimension_semantics<arbitrary>], iteration_bounds = array<i64: 8>, scalar_prefetch = 0 : i64, scratch_operands = 0 : i64, tpu.core_type = #tpu.core_type<tc>, window_params = [{transform_indices = @transform_0, window_bounds = array<i64: 1280, 64>}, {transform_indices = @transform_1, window_bounds = array<i64: 2, 1280, 16>}, {transform_indices = @transform_2, window_bounds = array<i64: 1280, 64>}, {pipeline_mode = #tpu.pipeline_mode<synchronous>, transform_indices = @transform_3, window_bounds = array<i64: 10240>}]} {
    %get3A = arith.constant 0 : index
    %get3A_0 = arith.constant 0 : index
    %get3A_1 = arith.constant 0 : index
    %get3A_2 = vector.load %arg2[%get3A, %get3A_0, %get3A_1] : memref<2x1280x16xf32, #tpu.memory_space<vmem>>, vector<1x1280x1xf32>
    %get3A_3 = vector.shape_cast %get3A_2 : vector<1x1280x1xf32> to vector<1280x1xf32>
    %add3A = arith.constant 1.000000e+00 : f32
    %add3A_4 = vector.broadcast %add3A : f32 to vector<1280x1xf32>
    %add3A_5 = arith.addf %add3A_4, %get3A_3 : vector<1280x1xf32>
    %get3A_6 = arith.constant 1 : index
    %get3A_7 = arith.constant 0 : index
    %get3A_8 = arith.constant 0 : index
    %get3A_9 = vector.load %arg2[%get3A_6, %get3A_7, %get3A_8] : memref<2x1280x16xf32, #tpu.memory_space<vmem>>, vector<1x1280x1xf32>
    %get3A_10 = vector.shape_cast %get3A_9 : vector<1x1280x1xf32> to vector<1280x1xf32>
    %add3A_11 = arith.addf %add3A_5, %get3A_10 : vector<1280x1xf32>
    %rsqrt3A = math.rsqrt %add3A_11 : vector<1280x1xf32>
    %get3A_12 = arith.constant 0 : index
    %get3A_13 = arith.constant 0 : index
    %get3A_14 = vector.load %arg1[%get3A_12, %get3A_13] : memref<1280x64xf32, #tpu.memory_space<vmem>>, vector<1280x64xf32>
    %mul3A = vector.broadcast %rsqrt3A : vector<1280x1xf32> to vector<1280x64xf32>
    %mul3A_15 = arith.mulf %get3A_14, %mul3A : vector<1280x64xf32>
    %swap3A = arith.constant 0 : index
    %swap3A_16 = arith.constant 0 : index
    %swap3A_17 = vector.load %arg3[%swap3A, %swap3A_16] : memref<1280x64xf32, #tpu.memory_space<vmem>>, vector<1280x64xf32>
    tpu.vector_store %arg3[%swap3A, %swap3A_16], %mul3A_15 {strides = array<i32>} : memref<1280x64xf32, #tpu.memory_space<vmem>>, vector<1280x64xf32>,
    %squeeze3A = vector.shape_cast %rsqrt3A : vector<1280x1xf32> to vector<1280xf32>
    %mul3A_18 = arith.constant 1280 : i32
    %mul3A_19 = arith.muli %arg0, %mul3A_18 : i32
    %swap3A_20 = arith.index_cast %mul3A_19 : i32 to index
    %swap3A_21 = vector.load %arg4[%swap3A_20] : memref<10240xf32, #tpu.memory_space<vmem>>, vector<1280xf32>
    tpu.vector_store %arg4[%swap3A_20], %squeeze3A {strides = array<i32>} : memref<10240xf32, #tpu.memory_space<vmem>>, vector<1280xf32>,
    return
  }
  func.func @transform_0(%arg0: i32) -> (i32, i32) {
    %c0_i32 = arith.constant 0 : i32
    %c0_i32_0 = arith.constant 0 : i32
    return %arg0, %c0_i32 : i32, i32
  }
  func.func @transform_1(%arg0: i32) -> (i32, i32, i32) {
    %c0_i32 = arith.constant 0 : i32
    %c0_i32_0 = arith.constant 0 : i32
    %c0_i32_1 = arith.constant 0 : i32
    return %c0_i32, %arg0, %c0_i32_0 : i32, i32, i32
  }
  func.func @transform_2(%arg0: i32) -> (i32, i32) {
    %c0_i32 = arith.constant 0 : i32
    %c0_i32_0 = arith.constant 0 : i32
    return %arg0, %c0_i32 : i32, i32
  }
  func.func @transform_3(%arg0: i32) -> i32 {
    %c0_i32 = arith.constant 0 : i32
    %c0_i32_0 = arith.constant 0 : i32
    return %c0_i32 : i32
  }
}

module attributes {stable_mosaic.version = 14 : i64} {
  func.func @_tc_mm_body(%arg0: i32, %arg1: memref<1280x128xf32, #tpu.memory_space<vmem>>, %arg2: memref<64x32xf32, #tpu.memory_space<vmem>>, %arg3: memref<64x32xf32, #tpu.memory_space<vmem>>, %arg4: memref<1280x64xf32, #tpu.memory_space<vmem>>) attributes {dimension_semantics = [#tpu.dimension_semantics<arbitrary>], iteration_bounds = array<i64: 8>, scalar_prefetch = 0 : i64, scratch_operands = 0 : i64, tpu.core_type = #tpu.core_type<tc>, window_params = [{transform_indices = @transform_0, window_bounds = array<i64: 1280, 128>}, {pipeline_mode = #tpu.pipeline_mode<synchronous>, transform_indices = @transform_1, window_bounds = array<i64: 64, 32>}, {pipeline_mode = #tpu.pipeline_mode<synchronous>, transform_indices = @transform_2, window_bounds = array<i64: 64, 32>}, {transform_indices = @transform_3, window_bounds = array<i64: 1280, 64>}]} {
    %get3A = arith.constant 0 : index
    %get3A_0 = arith.constant 0 : index
    %get3A_1 = vector.load %arg1[%get3A, %get3A_0] : memref<1280x128xf32, #tpu.memory_space<vmem>>, vector<1280x128xf32>
    %slice3A = vector.extract_strided_slice %get3A_1 {offsets = [0, 0], sizes = [1280, 64], strides = [1, 1]} : vector<1280x128xf32> to vector<1280x64xf32>
    %get3A_2 = arith.constant 0 : index
    %get3A_3 = arith.constant 0 : index
    %get3A_4 = vector.load %arg2[%get3A_2, %get3A_3] : memref<64x32xf32, #tpu.memory_space<vmem>>, vector<64x32xf32>
    %dot_general3A = arith.constant dense<0.000000e+00> : vector<1280x32xf32>
    %dot_general3A_5 = tpu.matmul %slice3A, %get3A_4, %dot_general3A {dimension_numbers = #tpu.dot_dimension_numbers<[1], [0], [0], [1], [0, 0, 1, 1], [], []>, precision = #tpu.contract_precision<fp32>, transpose_lhs_hint = false} : vector<1280x64xf32>, vector<64x32xf32>, vector<1280x32xf32> -> vector<1280x32xf32>
    %slice3A_6 = vector.extract_strided_slice %get3A_1 {offsets = [0, 64], sizes = [1280, 64], strides = [1, 1]} : vector<1280x128xf32> to vector<1280x64xf32>
    %get3A_7 = arith.constant 0 : index
    %get3A_8 = arith.constant 0 : index
    %get3A_9 = vector.load %arg3[%get3A_7, %get3A_8] : memref<64x32xf32, #tpu.memory_space<vmem>>, vector<64x32xf32>
    %dot_general3A_10 = arith.constant dense<0.000000e+00> : vector<1280x32xf32>
    %dot_general3A_11 = tpu.matmul %slice3A_6, %get3A_9, %dot_general3A_10 {dimension_numbers = #tpu.dot_dimension_numbers<[1], [0], [0], [1], [0, 0, 1, 1], [], []>, precision = #tpu.contract_precision<fp32>, transpose_lhs_hint = false} : vector<1280x64xf32>, vector<64x32xf32>, vector<1280x32xf32> -> vector<1280x32xf32>
    %concatenate3A = tpu.concatenate %dot_general3A_5, %dot_general3A_11 in 1 : vector<1280x32xf32>, vector<1280x32xf32> -> vector<1280x64xf32>
    %swap3A = arith.constant 0 : index
    %swap3A_12 = arith.constant 0 : index
    %swap3A_13 = vector.load %arg4[%swap3A, %swap3A_12] : memref<1280x64xf32, #tpu.memory_space<vmem>>, vector<1280x64xf32>
    tpu.vector_store %arg4[%swap3A, %swap3A_12], %concatenate3A {strides = array<i32>} : memref<1280x64xf32, #tpu.memory_space<vmem>>, vector<1280x64xf32>,
    return
  }
  func.func @transform_0(%arg0: i32) -> (i32, i32) {
    %c0_i32 = arith.constant 0 : i32
    %c0_i32_0 = arith.constant 0 : i32
    return %arg0, %c0_i32 : i32, i32
  }
  func.func @transform_1(%arg0: i32) -> (i32, i32) {
    %c0_i32 = arith.constant 0 : i32
    %c0_i32_0 = arith.constant 0 : i32
    %c0_i32_1 = arith.constant 0 : i32
    return %c0_i32, %c0_i32_0 : i32, i32
  }
  func.func @transform_2(%arg0: i32) -> (i32, i32) {
    %c0_i32 = arith.constant 0 : i32
    %c0_i32_0 = arith.constant 0 : i32
    %c0_i32_1 = arith.constant 0 : i32
    return %c0_i32, %c0_i32_0 : i32, i32
  }
  func.func @transform_3(%arg0: i32) -> (i32, i32) {
    %c0_i32 = arith.constant 0 : i32
    %c0_i32_0 = arith.constant 0 : i32
    return %arg0, %c0_i32 : i32, i32
  }
}

module attributes {stable_mosaic.version = 14 : i64} {
  func.func @_tc_b_body(%arg0: i32, %arg1: memref<2x1280x64xf32, #tpu.memory_space<vmem>>, %arg2: memref<1280x64xf32, #tpu.memory_space<vmem>>, %arg3: memref<10240xf32, #tpu.memory_space<vmem>>, %arg4: memref<1x64xf32, #tpu.memory_space<vmem>>, %arg5: memref<64x16xf32, #tpu.memory_space<vmem>>, %arg6: memref<1280x16xf32, #tpu.memory_space<vmem>>) attributes {dimension_semantics = [#tpu.dimension_semantics<arbitrary>], iteration_bounds = array<i64: 8>, scalar_prefetch = 0 : i64, scratch_operands = 0 : i64, tpu.core_type = #tpu.core_type<tc>, window_params = [{transform_indices = @transform_0, window_bounds = array<i64: 2, 1280, 64>}, {transform_indices = @transform_1, window_bounds = array<i64: 1280, 64>}, {pipeline_mode = #tpu.pipeline_mode<synchronous>, transform_indices = @transform_2, window_bounds = array<i64: 10240>}, {pipeline_mode = #tpu.pipeline_mode<synchronous>, transform_indices = @transform_3, window_bounds = array<i64: 1, 64>}, {pipeline_mode = #tpu.pipeline_mode<synchronous>, transform_indices = @transform_4, window_bounds = array<i64: 64, 16>}, {transform_indices = @transform_5, window_bounds = array<i64: 1280, 16>}]} {
    %mul3A = arith.constant 1280 : i32
    %mul3A_0 = arith.muli %arg0, %mul3A : i32
    %get3A = arith.index_cast %mul3A_0 : i32 to index
    %get3A_1 = vector.load %arg3[%get3A] : memref<10240xf32, #tpu.memory_space<vmem>>, vector<1280xf32>
    %broadcast_in_dim3A = vector.shape_cast %get3A_1 : vector<1280xf32> to vector<1280x1xf32>
    %get3A_2 = arith.constant 0 : index
    %get3A_3 = arith.constant 0 : index
    %get3A_4 = arith.constant 0 : index
    %get3A_5 = vector.load %arg1[%get3A_2, %get3A_3, %get3A_4] : memref<2x1280x64xf32, #tpu.memory_space<vmem>>, vector<1x1280x64xf32>
    %get3A_6 = vector.shape_cast %get3A_5 : vector<1x1280x64xf32> to vector<1280x64xf32>
    %get3A_7 = arith.constant 1 : index
    %get3A_8 = arith.constant 0 : index
    %get3A_9 = arith.constant 0 : index
    %get3A_10 = vector.load %arg1[%get3A_7, %get3A_8, %get3A_9] : memref<2x1280x64xf32, #tpu.memory_space<vmem>>, vector<1x1280x64xf32>
    %get3A_11 = vector.shape_cast %get3A_10 : vector<1x1280x64xf32> to vector<1280x64xf32>
    %add3A = arith.addf %get3A_6, %get3A_11 : vector<1280x64xf32>
    %get3A_12 = arith.constant 0 : index
    %get3A_13 = arith.constant 0 : index
    %get3A_14 = vector.load %arg2[%get3A_12, %get3A_13] : memref<1280x64xf32, #tpu.memory_space<vmem>>, vector<1280x64xf32>
    %add3A_15 = arith.addf %add3A, %get3A_14 : vector<1280x64xf32>
    %mul3A_16 = vector.broadcast %broadcast_in_dim3A : vector<1280x1xf32> to vector<1280x64xf32>
    %mul3A_17 = arith.mulf %add3A_15, %mul3A_16 : vector<1280x64xf32>
    %get3A_18 = arith.constant 0 : index
    %get3A_19 = arith.constant 0 : index
    %get3A_20 = vector.load %arg4[%get3A_18, %get3A_19] : memref<1x64xf32, #tpu.memory_space<vmem>>, vector<1x64xf32>
    %add3A_21 = vector.broadcast %get3A_20 : vector<1x64xf32> to vector<1280x64xf32>
    %add3A_22 = arith.addf %mul3A_17, %add3A_21 : vector<1280x64xf32>
    %gt3A = arith.constant 0.000000e+00 : f32
    %gt3A_23 = vector.broadcast %gt3A : f32 to vector<1280x64xf32>
    %gt3A_24 = arith.cmpf ogt, %add3A_22, %gt3A_23 : vector<1280x64xf32>
    %min3A = arith.constant 0.000000e+00 : f32
    %min3A_25 = vector.broadcast %min3A : f32 to vector<1280x64xf32>
    %min3A_26 = arith.minimumf %add3A_22, %min3A_25 : vector<1280x64xf32>
    %exp3A = math.exp %min3A_26 : vector<1280x64xf32>
    %sub3A = arith.constant 1.000000e+00 : f32
    %sub3A_27 = vector.broadcast %sub3A : f32 to vector<1280x64xf32>
    %sub3A_28 = arith.subf %exp3A, %sub3A_27 : vector<1280x64xf32>
    %select_n3A = arith.select %gt3A_24, %add3A_22, %sub3A_28 : vector<1280x64xi1>, vector<1280x64xf32>
    %get3A_29 = arith.constant 0 : index
    %get3A_30 = arith.constant 0 : index
    %get3A_31 = vector.load %arg5[%get3A_29, %get3A_30] : memref<64x16xf32, #tpu.memory_space<vmem>>, vector<64x16xf32>
    %dot_general3A = arith.constant dense<0.000000e+00> : vector<1280x16xf32>
    %dot_general3A_32 = tpu.matmul %select_n3A, %get3A_31, %dot_general3A {dimension_numbers = #tpu.dot_dimension_numbers<[1], [0], [0], [1], [0, 0, 1, 1], [], []>, precision = #tpu.contract_precision<fp32>, transpose_lhs_hint = false} : vector<1280x64xf32>, vector<64x16xf32>, vector<1280x16xf32> -> vector<1280x16xf32>
    %mul3A_33 = vector.broadcast %broadcast_in_dim3A : vector<1280x1xf32> to vector<1280x16xf32>
    %mul3A_34 = arith.mulf %dot_general3A_32, %mul3A_33 : vector<1280x16xf32>
    %swap3A = arith.constant 0 : index
    %swap3A_35 = arith.constant 0 : index
    %swap3A_36 = vector.load %arg6[%swap3A, %swap3A_35] : memref<1280x16xf32, #tpu.memory_space<vmem>>, vector<1280x16xf32>
    tpu.vector_store %arg6[%swap3A, %swap3A_35], %mul3A_34 {strides = array<i32>} : memref<1280x16xf32, #tpu.memory_space<vmem>>, vector<1280x16xf32>,
    return
  }
  func.func @transform_0(%arg0: i32) -> (i32, i32, i32) {
    %c0_i32 = arith.constant 0 : i32
    %c0_i32_0 = arith.constant 0 : i32
    %c0_i32_1 = arith.constant 0 : i32
    return %c0_i32, %arg0, %c0_i32_0 : i32, i32, i32
  }
  func.func @transform_1(%arg0: i32) -> (i32, i32) {
    %c0_i32 = arith.constant 0 : i32
    %c0_i32_0 = arith.constant 0 : i32
    return %arg0, %c0_i32 : i32, i32
  }
  func.func @transform_2(%arg0: i32) -> i32 {
    %c0_i32 = arith.constant 0 : i32
    %c0_i32_0 = arith.constant 0 : i32
    return %c0_i32 : i32
  }
  func.func @transform_3(%arg0: i32) -> (i32, i32) {
    %c0_i32 = arith.constant 0 : i32
    %c0_i32_0 = arith.constant 0 : i32
    %c0_i32_1 = arith.constant 0 : i32
    return %c0_i32, %c0_i32_0 : i32, i32
  }
  func.func @transform_4(%arg0: i32) -> (i32, i32) {
    %c0_i32 = arith.constant 0 : i32
    %c0_i32_0 = arith.constant 0 : i32
    %c0_i32_1 = arith.constant 0 : i32
    return %c0_i32, %c0_i32_0 : i32, i32
  }
  func.func @transform_5(%arg0: i32) -> (i32, i32) {
    %c0_i32 = arith.constant 0 : i32
    %c0_i32_0 = arith.constant 0 : i32
    return %arg0, %c0_i32 : i32, i32
  }
}

module attributes {stable_mosaic.version = 14 : i64} {
  func.func @_tc_c_body(%arg0: i32, %arg1: memref<2x160x128xf32, #tpu.memory_space<vmem>>, %arg2: memref<160x128xf32, #tpu.memory_space<vmem>>, %arg3: memref<2x160x128xf32, #tpu.memory_space<vmem>>, %arg4: memref<1x128xf32, #tpu.memory_space<vmem>>, %arg5: memref<128x128xf32, #tpu.memory_space<vmem>>, %arg6: memref<160x128xf32, #tpu.memory_space<vmem>>) attributes {dimension_semantics = [#tpu.dimension_semantics<arbitrary>], iteration_bounds = array<i64: 8>, scalar_prefetch = 0 : i64, scratch_operands = 0 : i64, tpu.core_type = #tpu.core_type<tc>, window_params = [{transform_indices = @transform_0, window_bounds = array<i64: 2, 160, 128>}, {transform_indices = @transform_1, window_bounds = array<i64: 160, 128>}, {transform_indices = @transform_2, window_bounds = array<i64: 2, 160, 128>}, {pipeline_mode = #tpu.pipeline_mode<synchronous>, transform_indices = @transform_3, window_bounds = array<i64: 1, 128>}, {pipeline_mode = #tpu.pipeline_mode<synchronous>, transform_indices = @transform_4, window_bounds = array<i64: 128, 128>}, {transform_indices = @transform_5, window_bounds = array<i64: 160, 128>}]} {
    %get3A = arith.constant 0 : index
    %get3A_0 = arith.constant 0 : index
    %get3A_1 = arith.constant 0 : index
    %get3A_2 = vector.load %arg3[%get3A, %get3A_0, %get3A_1] : memref<2x160x128xf32, #tpu.memory_space<vmem>>, vector<1x160x128xf32>
    %get3A_3 = vector.shape_cast %get3A_2 : vector<1x160x128xf32> to vector<160x128xf32>
    %add3A = arith.constant 1.000000e+00 : f32
    %add3A_4 = vector.broadcast %add3A : f32 to vector<160x128xf32>
    %add3A_5 = arith.addf %add3A_4, %get3A_3 : vector<160x128xf32>
    %get3A_6 = arith.constant 1 : index
    %get3A_7 = arith.constant 0 : index
    %get3A_8 = arith.constant 0 : index
    %get3A_9 = vector.load %arg3[%get3A_6, %get3A_7, %get3A_8] : memref<2x160x128xf32, #tpu.memory_space<vmem>>, vector<1x160x128xf32>
    %get3A_10 = vector.shape_cast %get3A_9 : vector<1x160x128xf32> to vector<160x128xf32>
    %add3A_11 = arith.addf %add3A_5, %get3A_10 : vector<160x128xf32>
    %rsqrt3A = math.rsqrt %add3A_11 : vector<160x128xf32>
    %get3A_12 = arith.constant 0 : index
    %get3A_13 = arith.constant 0 : index
    %get3A_14 = arith.constant 0 : index
    %get3A_15 = vector.load %arg1[%get3A_12, %get3A_13, %get3A_14] : memref<2x160x128xf32, #tpu.memory_space<vmem>>, vector<1x160x128xf32>
    %get3A_16 = vector.shape_cast %get3A_15 : vector<1x160x128xf32> to vector<160x128xf32>
    %get3A_17 = arith.constant 1 : index
    %get3A_18 = arith.constant 0 : index
    %get3A_19 = arith.constant 0 : index
    %get3A_20 = vector.load %arg1[%get3A_17, %get3A_18, %get3A_19] : memref<2x160x128xf32, #tpu.memory_space<vmem>>, vector<1x160x128xf32>
    %get3A_21 = vector.shape_cast %get3A_20 : vector<1x160x128xf32> to vector<160x128xf32>
    %add3A_22 = arith.addf %get3A_16, %get3A_21 : vector<160x128xf32>
    %get3A_23 = arith.constant 0 : index
    %get3A_24 = arith.constant 0 : index
    %get3A_25 = vector.load %arg2[%get3A_23, %get3A_24] : memref<160x128xf32, #tpu.memory_space<vmem>>, vector<160x128xf32>
    %add3A_26 = arith.addf %add3A_22, %get3A_25 : vector<160x128xf32>
    %mul3A = arith.mulf %add3A_26, %rsqrt3A : vector<160x128xf32>
    %get3A_27 = arith.constant 0 : index
    %get3A_28 = arith.constant 0 : index
    %get3A_29 = vector.load %arg4[%get3A_27, %get3A_28] : memref<1x128xf32, #tpu.memory_space<vmem>>, vector<1x128xf32>
    %add3A_30 = vector.broadcast %get3A_29 : vector<1x128xf32> to vector<160x128xf32>
    %add3A_31 = arith.addf %mul3A, %add3A_30 : vector<160x128xf32>
    %reduce_max3A = arith.constant dense<0xFF800000> : vector<160xf32>
    %reduce_max3A_32 = vector.multi_reduction <maximumf>, %add3A_31, %reduce_max3A [1] : vector<160x128xf32> to vector<160xf32>
    %broadcast_in_dim3A = vector.shape_cast %reduce_max3A_32 : vector<160xf32> to vector<160x1xf32>
    %sub3A = vector.broadcast %broadcast_in_dim3A : vector<160x1xf32> to vector<160x128xf32>
    %sub3A_33 = arith.subf %add3A_31, %sub3A : vector<160x128xf32>
    %exp3A = math.exp %sub3A_33 : vector<160x128xf32>
    %get3A_34 = arith.constant 0 : index
    %get3A_35 = arith.constant 0 : index
    %get3A_36 = vector.load %arg5[%get3A_34, %get3A_35] : memref<128x128xf32, #tpu.memory_space<vmem>>, vector<128x128xf32>
    %dot_general3A = arith.constant dense<0.000000e+00> : vector<160x128xf32>
    %dot_general3A_37 = tpu.matmul %exp3A, %get3A_36, %dot_general3A {dimension_numbers = #tpu.dot_dimension_numbers<[1], [0], [0], [1], [0, 0, 1, 1], [], []>, precision = #tpu.contract_precision<fp32>, transpose_lhs_hint = false} : vector<160x128xf32>, vector<128x128xf32>, vector<160x128xf32> -> vector<160x128xf32>
    %div3A = arith.divf %exp3A, %dot_general3A_37 : vector<160x128xf32>
    %swap3A = arith.constant 0 : index
    %swap3A_38 = arith.constant 0 : index
    %swap3A_39 = vector.load %arg6[%swap3A, %swap3A_38] : memref<160x128xf32, #tpu.memory_space<vmem>>, vector<160x128xf32>
    tpu.vector_store %arg6[%swap3A, %swap3A_38], %div3A {strides = array<i32>} : memref<160x128xf32, #tpu.memory_space<vmem>>, vector<160x128xf32>,
    return
  }
  func.func @transform_0(%arg0: i32) -> (i32, i32, i32) {
    %c0_i32 = arith.constant 0 : i32
    %c0_i32_0 = arith.constant 0 : i32
    %c0_i32_1 = arith.constant 0 : i32
    return %c0_i32, %arg0, %c0_i32_0 : i32, i32, i32
  }
  func.func @transform_1(%arg0: i32) -> (i32, i32) {
    %c0_i32 = arith.constant 0 : i32
    %c0_i32_0 = arith.constant 0 : i32
    return %arg0, %c0_i32 : i32, i32
  }
  func.func @transform_2(%arg0: i32) -> (i32, i32, i32) {
    %c0_i32 = arith.constant 0 : i32
    %c0_i32_0 = arith.constant 0 : i32
    %c0_i32_1 = arith.constant 0 : i32
    return %c0_i32, %arg0, %c0_i32_0 : i32, i32, i32
  }
  func.func @transform_3(%arg0: i32) -> (i32, i32) {
    %c0_i32 = arith.constant 0 : i32
    %c0_i32_0 = arith.constant 0 : i32
    %c0_i32_1 = arith.constant 0 : i32
    return %c0_i32, %c0_i32_0 : i32, i32
  }
  func.func @transform_4(%arg0: i32) -> (i32, i32) {
    %c0_i32 = arith.constant 0 : i32
    %c0_i32_0 = arith.constant 0 : i32
    %c0_i32_1 = arith.constant 0 : i32
    return %c0_i32, %c0_i32_0 : i32, i32
  }
  func.func @transform_5(%arg0: i32) -> (i32, i32) {
    %c0_i32 = arith.constant 0 : i32
    %c0_i32_0 = arith.constant 0 : i32
    return %arg0, %c0_i32 : i32, i32
  }
}

</mosaic_0001>

<sc_bundles>
// kernel: kernel.12.cloned.1.call-start
scs
__scs_entry_jumppad:
0x0: {  	(pc) =	sbr.rel $0x88, $3  }
0x1: {  	(tag) =	ssettag $0x0;
	lr =	simm.s32 $0x1  }
0x2: {  	[smem:$0x3F99] =	sst lr;
	_ =	strace $0xD0000000  }
0x3: {  	_ = 	snop  }
0x4: {  	_ = 	snop  }
0x5: {  	_ = 	snop  }
0x6: {  	_ = 	snop  }
0x7: {  	_ = 	snop  }
__scs_overlays_trampoline_lowered:
0x8: {  	[smem:$0x3FA8] =	sst s0  }
0x9: {  	[smem:$0x3FA9] =	sst s1  }
0xa: {  	[smem:$0x3FAA] =	sst s2  }
0xb: {  	[smem:$0x3FAB] =	sst s3  }
0xc: {  	[smem:$0x3FAC] =	sst s4  }
0xd: {  	[smem:$0x3FAD] =	sst s5  }
0xe: {  	[smem:$0x3FAE] =	sst s6  }
0xf: {  	[smem:$0x3FAF] =	sst s7  }
0x10: {  	[smem:$0x3FB0] =	sst s8  }
0x11: {  	[smem:$0x3FB1] =	sst s9;
	s0 =	simm.s32 @!p0 $0x0  }
0x12: {  	s1 =	sld [smem:$0x3F97];
	s0 =	simm.s32 @p0 $0x1  }
0x13: {  	[smem:$0x3FB2] =	sst s0;
	s0 =	simm.s32 @!p1 $0x0  }
0x14: {  	s2 =	sld [smem:$0x3F96];
	s0 =	simm.s32 @p1 $0x1  }
0x15: {  	[smem:$0x3FB3] =	sst s0;
	s0 =	simm.s32 @!p2 $0x0  }
0x16: {  	s3 =	sld [smem:$0x3FDB];
	s0 =	simm.s32 @p2 $0x1  }
0x17: {  	s4 =	simm.s32 $0x1BF5;
	[smem:$0x3FB5] =	sst s0  }
0x18: {  	s0 =	sld [smem:$0x3F98];
	_ =	swait.ge [sflag:s4], $0x0  }
0x19: {  	s7 =	sld [smem:$0x3F99]  }
0x1a: {  	s8 =	sadd.s32 $0xFFFFE003, lr  }
0x1b: {  	s9 =	sadd.s32 $0xFFFFFEF7, lr;
	s5 =	simm.s32 $0xFFFFFFFF;
	p2 =	slt.u32 s8, $0xFFFFF086  }
0x1c: {  	p1 =	slt.u32 s9, $0xF7A;
	s5 =	simm.s32 @!p2 $0x0  }
0x1d: {  	s5 =	simm.s32 @p1 $0x1;
	p0 =	seq.s32 s7, s2  }
0x1e: {  	s7 =	smul.u32 @!p0 $0xF7A, s2;
	p2 =	seq.s32 @!p0 s5, $0x0  }
0x1f: {  	s9 =	smul.u32 $0xF7A, s1;
	s8 =	simm.s32 @!p0 $0x1BF5;
	p2 =	por !p2, p0  }
0x20: {  	[sflag:s8] =	ssyncset.s32 @!p0 $0xFFFFF086;
	s6 =	sadd.s32 @!p0 s3, s7;
	s7 =	simm.s32 @!p0 $0x108  }
0x21: {  	s3 =	sadd.s32 s3, s9;
	s6 =	sadd.s32 @!p0 $0x88, s6;
	s7 =	simm.s32 @p2 $0x1082  }
0x22: {  	[simem:s7], [sflag:s8] =	dma.local @!p0 [hbm:s6], $0xF7A  }
0x23: {  	s9 =	sor.u32 $0xD0000000, s2;
	s6 =	simm.s32 $0x108;
	_ =	swait.ge @!p0 [sflag:s8], $0x0  }
0x24: {  	s3 =	sadd.s32 $0x88, s3;
	s6 =	simm.s32 @!p1 $0x1082;
	[sflag:s4] =	ssyncset.s32 $0xFFFFF086  }
0x25: {  	[simem:s6], [sflag:s4] =	dma.local [hbm:s3], $0xF7A  }
0x26: {  	[smem:$0x3F99] =	sst s1;
	(tag) =	ssettag s2;
	_ =	strace s9  }
0x27: {  	s1 =	sld [smem:$0x3FA9]  }
0x28: {  	s2 =	sld [smem:$0x3FAA]  }
0x29: {  	s4 =	sld [smem:$0x3FAC]  }
0x2a: {  	p0 =	seq.s32 s5, $0x0;
	s5 =	sld [smem:$0x3FAD]  }
0x2b: {  	s6 =	sld [smem:$0x3FAE]  }
0x2c: {  	s7 =	sld [smem:$0x3FAF]  }
0x2d: {  	s3 =	simm.s32 $0x108;
	s8 =	sld [smem:$0x3FB0]  }
0x2e: {  	s3 =	simm.s32 @!p0 $0x1082;
	s9 =	sld [smem:$0x3FB1]  }
0x2f: {  	lr =	sadd.s32 s0, s3;
	s0 =	sld [smem:$0x3FA8]  }
0x30: {  	s3 =	sld [smem:$0x3FAB]  }
0x31: {  	[smem:$0x3FB4] =	sst s10  }
0x32: {  	s10 =	sld [smem:$0x3FB2];
	_ =	sdelay $0x3  }
0x33: {  	p0 =	seq.s32 s10, $0x1;
	s10 =	sld [smem:$0x3FB4];
	_ =	sdelay $0x3  }
0x34: {  	[smem:$0x3FB4] =	sst s10  }
0x35: {  	s10 =	sld [smem:$0x3FB3];
	_ =	sdelay $0x3  }
0x36: {  	p1 =	seq.s32 s10, $0x1;
	s10 =	sld [smem:$0x3FB4];
	_ =	sdelay $0x3  }
0x37: {  	[smem:$0x3FB4] =	sst s10  }
0x38: {  	s10 =	sld [smem:$0x3FB5]  }
0x39: {  	_ = 	snop;
	(pc) =	sbr.ind lr, $3  }
0x3a: {  	_ = 	snop  }
0x3b: {  	_ = 	snop  }
0x3c: {  	p2 =	seq.s32 s10, $0x1;
	s10 =	sld [smem:$0x3FB4]  }
0x3d: {  	_ =	shalt  }
0x3e: {  	_ =	shalt  }
0x3f: {  	_ =	shalt  }
0x40: {  	_ =	shalt  }
0x41: {  	_ =	shalt  }
0x42: {  	_ =	shalt  }
0x43: {  	_ =	shalt  }
0x44: {  	_ =	shalt  }
0x45: {  	_ =	shalt  }
0x46: {  	_ =	shalt  }
0x47: {  	_ =	shalt  }
0x48: {  	_ =	shalt  }
0x49: {  	_ =	shalt  }
0x4a: {  	_ =	shalt  }
0x4b: {  	_ =	shalt  }
0x4c: {  	_ =	shalt  }
0x4d: {  	_ =	shalt  }
0x4e: {  	_ =	shalt  }
0x4f: {  	_ =	shalt  }
0x50: {  	_ =	shalt  }
0x51: {  	_ =	shalt  }
0x52: {  	_ =	shalt  }
0x53: {  	_ =	shalt  }
0x54: {  	_ =	shalt  }
0x55: {  	_ =	shalt  }
0x56: {  	_ =	shalt  }
0x57: {  	_ =	shalt  }
0x58: {  	_ =	shalt  }
0x59: {  	_ =	shalt  }
0x5a: {  	_ =	shalt  }
0x5b: {  	_ =	shalt  }
0x5c: {  	_ =	shalt  }
0x5d: {  	_ =	shalt  }
0x5e: {  	_ =	shalt  }
0x5f: {  	_ =	shalt  }
0x60: {  	_ =	shalt  }
0x61: {  	_ =	shalt  }
0x62: {  	_ =	shalt  }
0x63: {  	_ =	shalt  }
0x64: {  	_ =	shalt  }
0x65: {  	_ =	shalt  }
0x66: {  	_ =	shalt  }
0x67: {  	_ =	shalt  }
0x68: {  	_ =	shalt  }
0x69: {  	_ =	shalt  }
0x6a: {  	_ =	shalt  }
0x6b: {  	_ =	shalt  }
0x6c: {  	_ =	shalt  }
0x6d: {  	_ =	shalt  }
0x6e: {  	_ =	shalt  }
0x6f: {  	_ =	shalt  }
0x70: {  	_ =	shalt  }
0x71: {  	_ =	shalt  }
0x72: {  	_ =	shalt  }
0x73: {  	_ =	shalt  }
0x74: {  	_ =	shalt  }
0x75: {  	_ =	shalt  }
0x76: {  	_ =	shalt  }
0x77: {  	_ =	shalt  }
0x78: {  	_ =	shalt  }
0x79: {  	_ =	shalt  }
0x7a: {  	_ =	shalt  }
0x7b: {  	_ =	shalt  }
0x7c: {  	_ =	shalt  }
0x7d: {  	_ =	shalt  }
0x7e: {  	_ =	shalt  }
0x7f: {  	_ =	shalt  }
0x80: {  	_ =	shalt  }
0x81: {  	_ =	shalt  }
0x82: {  	_ =	shalt  }
0x83: {  	_ =	shalt  }
0x84: {  	_ =	shalt  }
0x85: {  	_ =	shalt  }
0x86: {  	_ =	shalt  }
0x87: {  	_ =	shalt  }
.Lfunc_end0:
.L_simem_size_0:
called_computation.1_lowered:
.L_overlay_start_0:
0x88: {  	s2 =	sld [smem:$0x3FD9]  }
0x89: {  	s3 =	sld [smem:$0x3FFE];
	_ =	sdelay $0x1  }
0x8a: {  	s1 =	srdreg.scid  }
0x8b: {  	s0 =	sand.u32 $0x1, s1  }
0x8c: {  	s16 =	sshll.u32 s0, $0xA;
	s2 =	sadd.s32 s3, s2  }
0x8d: {  	s2 =	sadd.s32 s2, s16  }
0x8e: {  	[smem:$0x3FC0] =	sst s2  }
0x8f: {  	_ = 	snop  }
0x90: {  	(tm) =	ssettm $0x1  }
0x91: {  	s17 =	sld [smem:$0x3FFB];
	_ =	sdelay $0x3  }
0x92: {  	_ =	strace s17  }
0x93: {  	s2 =	sld [smem:$0x3FFC];
	_ =	sdelay $0x3  }
0x94: {  	_ =	strace s2  }
0x95: {  	s2 =	sld [smem:$0x3FFD];
	_ =	sdelay $0x3  }
0x96: {  	_ =	strace s2  }
0x97: {  	_ =	strace $0x8FFFFFFF  }
0x98: {  	s18 =	sld [smem:$0x3FDB];
	_ =	sdelay $0x1  }
0x99: {  	s19 =	simm.s32 $_scs_section_size  }
0x9a: {  	s4 =	simm.s32 $_size__tile_overlayer_lowered;
	s5 =	simm.s32 $_tile_overlayer_lowered  }
0x9b: {  	s22 =	simm.s32 $0x1BFF;
	s21 =	sshll.u32 s5, $0x1;
	s2 =	sadd.s32 s19, s18  }
0x9c: {  	s6 =	simm.s32 $0x0;
	s20 =	sshll.u32 s4, $0x1;
	s4 =	sadd.s32 s21, s2  }
0x9d: {  	[timem:s6], [sflag:s22] =	dma.local [hbm:s4], s20  }
0x9e: {  	_ =	swait.ge [sflag:s22], s20  }
0x9f: {  	s3 =	ssub.s32 $0x0, s20;
	[sflag:s22] =	ssyncset.done $0x0  }
0xa0: {  	[sflag:s22] =	ssyncadd.s32 s3;
	_ =	sdelay $0x1  }
0xa1: {  	s23 =	simm.s32 $0x1B8B  }
0xa2: {  	_ =	swait.ge [sflag:s23], $0x1  }
0xa3: {  	[sflag:s23] =	ssyncset.done $0x0  }
0xa4: {  	s25 =	simm.s32 $0x1B8E;
	s24 =	sld [smem:$0x3FFE];
	[sflag:s23] =	ssyncadd.s32 $0xFFFFFFFF  }
0xa5: {  	s26 =	simm.s32 $execute0_lowered;
	[smem:$0x3FD2] =	sst s25  }
0xa6: {  	s4 =	sshll.u32 s26, $0x1;
	_ =	strace $0x80000049;
	[dreg:$0x1] =	wrdreg $0xFFFFFFFF  }
0xa7: {  	s28 =	simm.s32 $_size_execute0_lowered;
	s2 =	sadd.s32 s2, s4;
	[dreg:$0x0] =	wrdreg $0x0  }
0xa8: {  	s4 =	sshll.u32 s28, $0x1;
	[dreg:$0x2] =	wrdreg s2  }
0xa9: {  	[dreg:$0x3] =	wrdreg s4  }
0xaa: {  	[dreg:$0x4] =	wrdreg $0xC0  }
0xab: {  	_ =	task [dreg:s6], $0x5FFFF  }
0xac: {  	[dreg:$0x1] =	wrdreg $0xFFFFFFFF  }
0xad: {  	[dreg:$0x0] =	wrdreg $0x60  }
0xae: {  	[dreg:$0x2] =	wrdreg s24  }
0xaf: {  	[dreg:$0x3] =	wrdreg $0xAF000  }
0xb0: {  	[dreg:$0x4] =	wrdreg $0x14B400  }
0xb1: {  	[dreg:$0x5] =	wrdreg $0x9  }
0xb2: {  	_ =	task.clear_ibuf [dreg:s6], $0x6FFFF;
	_ =	strace $0x90000049  }
0xb3: {  	s29 =	simm.s32 $0x9;
	_ =	strace $0x8000004B  }
0xb4: {  	_ =	swait.ge [sflag:s29], $0x1  }
0xb5: {  	[sflag:s29] =	ssyncadd.s32 $0xFFFFFFFF  }
0xb6: {  	_ =	strace $0x9000004B  }
0xb7: {  	_ =	sfence  }
0xb8: {  	s30 =	sld [smem:$0x0];
	_ =	sdelay $0x2  }
0xb9: {  	s31 =	sshll.u32 s1, $0xD;
	s1 =	sshrl.u32 s1, $0x2  }
0xba: {  	s3 =	sand.u32 $0x4000, s31;
	s1 =	sadd.s32 s1, s30  }
0xbb: {  	s0 =	sor.u32 s3, s0;
	s1 =	sshll.u32 s1, $0x11  }
0xbc: {  	s0 =	sor.u32 s1, s0  }
0xbd: {  	s0 =	sadd.s32 $0x8F2B, s0  }
0xbe: {  	[sflag:s0] =	ssyncadd.remote.s32 $0x1  }
0xbf: {  	_ =	sfence.sel $0xFFFF  }
0xc0: {  	[dreg:$0x0] =	wrdreg $0xFFFFFFFF;
	(pc) =	sbr.abs _section_cstart, $3  }
0xc1: {  	[dreg:$0x1] =	wrdreg $0xFFFFFFFF  }
0xc2: {  	_ =	task.clear_ibuf [dreg:s6], $0x2FFFF;
	_ =	strace $0x9FFFFFFF  }
0xc3: {  	(tm) =	ssettm $0x7FFFFFFF  }
tec
execute0_lowered:
.L_overlay_start_1:
0x0: {  	(tag) =	ssettag $0x1  }
0x1: {  	s0 =	rddreg [dreg:$0x0]  }
0x2: {  	s2 =	rddreg [dreg:$0x1]  }
0x3: {  	s3 =	rddreg [dreg:$0x2];
	s13 =	stileid.u32;
	s4 =	simm.s32 $0x0  }
0x4: {  	s5 =	srdreg.scid;
	s19 =	simm.s32 $0x7;
	s1 =	smul.u32 $0x9C40, s13  }
0x5: {  	s20 =	simm.s32 $0x80;
	[smem:$0x7FF] =	sst s4;
	s11 =	smul.u32 $0xA000, s13  }
0x6: {  	s5 =	sand.u32 $0x1, s5;
	s21 =	sadd.s32 $0x2600, s0;
	s24 =	smul.u32 $0x28000, s13  }
0x7: {  	s26 =	sadd.s32 $0xBF10, s0;
	_ =	strace $0x8000004A;
	s7 =	smul.u32 $0xA0000, s5  }
0x8: {  	s8 =	sshll.u32 s5, $0x4;
	s5 =	ssub.s32 $0x2, s5;
	[dreg:$0x7] =	wrdreg s26  }
0x9: {  	s6 =	sshrl.u32 s1, $0x3;
	s8 =	sor.u32 s13, s8;
	s9 =	sshrl.u32 s5, $0x1  }
0xa: {  	s28 =	sadd.s32 s1, s2;
	s29 =	sshrl.u32 s24, $0x2;
	s24 =	simm.s32 $0x6  }
0xb: {  	s10 =	sadd.s32 s6, s0;
	s7 =	sadd.s32 s11, s7;
	s12 =	smul.u32 $0x2780, s8  }
0xc: {  	s17 =	ssub.s32 s5, s9;
	p0 =	seq.s32 s8, $0x1F;
	s5 =	simm.s32 $0x33  }
0xd: {  	s22 =	smul.u32 $0x4F0, s8;
	s11 =	sadd.s32 s11, s3;
	s1 =	sadd.s32 s29, s3  }
0xe: {  	s18 =	sshrl.u32 s28, $0x3;
	s7 =	sshrl.u32 s7, $0x3;
	s5 =	simm.s32 @!p0 $0x4F  }
0xf: {  	s30 =	sadd.s32 $0x20000, s10;
	s13 =	sadd.s32 $0x4000, s1;
	s14 =	sadd.s32 $0x6000, s1  }
0x10: {  	s15 =	sadd.s32 $0x8000, s1;
	s17 =	smax.u32 s17, $0x1;
	s16 =	sadd.s32 s7, s0  }
0x11: {  	s23 =	sshrl.u32 s12, $0x3;
	s6 =	sadd.s32 s21, s22;
	[dreg:$0x9] =	wrdreg s30  }
0x12: {  	s0 =	sadd.s32 $0x15B50, s0;
	s12 =	sadd.s32 $0x2000, s1;
	[dreg:$0x5] =	wrdreg s6  }
0x13: {  	s31 =	sshll.u32 s5, $0x2;
	s8 =	sadd.s32 s21, s23;
	[dreg:$0x8] =	wrdreg s0  }
0x14: {  	s22 =	simm.s32 $0x4;
	[dreg:$0x4] =	wrdreg s31;
	s25 =	sadd.s32 $0x9C40, s8  }
0x15: {  	v0 =	vimm.f32 $0.0e+00;
	s16 =	sadd.s32 $0x33A00, s16;
	s23 =	simm.s32 $0x5;
	[dreg:$0x6] =	wrdreg s25  }
.LBB2_1:
0x16: {  	s1 =	simm.s32 $0x100;
	s0 =	simm.s32 $0x0  }
.LBB2_2:
0x17: {  	p1 =	sne.s32 s1, $0x7F00;
	[tilespmem:s0+$0x4F30] =	vst v0;
	s25 =	smov.u32 s1;
	s1 =	sadd.s32 $0x100, s1  }
.Ltmp0:
0x18: {  	[tilespmem:s0+$0x4F20] =	vst v0;
	(pc) =	sbr.rel @p1 .LBB2_2-.Ltmp0, $3  }
0x19: {  	[tilespmem:s0+$0x4F00] =	vst v0  }
0x1a: {  	[tilespmem:s0+$0x4F10] =	vst v0;
	_ =	sdelay $0x1  }
0x1b: {  	s0 =	sshra.s32 s25, $0x2  }
0x1c: {  	[tilespmem:s0+$0x4F30] =	vst v0  }
0x1d: {  	[tilespmem:s0+$0x4F20] =	vst v0  }
0x1e: {  	[tilespmem:s0+$0x4F00] =	vst v0  }
0x1f: {  	[tilespmem:s0+$0x4F10] =	vst v0;
	s0 =	simm.s32 @p0 $0x0;
	s1 =	rddreg [dreg:$0x7]  }
0x20: {  	[tilespmem:s0], [sflag:$0x7] =	stream.linear.gather @p0 [hbm4b:s1+s0], $0x1980, $0x38;
	[tilespmem:$0x1EB40] =	vst v63  }
0x21: {  	s1 =	simm.s32 @p0 $0x7  }
0x22: {  	_ =	swait.ge @p0 [sflag:s1], $0x1980  }
0x23: {  	[sflag:s1] =	ssyncset.done @p0 $0x0  }
0x24: {  	s25 =	simm.s32 @p0 $0x2780;
	s6 =	rddreg [dreg:$0x8];
	[sflag:s1] =	ssyncadd.s32 @p0 $0xFFFFE680  }
0x25: {  	[tilespmem:s25], [sflag:$0x7] =	stream.linear.gather @p0 [hbm4b:s6+s0], $0x1980, $0x38;
	[tilespmem:$0x1EB40] =	vst v63  }
0x26: {  	_ =	swait.ge @p0 [sflag:s1], $0x1980  }
0x27: {  	[sflag:s1] =	ssyncset.done @p0 $0x0  }
0x28: {  	s0 =	simm.s32 @!p0 $0x0;
	[sflag:s1] =	ssyncadd.s32 @p0 $0xFFFFE680;
	s1 =	rddreg [dreg:$0x5]  }
0x29: {  	[tilespmem:s0], [sflag:$0x7] =	stream.linear.gather @!p0 [hbm4b:s1+s0], $0x2780, $0x38;
	[tilespmem:$0x1EB40] =	vst v63  }
0x2a: {  	s1 =	simm.s32 @!p0 $0x7  }
0x2b: {  	_ =	swait.ge @!p0 [sflag:s1], $0x2780  }
0x2c: {  	[sflag:s1] =	ssyncset.done @!p0 $0x0  }
0x2d: {  	s25 =	simm.s32 @!p0 $0x2780;
	s6 =	rddreg [dreg:$0x6];
	[sflag:s1] =	ssyncadd.s32 @!p0 $0xFFFFD880  }
0x2e: {  	[tilespmem:s25], [sflag:$0x7] =	stream.linear.gather @!p0 [hbm4b:s6+s0], $0x2780, $0x38;
	[tilespmem:$0x1EB40] =	vst v63  }
0x2f: {  	s9 =	stileid.u32;
	_ =	swait.ge @!p0 [sflag:s1], $0x2780  }
0x30: {  	s0 =	sshll.u32 s9, $0x6;
	[sflag:s1] =	ssyncset.done @!p0 $0x0  }
0x31: {  	s25 =	sor.u32 $0x1C07, s0;
	s10 =	rddreg [dreg:$0x9];
	[sflag:s1] =	ssyncadd.s32 @!p0 $0xFFFFD880  }
0x32: {  	[spmem:s18], [sflag:s25] =	dma.local [hbm:s10], $0x1388  }
0x33: {  	_ =	swait.ge [sflag:s19], $0x1388  }
0x34: {  	[sflag:s19] =	ssyncset.done $0x0  }
0x35: {  	s26 =	simm.s32 $0x4F00;
	[sflag:s19] =	ssyncadd.s32 $0xFFFFEC78  }
0x36: {  	[spmem:s11] =	stream.linear.scatter [tilespmem:s26], [sflag:$0x7], $0x2000, $0x38;
	[tilespmem:$0x1EB40] =	vst v63  }
0x37: {  	_ =	swait.ge [sflag:s19], $0x2000  }
0x38: {  	[sflag:s19] =	ssyncset.done $0x0  }
0x39: {  	[sflag:s19] =	ssyncadd.s32 $0xFFFFE000  }
0x3a: {  	[spmem:s12] =	stream.linear.scatter [tilespmem:s26], [sflag:$0x7], $0x2000, $0x38;
	[tilespmem:$0x1EB40] =	vst v63  }
0x3b: {  	_ =	swait.ge [sflag:s19], $0x2000  }
0x3c: {  	[sflag:s19] =	ssyncset.done $0x0  }
0x3d: {  	[sflag:s19] =	ssyncadd.s32 $0xFFFFE000  }
0x3e: {  	[spmem:s13] =	stream.linear.scatter [tilespmem:s26], [sflag:$0x7], $0x2000, $0x38;
	[tilespmem:$0x1EB40] =	vst v63  }
0x3f: {  	_ =	swait.ge [sflag:s19], $0x2000  }
0x40: {  	[sflag:s19] =	ssyncset.done $0x0  }
0x41: {  	[sflag:s19] =	ssyncadd.s32 $0xFFFFE000  }
0x42: {  	[spmem:s14] =	stream.linear.scatter [tilespmem:s26], [sflag:$0x7], $0x2000, $0x38;
	[tilespmem:$0x1EB40] =	vst v63  }
0x43: {  	_ =	swait.ge [sflag:s19], $0x2000  }
0x44: {  	[sflag:s19] =	ssyncset.done $0x0  }
0x45: {  	[sflag:s19] =	ssyncadd.s32 $0xFFFFE000  }
0x46: {  	[spmem:s15] =	stream.linear.scatter [tilespmem:s26], [sflag:$0x7], $0x2000, $0x38;
	[tilespmem:$0x1EB40] =	vst v63  }
0x47: {  	_ =	swait.ge [sflag:s19], $0x2000  }
0x48: {  	[sflag:s19] =	ssyncset.done $0x0  }
0x49: {  	s28 =	simm.s32 $0x0;
	s21 =	simm.s32 $0x6F00;
	[sflag:s19] =	ssyncadd.s32 $0xFFFFE000  }
0x4a: {  	s29 =	simm.s32 $0x2780;
	s30 =	simm.s32 $0x2;
	[bflag:$0x0] =	sbarrier.arrive $0xFFFF  }
0x4b: {  	[tilespmem:s26], [sflag:$0x1] =	stream.indirect.gather [spmem:s2], $0x40, s28, s20, $0xb8;
	[tilespmem:$0x1EB40] =	vst v63  }
0x4c: {  	s31 =	simm.s32 $0x8F00;
	s0 =	simm.s32 $0x100;
	s1 =	simm.s32 $0x0  }
0x4d: {  	[tilespmem:s21], [sflag:$0x2] =	stream.indirect.gather [spmem:s2], $0x40, s20, s20, $0xb8;
	[tilespmem:$0x1EB40] =	vst v63  }
.LBB2_4:
0x4e: {  	s21 =	smulhi.u32 $0xAAAAAAAB, s30;
	_ =	sdelay $0x1  }
0x4f: {  	p1 =	sge.u32 s30, s5;
	s7 =	smulhi.u32 $0xAAAAAAAB, s1;
	s21 =	sshrl.u32 s21, $0x1  }
0x50: {  	p2 =	seq.s32 @!p1 s28, $0x0;
	s6 =	smul.u32 $0xFFFFFFF4, s21  }
0x51: {  	p2 =	por p2, p1  }
0x52: {  	s7 =	sshrl.u32 s7, $0x1;
	s21 =	smul.u32 $0xFFFE8000, s21;
	s6 =	sshra.s32 s6, $0x2  }
0x53: {  	s9 =	sshra.s32 @!p2 s28, $0x2;
	s10 =	smul.u32 $0xFFFFFFF4, s7;
	s8 =	sadd.s32 $0x6, s6  }
0x54: {  	s21 =	sshra.s32 s21, $0x2;
	s8 =	sadd.s32 @!p2 s9, s8  }
0x55: {  	s10 =	sshra.s32 s10, $0x2;
	s6 =	sadd.s32 $0x3, s6;
	_ =	swait.ge @!p2 [sflag:s8], $0x2000  }
0x56: {  	s9 =	sadd.s32 s21, s31;
	s21 =	sshra.s32 @!p1 s28, $0x2;
	[sflag:s8] =	ssyncset.done @!p2 $0x0  }
0x57: {  	s6 =	sadd.s32 @!p1 s21, s6;
	[sflag:s8] =	ssyncadd.s32 @!p2 $0xFFFFE000;
	s8 =	simm.s32 @!p1 $0x80  }
0x58: {  	[tilespmem:s9], [sflag:s6] =	stream.indirect.gather @!p1 [spmem:s2], $0x40, s0, s8, $0xb8;
	[tilespmem:$0x1EB40] =	vst v63  }
0x59: {  	s8 =	sadd.s32 $0x1, s10;
	s9 =	sshra.s32 s28, $0x2  }
0x5a: {  	s6 =	sadd.s32 s9, s8  }
0x5b: {  	s21 =	sadd.s32 $0x4, s10;
	_ =	swait.ge [sflag:s6], $0x2000  }
0x5c: {  	s28 =	sadd.s32 $0x4, s28;
	s10 =	sadd.s32 s9, s21;
	s21 =	rddreg [dreg:$0x4]  }
0x5d: {  	s7 =	smul.u32 $0xFFFE8000, s7;
	p1 =	sne.s32 s21, s28  }
.Ltmp1:
0x5e: {  	s1 =	sadd.s32 $0x1, s1;
	(pc) =	sbr.rel @p1 .LBB2_4-.Ltmp1, $4  }
0x5f: {  	s30 =	sadd.s32 $0x1, s30;
	s7 =	sshra.s32 s7, $0x2;
	[sflag:s6] =	ssyncset.done $0x0  }
0x60: {  	s7 =	sadd.s32 s7, s26;
	s26 =	sadd.s32 $0x2000, s26;
	[sflag:s6] =	ssyncadd.s32 $0xFFFFE000  }
0x61: {  	[spmem:s3] =	stream.indirect.scatter.add.f32 [tilespmem:s7], [sflag:s10], $0x40, s29, s20, $0xb8;
	[tilespmem:$0x1EB40] =	vst v63  }
0x62: {  	s31 =	sadd.s32 $0x2000, s31;
	s0 =	sadd.s32 $0x80, s0;
	s29 =	sadd.s32 $0x80, s29  }
0x63: {  	_ =	swait.ge [sflag:s22], $0x2000  }
0x64: {  	[sflag:s22] =	ssyncset.done $0x0  }
0x65: {  	[sflag:s22] =	ssyncadd.s32 $0xFFFFE000  }
0x66: {  	_ =	swait.ge [sflag:s23], $0x2000  }
0x67: {  	[sflag:s23] =	ssyncset.done $0x0  }
0x68: {  	[sflag:s23] =	ssyncadd.s32 $0xFFFFE000  }
0x69: {  	_ =	swait.ge [sflag:s24], $0x2000  }
0x6a: {  	s4 =	sadd.s32 $0x1, s4;
	[sflag:s24] =	ssyncset.done $0x0  }
0x6b: {  	p1 =	sne.s32 s4, s17;
	[sflag:s24] =	ssyncadd.s32 $0xFFFFE000  }
.Ltmp2:
0x6c: {  	s0 =	sshrl.u32 s11, $0x3;
	[bflag:$0x0] =	sbarrier.arrive $0xFFFF;
	(pc) =	sbr.rel @p1 .LBB2_1-.Ltmp2, $4  }
0x6d: {  	[hbm:s16], [sflag:s25] =	dma.local [spmem:s0], $0x1400  }
0x6e: {  	_ =	swait.ge [sflag:s19], $0x1400  }
0x6f: {  	[sflag:s19] =	ssyncset.done $0x0  }
0x70: {  	[sflag:s19] =	ssyncadd.s32 $0xFFFFEC00  }
0x71: {  	_ =	sfence.sel $0x180000  }
0x72: {  	[bflag:$0x0] =	sbarrier.arrive $0xFFFF  }
0x73: {  	_ =	strace $0x9000004A  }
0x74: {  	s0 =	stileid.u32;
	[bflag:$0x2] =	sbarrier.arrive $0xFFFF  }
0x75: {  	p0 =	sne.s32 s0, $0x0;
	s0 =	rddreg [dreg:$0x3]  }
0x76: {  	s0 =	sadd.s32 @!p0 $0x100000, s0  }
0x77: {  	[sflag:s0] =	ssyncadd.tile.s32 @!p0 $0x1;
	_ =	shalt  }
.Lfunc_end2:
_tile_overlayer_lowered:
.L_overlay_start_2:
0x78: {  	(tag) =	ssettag $0x2  }
0x79: {  	s0 =	rddreg [dreg:$0x0];
	s2 =	stileid.u32  }
0x7a: {  	s1 =	rddreg [dreg:$0x1];
	p0 =	sne.s32 s2, $0x0  }
0x7b: {  	s3 =	rddreg [dreg:$0x2];
	[bflag:$0x3] =	sbarrier.arrive $0xFFFF;
	s2 =	simm.s32 @!p0 $0x1C07  }
0x7c: {  	[timem:s3], [sflag:s2] =	dma.local @!p0 [hbm:s0], s1  }
0x7d: {  	s0 =	simm.s32 @!p0 $0x7  }
0x7e: {  	_ =	swait.ge @!p0 [sflag:s0], s1  }
0x7f: {  	s1 =	ssub.s32 @!p0 $0x0, s1;
	[sflag:s0] =	ssyncset.done @!p0 $0x0  }
0x80: {  	[sflag:s0] =	ssyncadd.s32 @!p0 s1  }
0x81: {  	[bflag:$0x3] =	sbarrier.arrive $0xFFFF  }
0x82: {  	_ =	shalt  }

// kernel: kernel.15.cloned.1.call-start
scs
__scs_entry_jumppad:
0x0: {  	(pc) =	sbr.rel $0x88, $3  }
0x1: {  	(tag) =	ssettag $0x0;
	lr =	simm.s32 $0x1  }
0x2: {  	[smem:$0x3F99] =	sst lr;
	_ =	strace $0xD0000000  }
0x3: {  	_ = 	snop  }
0x4: {  	_ = 	snop  }
0x5: {  	_ = 	snop  }
0x6: {  	_ = 	snop  }
0x7: {  	_ = 	snop  }
__scs_overlays_trampoline_lowered:
0x8: {  	[smem:$0x3FA8] =	sst s0  }
0x9: {  	[smem:$0x3FA9] =	sst s1  }
0xa: {  	[smem:$0x3FAA] =	sst s2  }
0xb: {  	[smem:$0x3FAB] =	sst s3  }
0xc: {  	[smem:$0x3FAC] =	sst s4  }
0xd: {  	[smem:$0x3FAD] =	sst s5  }
0xe: {  	[smem:$0x3FAE] =	sst s6  }
0xf: {  	[smem:$0x3FAF] =	sst s7  }
0x10: {  	[smem:$0x3FB0] =	sst s8  }
0x11: {  	[smem:$0x3FB1] =	sst s9;
	s0 =	simm.s32 @!p0 $0x0  }
0x12: {  	s1 =	sld [smem:$0x3F97];
	s0 =	simm.s32 @p0 $0x1  }
0x13: {  	[smem:$0x3FB2] =	sst s0;
	s0 =	simm.s32 @!p1 $0x0  }
0x14: {  	s2 =	sld [smem:$0x3F96];
	s0 =	simm.s32 @p1 $0x1  }
0x15: {  	[smem:$0x3FB3] =	sst s0;
	s0 =	simm.s32 @!p2 $0x0  }
0x16: {  	s3 =	sld [smem:$0x3FDB];
	s0 =	simm.s32 @p2 $0x1  }
0x17: {  	s4 =	simm.s32 $0x1BF5;
	[smem:$0x3FB5] =	sst s0  }
0x18: {  	s0 =	sld [smem:$0x3F98];
	_ =	swait.ge [sflag:s4], $0x0  }
0x19: {  	s7 =	sld [smem:$0x3F99]  }
0x1a: {  	s8 =	sadd.s32 $0xFFFFE003, lr  }
0x1b: {  	s9 =	sadd.s32 $0xFFFFFEF7, lr;
	s5 =	simm.s32 $0xFFFFFFFF;
	p2 =	slt.u32 s8, $0xFFFFF086  }
0x1c: {  	p1 =	slt.u32 s9, $0xF7A;
	s5 =	simm.s32 @!p2 $0x0  }
0x1d: {  	s5 =	simm.s32 @p1 $0x1;
	p0 =	seq.s32 s7, s2  }
0x1e: {  	s7 =	smul.u32 @!p0 $0xF7A, s2;
	p2 =	seq.s32 @!p0 s5, $0x0  }
0x1f: {  	s9 =	smul.u32 $0xF7A, s1;
	s8 =	simm.s32 @!p0 $0x1BF5;
	p2 =	por !p2, p0  }
0x20: {  	[sflag:s8] =	ssyncset.s32 @!p0 $0xFFFFF086;
	s6 =	sadd.s32 @!p0 s3, s7;
	s7 =	simm.s32 @!p0 $0x108  }
0x21: {  	s3 =	sadd.s32 s3, s9;
	s6 =	sadd.s32 @!p0 $0x88, s6;
	s7 =	simm.s32 @p2 $0x1082  }
0x22: {  	[simem:s7], [sflag:s8] =	dma.local @!p0 [hbm:s6], $0xF7A  }
0x23: {  	s9 =	sor.u32 $0xD0000000, s2;
	s6 =	simm.s32 $0x108;
	_ =	swait.ge @!p0 [sflag:s8], $0x0  }
0x24: {  	s3 =	sadd.s32 $0x88, s3;
	s6 =	simm.s32 @!p1 $0x1082;
	[sflag:s4] =	ssyncset.s32 $0xFFFFF086  }
0x25: {  	[simem:s6], [sflag:s4] =	dma.local [hbm:s3], $0xF7A  }
0x26: {  	[smem:$0x3F99] =	sst s1;
	(tag) =	ssettag s2;
	_ =	strace s9  }
0x27: {  	s1 =	sld [smem:$0x3FA9]  }
0x28: {  	s2 =	sld [smem:$0x3FAA]  }
0x29: {  	s4 =	sld [smem:$0x3FAC]  }
0x2a: {  	p0 =	seq.s32 s5, $0x0;
	s5 =	sld [smem:$0x3FAD]  }
0x2b: {  	s6 =	sld [smem:$0x3FAE]  }
0x2c: {  	s7 =	sld [smem:$0x3FAF]  }
0x2d: {  	s3 =	simm.s32 $0x108;
	s8 =	sld [smem:$0x3FB0]  }
0x2e: {  	s3 =	simm.s32 @!p0 $0x1082;
	s9 =	sld [smem:$0x3FB1]  }
0x2f: {  	lr =	sadd.s32 s0, s3;
	s0 =	sld [smem:$0x3FA8]  }
0x30: {  	s3 =	sld [smem:$0x3FAB]  }
0x31: {  	[smem:$0x3FB4] =	sst s10  }
0x32: {  	s10 =	sld [smem:$0x3FB2];
	_ =	sdelay $0x3  }
0x33: {  	p0 =	seq.s32 s10, $0x1;
	s10 =	sld [smem:$0x3FB4];
	_ =	sdelay $0x3  }
0x34: {  	[smem:$0x3FB4] =	sst s10  }
0x35: {  	s10 =	sld [smem:$0x3FB3];
	_ =	sdelay $0x3  }
0x36: {  	p1 =	seq.s32 s10, $0x1;
	s10 =	sld [smem:$0x3FB4];
	_ =	sdelay $0x3  }
0x37: {  	[smem:$0x3FB4] =	sst s10  }
0x38: {  	s10 =	sld [smem:$0x3FB5]  }
0x39: {  	_ = 	snop;
	(pc) =	sbr.ind lr, $3  }
0x3a: {  	_ = 	snop  }
0x3b: {  	_ = 	snop  }
0x3c: {  	p2 =	seq.s32 s10, $0x1;
	s10 =	sld [smem:$0x3FB4]  }
0x3d: {  	_ =	shalt  }
0x3e: {  	_ =	shalt  }
0x3f: {  	_ =	shalt  }
0x40: {  	_ =	shalt  }
0x41: {  	_ =	shalt  }
0x42: {  	_ =	shalt  }
0x43: {  	_ =	shalt  }
0x44: {  	_ =	shalt  }
0x45: {  	_ =	shalt  }
0x46: {  	_ =	shalt  }
0x47: {  	_ =	shalt  }
0x48: {  	_ =	shalt  }
0x49: {  	_ =	shalt  }
0x4a: {  	_ =	shalt  }
0x4b: {  	_ =	shalt  }
0x4c: {  	_ =	shalt  }
0x4d: {  	_ =	shalt  }
0x4e: {  	_ =	shalt  }
0x4f: {  	_ =	shalt  }
0x50: {  	_ =	shalt  }
0x51: {  	_ =	shalt  }
0x52: {  	_ =	shalt  }
0x53: {  	_ =	shalt  }
0x54: {  	_ =	shalt  }
0x55: {  	_ =	shalt  }
0x56: {  	_ =	shalt  }
0x57: {  	_ =	shalt  }
0x58: {  	_ =	shalt  }
0x59: {  	_ =	shalt  }
0x5a: {  	_ =	shalt  }
0x5b: {  	_ =	shalt  }
0x5c: {  	_ =	shalt  }
0x5d: {  	_ =	shalt  }
0x5e: {  	_ =	shalt  }
0x5f: {  	_ =	shalt  }
0x60: {  	_ =	shalt  }
0x61: {  	_ =	shalt  }
0x62: {  	_ =	shalt  }
0x63: {  	_ =	shalt  }
0x64: {  	_ =	shalt  }
0x65: {  	_ =	shalt  }
0x66: {  	_ =	shalt  }
0x67: {  	_ =	shalt  }
0x68: {  	_ =	shalt  }
0x69: {  	_ =	shalt  }
0x6a: {  	_ =	shalt  }
0x6b: {  	_ =	shalt  }
0x6c: {  	_ =	shalt  }
0x6d: {  	_ =	shalt  }
0x6e: {  	_ =	shalt  }
0x6f: {  	_ =	shalt  }
0x70: {  	_ =	shalt  }
0x71: {  	_ =	shalt  }
0x72: {  	_ =	shalt  }
0x73: {  	_ =	shalt  }
0x74: {  	_ =	shalt  }
0x75: {  	_ =	shalt  }
0x76: {  	_ =	shalt  }
0x77: {  	_ =	shalt  }
0x78: {  	_ =	shalt  }
0x79: {  	_ =	shalt  }
0x7a: {  	_ =	shalt  }
0x7b: {  	_ =	shalt  }
0x7c: {  	_ =	shalt  }
0x7d: {  	_ =	shalt  }
0x7e: {  	_ =	shalt  }
0x7f: {  	_ =	shalt  }
0x80: {  	_ =	shalt  }
0x81: {  	_ =	shalt  }
0x82: {  	_ =	shalt  }
0x83: {  	_ =	shalt  }
0x84: {  	_ =	shalt  }
0x85: {  	_ =	shalt  }
0x86: {  	_ =	shalt  }
0x87: {  	_ =	shalt  }
.Lfunc_end0:
.L_simem_size_0:
called_computation.2_lowered:
.L_overlay_start_0:
0x88: {  	s2 =	sld [smem:$0x3FD9]  }
0x89: {  	s3 =	sld [smem:$0x3FFE];
	_ =	sdelay $0x1  }
0x8a: {  	s1 =	srdreg.scid  }
0x8b: {  	s0 =	sand.u32 $0x1, s1  }
0x8c: {  	s17 =	sshll.u32 s0, $0xA;
	s2 =	sadd.s32 s3, s2  }
0x8d: {  	s2 =	sadd.s32 s2, s17  }
0x8e: {  	[smem:$0x3FC0] =	sst s2  }
0x8f: {  	_ = 	snop  }
0x90: {  	s2 =	sld [smem:$0x3FD0];
	(tm) =	ssettm $0x1  }
0x91: {  	s18 =	sld [smem:$0x3FFB];
	_ =	sdelay $0x3  }
0x92: {  	_ =	strace s18  }
0x93: {  	s3 =	sld [smem:$0x3FFC];
	_ =	sdelay $0x3  }
0x94: {  	_ =	strace s3  }
0x95: {  	s3 =	sld [smem:$0x3FFD];
	_ =	sdelay $0x3  }
0x96: {  	_ =	strace s3  }
0x97: {  	_ =	strace $0x8FFFFFFF  }
0x98: {  	s19 =	sld [smem:$0x3FDB];
	_ =	sdelay $0x1  }
0x99: {  	s4 =	simm.s32 $_scs_section_size  }
0x9a: {  	s5 =	simm.s32 $_size__tile_overlayer_lowered;
	s6 =	simm.s32 $_tile_overlayer_lowered  }
0x9b: {  	s22 =	simm.s32 $0x1BFF;
	s21 =	sshll.u32 s6, $0x1;
	s3 =	sadd.s32 s4, s19  }
0x9c: {  	s7 =	simm.s32 $0x0;
	s20 =	sshll.u32 s5, $0x1;
	s5 =	sadd.s32 s21, s3  }
0x9d: {  	[timem:s7], [sflag:s22] =	dma.local [hbm:s5], s20  }
0x9e: {  	_ =	swait.ge [sflag:s22], s20  }
0x9f: {  	s4 =	ssub.s32 $0x0, s20;
	[sflag:s22] =	ssyncset.done $0x0  }
0xa0: {  	[sflag:s22] =	ssyncadd.s32 s4;
	_ =	sdelay $0x1  }
0xa1: {  	s23 =	simm.s32 $0x1B8B  }
0xa2: {  	_ =	swait.ge [sflag:s23], $0x1  }
0xa3: {  	[sflag:s23] =	ssyncset.done $0x0  }
0xa4: {  	s25 =	simm.s32 $0x1B8E;
	s24 =	sld [smem:$0x3FFE];
	[sflag:s23] =	ssyncadd.s32 $0xFFFFFFFF  }
0xa5: {  	s26 =	simm.s32 $execute0_lowered;
	[smem:$0x3FD2] =	sst s25  }
0xa6: {  	s5 =	sshll.u32 s26, $0x1;
	_ =	strace $0x8000004C;
	[dreg:$0x1] =	wrdreg $0xFFFFFFFF  }
0xa7: {  	s28 =	simm.s32 $_size_execute0_lowered;
	s3 =	sadd.s32 s3, s5;
	[dreg:$0x0] =	wrdreg $0x0  }
0xa8: {  	s5 =	sshll.u32 s28, $0x1;
	[dreg:$0x2] =	wrdreg s3  }
0xa9: {  	[dreg:$0x3] =	wrdreg s5  }
0xaa: {  	[dreg:$0x4] =	wrdreg $0xC0  }
0xab: {  	_ =	task [dreg:s7], $0x5FFFF  }
0xac: {  	[dreg:$0x1] =	wrdreg $0xFFFFFFFF  }
0xad: {  	[dreg:$0x0] =	wrdreg $0x60  }
0xae: {  	[dreg:$0x2] =	wrdreg s2  }
0xaf: {  	[dreg:$0x3] =	wrdreg s24  }
0xb0: {  	[dreg:$0x4] =	wrdreg $0x67000  }
0xb1: {  	[dreg:$0x5] =	wrdreg $0x8E100  }
0xb2: {  	[dreg:$0x6] =	wrdreg $0x9  }
0xb3: {  	_ =	task.clear_ibuf [dreg:s7], $0x7FFFF;
	_ =	strace $0x9000004C  }
0xb4: {  	s29 =	simm.s32 $0x9;
	_ =	strace $0x8000004E  }
0xb5: {  	_ =	swait.ge [sflag:s29], $0x1  }
0xb6: {  	[sflag:s29] =	ssyncadd.s32 $0xFFFFFFFF  }
0xb7: {  	_ =	strace $0x9000004E  }
0xb8: {  	_ =	sfence  }
0xb9: {  	s30 =	sld [smem:$0x0];
	_ =	sdelay $0x2  }
0xba: {  	s31 =	sshll.u32 s1, $0xD;
	s1 =	sshrl.u32 s1, $0x2  }
0xbb: {  	s3 =	sand.u32 $0x4000, s31;
	s1 =	sadd.s32 s1, s30  }
0xbc: {  	s0 =	sor.u32 s3, s0;
	s1 =	sshll.u32 s1, $0x11  }
0xbd: {  	s0 =	sor.u32 s1, s0  }
0xbe: {  	s0 =	sadd.s32 $0x8F2B, s0  }
0xbf: {  	[sflag:s0] =	ssyncadd.remote.s32 $0x1  }
0xc0: {  	_ =	sfence.sel $0xFFFF  }
0xc1: {  	[dreg:$0x0] =	wrdreg $0xFFFFFFFF;
	(pc) =	sbr.abs _section_cstart, $3  }
0xc2: {  	[dreg:$0x1] =	wrdreg $0xFFFFFFFF  }
0xc3: {  	_ =	task.clear_ibuf [dreg:s7], $0x2FFFF;
	_ =	strace $0x9FFFFFFF  }
0xc4: {  	(tm) =	ssettm $0x7FFFFFFF  }
0xc5: {  	_ =	shalt  }
tec
execute0_lowered:
.L_overlay_start_1:
0x0: {  	(tag) =	ssettag $0x1  }
0x1: {  	s0 =	rddreg [dreg:$0x0]  }
0x2: {  	s1 =	rddreg [dreg:$0x1]  }
0x3: {  	s2 =	rddreg [dreg:$0x2]  }
0x4: {  	s3 =	rddreg [dreg:$0x3];
	s5 =	srdreg.scid  }
0x5: {  	s12 =	stileid.u32;
	s4 =	simm.s32 $0x0;
	s19 =	simm.s32 $0x7  }
0x6: {  	s20 =	simm.s32 $0x80;
	s5 =	sand.u32 $0x1, s5;
	s11 =	smul.u32 $0x2800, s12  }
0x7: {  	[smem:$0x7FF] =	sst s4;
	s7 =	sadd.s32 $0x2600, s1;
	s24 =	smul.u32 $0x2710, s12  }
0x8: {  	s28 =	sadd.s32 $0xBF10, s1;
	s6 =	smul.u32 $0x28000, s5;
	_ =	strace $0x8000004D  }
0x9: {  	s8 =	ssub.s32 $0x2, s5;
	s5 =	sshll.u32 s5, $0x4;
	[dreg:$0x8] =	wrdreg s28  }
0xa: {  	s9 =	sshrl.u32 s8, $0x1;
	s10 =	sor.u32 s12, s5;
	s5 =	simm.s32 $0x33  }
0xb: {  	s12 =	smul.u32 $0xA000, s12;
	s29 =	sadd.s32 s24, s2;
	s6 =	sadd.s32 s11, s6  }
0xc: {  	s17 =	ssub.s32 s8, s9;
	s21 =	smul.u32 $0x2780, s10;
	p0 =	seq.s32 s10, $0x1F  }
0xd: {  	s22 =	smul.u32 $0x4F0, s10;
	s10 =	sshrl.u32 s24, $0x3;
	s11 =	sadd.s32 s11, s3  }
0xe: {  	s18 =	sshrl.u32 s29, $0x3;
	s24 =	simm.s32 $0x6;
	s6 =	sshrl.u32 s6, $0x3  }
0xf: {  	s5 =	simm.s32 @!p0 $0x4F;
	s12 =	sshrl.u32 s12, $0x2;
	s0 =	sadd.s32 s0, s10  }
0x10: {  	s17 =	smax.u32 s17, $0x1;
	s16 =	sadd.s32 s6, s1;
	s23 =	sshrl.u32 s21, $0x3  }
0x11: {  	s25 =	sadd.s32 s7, s22;
	s1 =	sadd.s32 $0x15B50, s1;
	[dreg:$0xa] =	wrdreg s0  }
0x12: {  	s30 =	sadd.s32 s12, s3;
	s31 =	sshll.u32 s5, $0x2;
	[dreg:$0x6] =	wrdreg s25  }
0x13: {  	s22 =	simm.s32 $0x4;
	s7 =	sadd.s32 s7, s23;
	[dreg:$0x9] =	wrdreg s1  }
0x14: {  	s12 =	sadd.s32 $0x800, s30;
	s13 =	sadd.s32 $0x1000, s30;
	s14 =	sadd.s32 $0x1800, s30  }
0x15: {  	s15 =	sadd.s32 $0x2000, s30;
	[dreg:$0x5] =	wrdreg s31;
	s26 =	sadd.s32 $0x9C40, s7  }
0x16: {  	v0 =	vimm.f32 $0.0e+00;
	s16 =	sadd.s32 $0x20000, s16;
	s23 =	simm.s32 $0x5;
	[dreg:$0x7] =	wrdreg s26  }
.LBB2_1:
0x17: {  	s0 =	simm.s32 $0x40;
	s1 =	simm.s32 $0x0  }
.LBB2_2:
0x18: {  	p1 =	sne.s32 s0, $0x1FC0;
	[tilespmem:s1+$0x4F00] =	vst v0;
	s1 =	smov.u32 s0;
	s0 =	sadd.s32 $0x40, s0  }
.Ltmp0:
0x19: {  	(pc) =	sbr.rel @p1 .LBB2_2-.Ltmp0, $2  }
0x1a: {  	_ =	sdelay $0x2  }
0x1b: {  	s1 =	sshra.s32 s1, $0x2  }
0x1c: {  	[tilespmem:s1+$0x4F00] =	vst v0;
	s0 =	simm.s32 @p0 $0x0;
	s1 =	rddreg [dreg:$0x8]  }
0x1d: {  	[tilespmem:s0], [sflag:$0x7] =	stream.linear.gather @p0 [hbm4b:s1+s0], $0x1980, $0x38;
	[tilespmem:$0xB610] =	vst v63  }
0x1e: {  	s1 =	simm.s32 @p0 $0x7  }
0x1f: {  	_ =	swait.ge @p0 [sflag:s1], $0x1980  }
0x20: {  	[sflag:s1] =	ssyncset.done @p0 $0x0  }
0x21: {  	s25 =	simm.s32 @p0 $0x2780;
	s6 =	rddreg [dreg:$0x9];
	[sflag:s1] =	ssyncadd.s32 @p0 $0xFFFFE680  }
0x22: {  	[tilespmem:s25], [sflag:$0x7] =	stream.linear.gather @p0 [hbm4b:s6+s0], $0x1980, $0x38;
	[tilespmem:$0xB610] =	vst v63  }
0x23: {  	_ =	swait.ge @p0 [sflag:s1], $0x1980  }
0x24: {  	[sflag:s1] =	ssyncset.done @p0 $0x0  }
0x25: {  	s0 =	simm.s32 @!p0 $0x0;
	[sflag:s1] =	ssyncadd.s32 @p0 $0xFFFFE680;
	s1 =	rddreg [dreg:$0x6]  }
0x26: {  	[tilespmem:s0], [sflag:$0x7] =	stream.linear.gather @!p0 [hbm4b:s1+s0], $0x2780, $0x38;
	[tilespmem:$0xB610] =	vst v63  }
0x27: {  	s1 =	simm.s32 @!p0 $0x7  }
0x28: {  	_ =	swait.ge @!p0 [sflag:s1], $0x2780  }
0x29: {  	[sflag:s1] =	ssyncset.done @!p0 $0x0  }
0x2a: {  	s25 =	simm.s32 @!p0 $0x2780;
	s6 =	rddreg [dreg:$0x7];
	[sflag:s1] =	ssyncadd.s32 @!p0 $0xFFFFD880  }
0x2b: {  	[tilespmem:s25], [sflag:$0x7] =	stream.linear.gather @!p0 [hbm4b:s6+s0], $0x2780, $0x38;
	[tilespmem:$0xB610] =	vst v63  }
0x2c: {  	s9 =	stileid.u32;
	_ =	swait.ge @!p0 [sflag:s1], $0x2780  }
0x2d: {  	s0 =	sshll.u32 s9, $0x6;
	[sflag:s1] =	ssyncset.done @!p0 $0x0  }
0x2e: {  	s25 =	sor.u32 $0x1C07, s0;
	s10 =	rddreg [dreg:$0xa];
	[sflag:s1] =	ssyncadd.s32 @!p0 $0xFFFFD880  }
0x2f: {  	[spmem:s18], [sflag:s25] =	dma.local [hbm:s10], $0x4E2  }
0x30: {  	_ =	swait.ge [sflag:s19], $0x4E2  }
0x31: {  	[sflag:s19] =	ssyncset.done $0x0  }
0x32: {  	s26 =	simm.s32 $0x4F00;
	[sflag:s19] =	ssyncadd.s32 $0xFFFFFB1E  }
0x33: {  	[spmem:s11] =	stream.linear.scatter [tilespmem:s26], [sflag:$0x7], $0x800, $0x38;
	[tilespmem:$0xB610] =	vst v63  }
0x34: {  	_ =	swait.ge [sflag:s19], $0x800  }
0x35: {  	[sflag:s19] =	ssyncset.done $0x0  }
0x36: {  	[sflag:s19] =	ssyncadd.s32 $0xFFFFF800  }
0x37: {  	[spmem:s12] =	stream.linear.scatter [tilespmem:s26], [sflag:$0x7], $0x800, $0x38;
	[tilespmem:$0xB610] =	vst v63  }
0x38: {  	_ =	swait.ge [sflag:s19], $0x800  }
0x39: {  	[sflag:s19] =	ssyncset.done $0x0  }
0x3a: {  	[sflag:s19] =	ssyncadd.s32 $0xFFFFF800  }
0x3b: {  	[spmem:s13] =	stream.linear.scatter [tilespmem:s26], [sflag:$0x7], $0x800, $0x38;
	[tilespmem:$0xB610] =	vst v63  }
0x3c: {  	_ =	swait.ge [sflag:s19], $0x800  }
0x3d: {  	[sflag:s19] =	ssyncset.done $0x0  }
0x3e: {  	[sflag:s19] =	ssyncadd.s32 $0xFFFFF800  }
0x3f: {  	[spmem:s14] =	stream.linear.scatter [tilespmem:s26], [sflag:$0x7], $0x800, $0x38;
	[tilespmem:$0xB610] =	vst v63  }
0x40: {  	_ =	swait.ge [sflag:s19], $0x800  }
0x41: {  	[sflag:s19] =	ssyncset.done $0x0  }
0x42: {  	[sflag:s19] =	ssyncadd.s32 $0xFFFFF800  }
0x43: {  	[spmem:s15] =	stream.linear.scatter [tilespmem:s26], [sflag:$0x7], $0x800, $0x38;
	[tilespmem:$0xB610] =	vst v63  }
0x44: {  	_ =	swait.ge [sflag:s19], $0x800  }
0x45: {  	[sflag:s19] =	ssyncset.done $0x0  }
0x46: {  	s28 =	simm.s32 $0x0;
	s21 =	simm.s32 $0x5700;
	[sflag:s19] =	ssyncadd.s32 $0xFFFFF800  }
0x47: {  	s29 =	simm.s32 $0x2780;
	s30 =	simm.s32 $0x2;
	[bflag:$0x0] =	sbarrier.arrive $0xFFFF  }
0x48: {  	[tilespmem:s26], [sflag:$0x1] =	stream.indirect.gather [spmem:s2], $0x10, s28, s20, $0xb8;
	[tilespmem:$0xB610] =	vst v63  }
0x49: {  	s31 =	simm.s32 $0x5F00;
	s0 =	simm.s32 $0x100;
	s1 =	simm.s32 $0x0  }
0x4a: {  	[tilespmem:s21], [sflag:$0x2] =	stream.indirect.gather [spmem:s2], $0x10, s20, s20, $0xb8;
	[tilespmem:$0xB610] =	vst v63  }
.LBB2_4:
0x4b: {  	s21 =	smulhi.u32 $0xAAAAAAAB, s30;
	_ =	sdelay $0x1  }
0x4c: {  	p1 =	sge.u32 s30, s5;
	s7 =	smulhi.u32 $0xAAAAAAAB, s1;
	s21 =	sshrl.u32 s21, $0x1  }
0x4d: {  	p2 =	seq.s32 @!p1 s28, $0x0;
	s6 =	smul.u32 $0xFFFFFFF4, s21  }
0x4e: {  	p2 =	por p2, p1  }
0x4f: {  	s7 =	sshrl.u32 s7, $0x1;
	s21 =	smul.u32 $0xFFFFA000, s21;
	s6 =	sshra.s32 s6, $0x2  }
0x50: {  	s9 =	sshra.s32 @!p2 s28, $0x2;
	s10 =	smul.u32 $0xFFFFFFF4, s7;
	s8 =	sadd.s32 $0x6, s6  }
0x51: {  	s21 =	sshra.s32 s21, $0x2;
	s8 =	sadd.s32 @!p2 s9, s8  }
0x52: {  	s10 =	sshra.s32 s10, $0x2;
	s6 =	sadd.s32 $0x3, s6;
	_ =	swait.ge @!p2 [sflag:s8], $0x800  }
0x53: {  	s9 =	sadd.s32 s21, s31;
	s21 =	sshra.s32 @!p1 s28, $0x2;
	[sflag:s8] =	ssyncset.done @!p2 $0x0  }
0x54: {  	s6 =	sadd.s32 @!p1 s21, s6;
	[sflag:s8] =	ssyncadd.s32 @!p2 $0xFFFFF800;
	s8 =	simm.s32 @!p1 $0x80  }
0x55: {  	[tilespmem:s9], [sflag:s6] =	stream.indirect.gather @!p1 [spmem:s2], $0x10, s0, s8, $0xb8;
	[tilespmem:$0xB610] =	vst v63  }
0x56: {  	s8 =	sadd.s32 $0x1, s10;
	s9 =	sshra.s32 s28, $0x2  }
0x57: {  	s6 =	sadd.s32 s9, s8  }
0x58: {  	s21 =	sadd.s32 $0x4, s10;
	_ =	swait.ge [sflag:s6], $0x800  }
0x59: {  	s28 =	sadd.s32 $0x4, s28;
	s10 =	sadd.s32 s9, s21;
	s21 =	rddreg [dreg:$0x5]  }
0x5a: {  	s7 =	smul.u32 $0xFFFFA000, s7;
	p1 =	sne.s32 s21, s28  }
.Ltmp1:
0x5b: {  	s1 =	sadd.s32 $0x1, s1;
	(pc) =	sbr.rel @p1 .LBB2_4-.Ltmp1, $4  }
0x5c: {  	s30 =	sadd.s32 $0x1, s30;
	s7 =	sshra.s32 s7, $0x2;
	[sflag:s6] =	ssyncset.done $0x0  }
0x5d: {  	s7 =	sadd.s32 s7, s26;
	s26 =	sadd.s32 $0x800, s26;
	[sflag:s6] =	ssyncadd.s32 $0xFFFFF800  }
0x5e: {  	[spmem:s3] =	stream.indirect.scatter.add.f32 [tilespmem:s7], [sflag:s10], $0x10, s29, s20, $0xb8;
	[tilespmem:$0xB610] =	vst v63  }
0x5f: {  	s31 =	sadd.s32 $0x800, s31;
	s0 =	sadd.s32 $0x80, s0;
	s29 =	sadd.s32 $0x80, s29  }
0x60: {  	_ =	swait.ge [sflag:s22], $0x800  }
0x61: {  	[sflag:s22] =	ssyncset.done $0x0  }
0x62: {  	[sflag:s22] =	ssyncadd.s32 $0xFFFFF800  }
0x63: {  	_ =	swait.ge [sflag:s23], $0x800  }
0x64: {  	[sflag:s23] =	ssyncset.done $0x0  }
0x65: {  	[sflag:s23] =	ssyncadd.s32 $0xFFFFF800  }
0x66: {  	_ =	swait.ge [sflag:s24], $0x800  }
0x67: {  	s4 =	sadd.s32 $0x1, s4;
	[sflag:s24] =	ssyncset.done $0x0  }
0x68: {  	p1 =	sne.s32 s4, s17;
	[sflag:s24] =	ssyncadd.s32 $0xFFFFF800  }
.Ltmp2:
0x69: {  	s0 =	sshrl.u32 s11, $0x3;
	[bflag:$0x0] =	sbarrier.arrive $0xFFFF;
	(pc) =	sbr.rel @p1 .LBB2_1-.Ltmp2, $4  }
0x6a: {  	[hbm:s16], [sflag:s25] =	dma.local [spmem:s0], $0x500  }
0x6b: {  	_ =	swait.ge [sflag:s19], $0x500  }
0x6c: {  	[sflag:s19] =	ssyncset.done $0x0  }
0x6d: {  	[sflag:s19] =	ssyncadd.s32 $0xFFFFFB00  }
0x6e: {  	_ =	sfence.sel $0x180000  }
0x6f: {  	[bflag:$0x0] =	sbarrier.arrive $0xFFFF  }
0x70: {  	_ =	strace $0x9000004D  }
0x71: {  	s0 =	stileid.u32;
	[bflag:$0x2] =	sbarrier.arrive $0xFFFF  }
0x72: {  	p0 =	sne.s32 s0, $0x0;
	s0 =	rddreg [dreg:$0x4]  }
0x73: {  	s0 =	sadd.s32 @!p0 $0x100000, s0  }
0x74: {  	[sflag:s0] =	ssyncadd.tile.s32 @!p0 $0x1;
	_ =	shalt  }
.Lfunc_end2:
_tile_overlayer_lowered:
.L_overlay_start_2:
0x75: {  	(tag) =	ssettag $0x2  }
0x76: {  	s0 =	rddreg [dreg:$0x0];
	s2 =	stileid.u32  }
0x77: {  	s1 =	rddreg [dreg:$0x1];
	p0 =	sne.s32 s2, $0x0  }
0x78: {  	s3 =	rddreg [dreg:$0x2];
	[bflag:$0x3] =	sbarrier.arrive $0xFFFF;
	s2 =	simm.s32 @!p0 $0x1C07  }
0x79: {  	[timem:s3], [sflag:s2] =	dma.local @!p0 [hbm:s0], s1  }
0x7a: {  	s0 =	simm.s32 @!p0 $0x7  }
0x7b: {  	_ =	swait.ge @!p0 [sflag:s0], s1  }
0x7c: {  	s1 =	ssub.s32 @!p0 $0x0, s1;
	[sflag:s0] =	ssyncset.done @!p0 $0x0  }
0x7d: {  	[sflag:s0] =	ssyncadd.s32 @!p0 s1  }
0x7e: {  	[bflag:$0x3] =	sbarrier.arrive $0xFFFF  }
0x7f: {  	_ =	shalt  }

// kernel: kernel.9.cloned.1.call-start
scs
__scs_entry_jumppad:
0x0: {  	(pc) =	sbr.rel $0x88, $3  }
0x1: {  	(tag) =	ssettag $0x0;
	lr =	simm.s32 $0x1  }
0x2: {  	[smem:$0x3F99] =	sst lr;
	_ =	strace $0xD0000000  }
0x3: {  	_ = 	snop  }
0x4: {  	_ = 	snop  }
0x5: {  	_ = 	snop  }
0x6: {  	_ = 	snop  }
0x7: {  	_ = 	snop  }
__scs_overlays_trampoline_lowered:
0x8: {  	[smem:$0x3FA8] =	sst s0  }
0x9: {  	[smem:$0x3FA9] =	sst s1  }
0xa: {  	[smem:$0x3FAA] =	sst s2  }
0xb: {  	[smem:$0x3FAB] =	sst s3  }
0xc: {  	[smem:$0x3FAC] =	sst s4  }
0xd: {  	[smem:$0x3FAD] =	sst s5  }
0xe: {  	[smem:$0x3FAE] =	sst s6  }
0xf: {  	[smem:$0x3FAF] =	sst s7  }
0x10: {  	[smem:$0x3FB0] =	sst s8  }
0x11: {  	[smem:$0x3FB1] =	sst s9;
	s0 =	simm.s32 @!p0 $0x0  }
0x12: {  	s1 =	sld [smem:$0x3F97];
	s0 =	simm.s32 @p0 $0x1  }
0x13: {  	[smem:$0x3FB2] =	sst s0;
	s0 =	simm.s32 @!p1 $0x0  }
0x14: {  	s2 =	sld [smem:$0x3F96];
	s0 =	simm.s32 @p1 $0x1  }
0x15: {  	[smem:$0x3FB3] =	sst s0;
	s0 =	simm.s32 @!p2 $0x0  }
0x16: {  	s3 =	sld [smem:$0x3FDB];
	s0 =	simm.s32 @p2 $0x1  }
0x17: {  	s4 =	simm.s32 $0x1BF5;
	[smem:$0x3FB5] =	sst s0  }
0x18: {  	s0 =	sld [smem:$0x3F98];
	_ =	swait.ge [sflag:s4], $0x0  }
0x19: {  	s7 =	sld [smem:$0x3F99]  }
0x1a: {  	s8 =	sadd.s32 $0xFFFFE003, lr  }
0x1b: {  	s9 =	sadd.s32 $0xFFFFFEF7, lr;
	s5 =	simm.s32 $0xFFFFFFFF;
	p2 =	slt.u32 s8, $0xFFFFF086  }
0x1c: {  	p1 =	slt.u32 s9, $0xF7A;
	s5 =	simm.s32 @!p2 $0x0  }
0x1d: {  	s5 =	simm.s32 @p1 $0x1;
	p0 =	seq.s32 s7, s2  }
0x1e: {  	s7 =	smul.u32 @!p0 $0xF7A, s2;
	p2 =	seq.s32 @!p0 s5, $0x0  }
0x1f: {  	s9 =	smul.u32 $0xF7A, s1;
	s8 =	simm.s32 @!p0 $0x1BF5;
	p2 =	por !p2, p0  }
0x20: {  	[sflag:s8] =	ssyncset.s32 @!p0 $0xFFFFF086;
	s6 =	sadd.s32 @!p0 s3, s7;
	s7 =	simm.s32 @!p0 $0x108  }
0x21: {  	s3 =	sadd.s32 s3, s9;
	s6 =	sadd.s32 @!p0 $0x88, s6;
	s7 =	simm.s32 @p2 $0x1082  }
0x22: {  	[simem:s7], [sflag:s8] =	dma.local @!p0 [hbm:s6], $0xF7A  }
0x23: {  	s9 =	sor.u32 $0xD0000000, s2;
	s6 =	simm.s32 $0x108;
	_ =	swait.ge @!p0 [sflag:s8], $0x0  }
0x24: {  	s3 =	sadd.s32 $0x88, s3;
	s6 =	simm.s32 @!p1 $0x1082;
	[sflag:s4] =	ssyncset.s32 $0xFFFFF086  }
0x25: {  	[simem:s6], [sflag:s4] =	dma.local [hbm:s3], $0xF7A  }
0x26: {  	[smem:$0x3F99] =	sst s1;
	(tag) =	ssettag s2;
	_ =	strace s9  }
0x27: {  	s1 =	sld [smem:$0x3FA9]  }
0x28: {  	s2 =	sld [smem:$0x3FAA]  }
0x29: {  	s4 =	sld [smem:$0x3FAC]  }
0x2a: {  	p0 =	seq.s32 s5, $0x0;
	s5 =	sld [smem:$0x3FAD]  }
0x2b: {  	s6 =	sld [smem:$0x3FAE]  }
0x2c: {  	s7 =	sld [smem:$0x3FAF]  }
0x2d: {  	s3 =	simm.s32 $0x108;
	s8 =	sld [smem:$0x3FB0]  }
0x2e: {  	s3 =	simm.s32 @!p0 $0x1082;
	s9 =	sld [smem:$0x3FB1]  }
0x2f: {  	lr =	sadd.s32 s0, s3;
	s0 =	sld [smem:$0x3FA8]  }
0x30: {  	s3 =	sld [smem:$0x3FAB]  }
0x31: {  	[smem:$0x3FB4] =	sst s10  }
0x32: {  	s10 =	sld [smem:$0x3FB2];
	_ =	sdelay $0x3  }
0x33: {  	p0 =	seq.s32 s10, $0x1;
	s10 =	sld [smem:$0x3FB4];
	_ =	sdelay $0x3  }
0x34: {  	[smem:$0x3FB4] =	sst s10  }
0x35: {  	s10 =	sld [smem:$0x3FB3];
	_ =	sdelay $0x3  }
0x36: {  	p1 =	seq.s32 s10, $0x1;
	s10 =	sld [smem:$0x3FB4];
	_ =	sdelay $0x3  }
0x37: {  	[smem:$0x3FB4] =	sst s10  }
0x38: {  	s10 =	sld [smem:$0x3FB5]  }
0x39: {  	_ = 	snop;
	(pc) =	sbr.ind lr, $3  }
0x3a: {  	_ = 	snop  }
0x3b: {  	_ = 	snop  }
0x3c: {  	p2 =	seq.s32 s10, $0x1;
	s10 =	sld [smem:$0x3FB4]  }
0x3d: {  	_ =	shalt  }
0x3e: {  	_ =	shalt  }
0x3f: {  	_ =	shalt  }
0x40: {  	_ =	shalt  }
0x41: {  	_ =	shalt  }
0x42: {  	_ =	shalt  }
0x43: {  	_ =	shalt  }
0x44: {  	_ =	shalt  }
0x45: {  	_ =	shalt  }
0x46: {  	_ =	shalt  }
0x47: {  	_ =	shalt  }
0x48: {  	_ =	shalt  }
0x49: {  	_ =	shalt  }
0x4a: {  	_ =	shalt  }
0x4b: {  	_ =	shalt  }
0x4c: {  	_ =	shalt  }
0x4d: {  	_ =	shalt  }
0x4e: {  	_ =	shalt  }
0x4f: {  	_ =	shalt  }
0x50: {  	_ =	shalt  }
0x51: {  	_ =	shalt  }
0x52: {  	_ =	shalt  }
0x53: {  	_ =	shalt  }
0x54: {  	_ =	shalt  }
0x55: {  	_ =	shalt  }
0x56: {  	_ =	shalt  }
0x57: {  	_ =	shalt  }
0x58: {  	_ =	shalt  }
0x59: {  	_ =	shalt  }
0x5a: {  	_ =	shalt  }
0x5b: {  	_ =	shalt  }
0x5c: {  	_ =	shalt  }
0x5d: {  	_ =	shalt  }
0x5e: {  	_ =	shalt  }
0x5f: {  	_ =	shalt  }
0x60: {  	_ =	shalt  }
0x61: {  	_ =	shalt  }
0x62: {  	_ =	shalt  }
0x63: {  	_ =	shalt  }
0x64: {  	_ =	shalt  }
0x65: {  	_ =	shalt  }
0x66: {  	_ =	shalt  }
0x67: {  	_ =	shalt  }
0x68: {  	_ =	shalt  }
0x69: {  	_ =	shalt  }
0x6a: {  	_ =	shalt  }
0x6b: {  	_ =	shalt  }
0x6c: {  	_ =	shalt  }
0x6d: {  	_ =	shalt  }
0x6e: {  	_ =	shalt  }
0x6f: {  	_ =	shalt  }
0x70: {  	_ =	shalt  }
0x71: {  	_ =	shalt  }
0x72: {  	_ =	shalt  }
0x73: {  	_ =	shalt  }
0x74: {  	_ =	shalt  }
0x75: {  	_ =	shalt  }
0x76: {  	_ =	shalt  }
0x77: {  	_ =	shalt  }
0x78: {  	_ =	shalt  }
0x79: {  	_ =	shalt  }
0x7a: {  	_ =	shalt  }
0x7b: {  	_ =	shalt  }
0x7c: {  	_ =	shalt  }
0x7d: {  	_ =	shalt  }
0x7e: {  	_ =	shalt  }
0x7f: {  	_ =	shalt  }
0x80: {  	_ =	shalt  }
0x81: {  	_ =	shalt  }
0x82: {  	_ =	shalt  }
0x83: {  	_ =	shalt  }
0x84: {  	_ =	shalt  }
0x85: {  	_ =	shalt  }
0x86: {  	_ =	shalt  }
0x87: {  	_ =	shalt  }
.Lfunc_end0:
.L_simem_size_0:
called_computation_lowered:
.L_overlay_start_0:
0x88: {  	s2 =	sld [smem:$0x3FD9]  }
0x89: {  	s3 =	sld [smem:$0x3FFE];
	_ =	sdelay $0x1  }
0x8a: {  	s1 =	srdreg.scid  }
0x8b: {  	s0 =	sand.u32 $0x1, s1  }
0x8c: {  	s16 =	sshll.u32 s0, $0xA;
	s2 =	sadd.s32 s3, s2  }
0x8d: {  	s2 =	sadd.s32 s2, s16  }
0x8e: {  	[smem:$0x3FC0] =	sst s2  }
0x8f: {  	_ = 	snop  }
0x90: {  	(tm) =	ssettm $0x1  }
0x91: {  	s17 =	sld [smem:$0x3FFB];
	_ =	sdelay $0x3  }
0x92: {  	_ =	strace s17  }
0x93: {  	s2 =	sld [smem:$0x3FFC];
	_ =	sdelay $0x3  }
0x94: {  	_ =	strace s2  }
0x95: {  	s2 =	sld [smem:$0x3FFD];
	_ =	sdelay $0x3  }
0x96: {  	_ =	strace s2  }
0x97: {  	_ =	strace $0x8FFFFFFF  }
0x98: {  	s18 =	sld [smem:$0x3FDB];
	_ =	sdelay $0x1  }
0x99: {  	s19 =	simm.s32 $_scs_section_size  }
0x9a: {  	s4 =	simm.s32 $_size__tile_overlayer_lowered;
	s5 =	simm.s32 $_tile_overlayer_lowered  }
0x9b: {  	s22 =	simm.s32 $0x1BFF;
	s21 =	sshll.u32 s5, $0x1;
	s2 =	sadd.s32 s19, s18  }
0x9c: {  	s6 =	simm.s32 $0x0;
	s20 =	sshll.u32 s4, $0x1;
	s4 =	sadd.s32 s21, s2  }
0x9d: {  	[timem:s6], [sflag:s22] =	dma.local [hbm:s4], s20  }
0x9e: {  	_ =	swait.ge [sflag:s22], s20  }
0x9f: {  	s3 =	ssub.s32 $0x0, s20;
	[sflag:s22] =	ssyncset.done $0x0  }
0xa0: {  	[sflag:s22] =	ssyncadd.s32 s3;
	_ =	sdelay $0x1  }
0xa1: {  	s23 =	simm.s32 $0x1B8B  }
0xa2: {  	_ =	swait.ge [sflag:s23], $0x1  }
0xa3: {  	[sflag:s23] =	ssyncset.done $0x0  }
0xa4: {  	s25 =	simm.s32 $0x1B8E;
	s24 =	sld [smem:$0x3FFE];
	[sflag:s23] =	ssyncadd.s32 $0xFFFFFFFF  }
0xa5: {  	s26 =	simm.s32 $execute0_lowered;
	[smem:$0x3FD2] =	sst s25  }
0xa6: {  	s4 =	sshll.u32 s26, $0x1;
	_ =	strace $0x80000046;
	[dreg:$0x1] =	wrdreg $0xFFFFFFFF  }
0xa7: {  	s28 =	simm.s32 $_size_execute0_lowered;
	s2 =	sadd.s32 s2, s4;
	[dreg:$0x0] =	wrdreg $0x0  }
0xa8: {  	s4 =	sshll.u32 s28, $0x1;
	[dreg:$0x2] =	wrdreg s2  }
0xa9: {  	[dreg:$0x3] =	wrdreg s4  }
0xaa: {  	[dreg:$0x4] =	wrdreg $0xC0  }
0xab: {  	_ =	task [dreg:s6], $0x5FFFF  }
0xac: {  	[dreg:$0x1] =	wrdreg $0xFFFFFFFF  }
0xad: {  	[dreg:$0x0] =	wrdreg $0x60  }
0xae: {  	[dreg:$0x2] =	wrdreg s24  }
0xaf: {  	[dreg:$0x3] =	wrdreg $0x2F800  }
0xb0: {  	[dreg:$0x4] =	wrdreg $0x9  }
0xb1: {  	_ =	task.clear_ibuf [dreg:s6], $0x5FFFF;
	_ =	strace $0x90000046  }
0xb2: {  	s29 =	simm.s32 $0x9;
	_ =	strace $0x80000048  }
0xb3: {  	_ =	swait.ge [sflag:s29], $0x1  }
0xb4: {  	[sflag:s29] =	ssyncadd.s32 $0xFFFFFFFF  }
0xb5: {  	_ =	strace $0x90000048  }
0xb6: {  	_ =	sfence  }
0xb7: {  	s30 =	sld [smem:$0x0];
	_ =	sdelay $0x2  }
0xb8: {  	s31 =	sshll.u32 s1, $0xD;
	s1 =	sshrl.u32 s1, $0x2  }
0xb9: {  	s3 =	sand.u32 $0x4000, s31;
	s1 =	sadd.s32 s1, s30  }
0xba: {  	s0 =	sor.u32 s3, s0;
	s1 =	sshll.u32 s1, $0x11  }
0xbb: {  	s0 =	sor.u32 s1, s0  }
0xbc: {  	s0 =	sadd.s32 $0x8F2B, s0  }
0xbd: {  	[sflag:s0] =	ssyncadd.remote.s32 $0x1  }
0xbe: {  	_ =	sfence.sel $0xFFFF  }
0xbf: {  	[dreg:$0x0] =	wrdreg $0xFFFFFFFF;
	(pc) =	sbr.abs _section_cstart, $3  }
0xc0: {  	[dreg:$0x1] =	wrdreg $0xFFFFFFFF  }
0xc1: {  	_ =	task.clear_ibuf [dreg:s6], $0x2FFFF;
	_ =	strace $0x9FFFFFFF  }
0xc2: {  	(tm) =	ssettm $0x7FFFFFFF  }
0xc3: {  	_ =	shalt  }
tec
execute0_lowered:
.L_overlay_start_1:
0x0: {  	(tag) =	ssettag $0x1  }
0x1: {  	s1 =	srdreg.scid;
	s6 =	rddreg [dreg:$0x0]  }
0x2: {  	s0 =	stileid.u32;
	s2 =	rddreg [dreg:$0x1]  }
0x3: {  	s3 =	simm.s32 $0x0;
	s14 =	simm.s32 $0x2780;
	s15 =	simm.s32 $0x1  }
0x4: {  	s4 =	sand.u32 $0x1, s1;
	s7 =	smul.u32 $0x2800, s0;
	s1 =	rddreg [dreg:$0x2]  }
0x5: {  	s16 =	simm.s32 $0x80;
	[smem:$0x7FF] =	sst s3;
	s30 =	smul.u32 $0xA000, s0  }
0x6: {  	s5 =	smul.u32 $0x28000, s4;
	s8 =	sshll.u32 s4, $0x4;
	s4 =	ssub.s32 $0x2, s4  }
0x7: {  	_ =	strace $0x80000047;
	s8 =	sor.u32 s0, s8;
	s28 =	sshrl.u32 s4, $0x1  }
0x8: {  	s31 =	sshrl.u32 s30, $0x2;
	s5 =	sadd.s32 s7, s5;
	s9 =	smul.u32 $0x2780, s8  }
0x9: {  	s13 =	ssub.s32 s4, s28;
	p0 =	seq.s32 s8, $0x1F;
	s4 =	simm.s32 $0x33  }
0xa: {  	s7 =	sadd.s32 s7, s2;
	s11 =	sadd.s32 s31, s2;
	s5 =	sshrl.u32 s5, $0x3  }
0xb: {  	s4 =	simm.s32 @!p0 $0x4F;
	s8 =	sadd.s32 $0x800, s11;
	s10 =	sadd.s32 $0x1800, s11  }
0xc: {  	s13 =	smax.u32 s13, $0x1;
	s12 =	sadd.s32 s5, s6;
	s29 =	sshrl.u32 s9, $0x3  }
0xd: {  	s9 =	sadd.s32 $0x1000, s11;
	s11 =	sadd.s32 $0x2000, s11;
	s5 =	sadd.s32 s6, s29  }
0xe: {  	v0 =	vimm.f32 $0.0e+00;
	v1 =	vimm.f32 $1.000000000e+00;
	s6 =	sadd.s32 $0x15B50, s6;
	s12 =	sadd.s32 $0x16000, s12;
	s5 =	sadd.s32 $0xC240, s5  }
.LBB2_1:
0xf: {  	s17 =	simm.s32 @p0 $0x0  }
0x10: {  	[tilespmem:s17], [sflag:$0x1] =	stream.linear.gather @p0 [hbm4b:s6+s17], $0x1980, $0x38;
	[tilespmem:$0x5780] =	vst v63  }
0x11: {  	s17 =	simm.s32 @p0 $0x1  }
0x12: {  	_ =	swait.ge @p0 [sflag:s17], $0x1980  }
0x13: {  	[sflag:s17] =	ssyncset.done @p0 $0x0  }
0x14: {  	[sflag:s17] =	ssyncadd.s32 @p0 $0xFFFFE680;
	s17 =	simm.s32 @!p0 $0x0  }
0x15: {  	[tilespmem:s17], [sflag:$0x1] =	stream.linear.gather @!p0 [hbm4b:s5+s17], $0x2780, $0x38;
	[tilespmem:$0x5780] =	vst v63  }
0x16: {  	s17 =	simm.s32 @!p0 $0x1  }
0x17: {  	_ =	swait.ge @!p0 [sflag:s17], $0x2780  }
0x18: {  	[sflag:s17] =	ssyncset.done @!p0 $0x0  }
0x19: {  	s18 =	simm.s32 $0x0;
	[sflag:s17] =	ssyncadd.s32 @!p0 $0xFFFFD880;
	s17 =	simm.s32 $0x40  }
.LBB2_2:
0x1a: {  	p1 =	sne.s32 s17, $0x1FC0;
	[tilespmem:s18+$0x2780] =	vst v0;
	s18 =	smov.u32 s17;
	s17 =	sadd.s32 $0x40, s17  }
.Ltmp0:
0x1b: {  	(pc) =	sbr.rel @p1 .LBB2_2-.Ltmp0, $2  }
0x1c: {  	_ =	sdelay $0x2  }
0x1d: {  	s18 =	sshra.s32 s18, $0x2  }
0x1e: {  	[tilespmem:s18+$0x2780] =	vst v0  }
0x1f: {  	[spmem:s7] =	stream.linear.scatter [tilespmem:s14], [sflag:$0x1], $0x800, $0x38;
	[tilespmem:$0x5780] =	vst v63  }
0x20: {  	_ =	swait.ge [sflag:s15], $0x800  }
0x21: {  	[sflag:s15] =	ssyncset.done $0x0  }
0x22: {  	[sflag:s15] =	ssyncadd.s32 $0xFFFFF800  }
0x23: {  	[spmem:s8] =	stream.linear.scatter [tilespmem:s14], [sflag:$0x1], $0x800, $0x38;
	[tilespmem:$0x5780] =	vst v63  }
0x24: {  	_ =	swait.ge [sflag:s15], $0x800  }
0x25: {  	[sflag:s15] =	ssyncset.done $0x0  }
0x26: {  	[sflag:s15] =	ssyncadd.s32 $0xFFFFF800  }
0x27: {  	[spmem:s9] =	stream.linear.scatter [tilespmem:s14], [sflag:$0x1], $0x800, $0x38;
	[tilespmem:$0x5780] =	vst v63  }
0x28: {  	_ =	swait.ge [sflag:s15], $0x800  }
0x29: {  	[sflag:s15] =	ssyncset.done $0x0  }
0x2a: {  	[sflag:s15] =	ssyncadd.s32 $0xFFFFF800  }
0x2b: {  	[spmem:s10] =	stream.linear.scatter [tilespmem:s14], [sflag:$0x1], $0x800, $0x38;
	[tilespmem:$0x5780] =	vst v63  }
0x2c: {  	_ =	swait.ge [sflag:s15], $0x800  }
0x2d: {  	[sflag:s15] =	ssyncset.done $0x0  }
0x2e: {  	[sflag:s15] =	ssyncadd.s32 $0xFFFFF800  }
0x2f: {  	[spmem:s11] =	stream.linear.scatter [tilespmem:s14], [sflag:$0x1], $0x800, $0x38;
	[tilespmem:$0x5780] =	vst v63  }
0x30: {  	_ =	swait.ge [sflag:s15], $0x800  }
0x31: {  	[sflag:s15] =	ssyncset.done $0x0  }
0x32: {  	s17 =	simm.s32 $0x40;
	s18 =	simm.s32 $0x0;
	[sflag:s15] =	ssyncadd.s32 $0xFFFFF800  }
.LBB2_4:
0x33: {  	p1 =	sne.s32 s17, $0x1FC0;
	[tilespmem:s18+$0x2780] =	vst v1;
	s18 =	smov.u32 s17;
	s17 =	sadd.s32 $0x40, s17  }
.Ltmp1:
0x34: {  	(pc) =	sbr.rel @p1 .LBB2_4-.Ltmp1, $2  }
0x35: {  	_ =	sdelay $0x2  }
0x36: {  	s18 =	sshra.s32 s18, $0x2  }
0x37: {  	p1 =	sne.s32 s4, $0x1  }
.Ltmp2:
0x38: {  	[tilespmem:s18+$0x2780] =	vst v1;
	(pc) =	sbr.rel @!p1 .LBB2_7-.Ltmp2, $4  }
0x39: {  	s17 =	simm.s32 $0x0;
	[bflag:$0x0] =	sbarrier.arrive $0xFFFF  }
0x3a: {  	[spmem:s2] =	stream.indirect.scatter.add.f32 [tilespmem:s14], [sflag:$0x1], $0x10, s17, s16, $0xb8;
	[tilespmem:$0x5780] =	vst v63  }
0x3b: {  	_ =	swait.ge [sflag:s15], $0x800  }
0x3c: {  	s18 =	sadd.s32 $0xFFFFFFFF, s4;
	[sflag:s15] =	ssyncset.done $0x0  }
.LBB2_6:
0x3d: {  	p1 =	sne.s32 s18, $0x1;
	[sflag:s15] =	ssyncadd.s32 $0xFFFFF800;
	s17 =	sadd.s32 $0x80, s17  }
.Ltmp3:
0x3e: {  	s18 =	sadd.s32 $0xFFFFFFFF, s18;
	(pc) =	sbr.rel @p1 .LBB2_6-.Ltmp3, $4  }
0x3f: {  	_ = 	snop  }
0x40: {  	[spmem:s2] =	stream.indirect.scatter.add.f32 [tilespmem:s14], [sflag:$0x1], $0x10, s17, s16, $0xb8;
	[tilespmem:$0x5780] =	vst v63  }
0x41: {  	_ =	swait.ge [sflag:s15], $0x800  }
0x42: {  	[sflag:s15] =	ssyncset.done $0x0  }
.LBB2_7:
0x43: {  	[sflag:s15] =	ssyncadd.s32 $0xFFFFF800;
	s3 =	sadd.s32 $0x1, s3  }
0x44: {  	s17 =	sshll.u32 s0, $0x6;
	s18 =	sshrl.u32 s7, $0x3;
	p1 =	sne.s32 s3, s13  }
.Ltmp4:
0x45: {  	[bflag:$0x0] =	sbarrier.arrive $0xFFFF;
	s17 =	sor.u32 $0x1C01, s17;
	(pc) =	sbr.rel @p1 .LBB2_1-.Ltmp4, $4  }
0x46: {  	[hbm:s12], [sflag:s17] =	dma.local [spmem:s18], $0x500  }
0x47: {  	_ =	swait.ge [sflag:s15], $0x500  }
0x48: {  	[sflag:s15] =	ssyncset.done $0x0  }
0x49: {  	[sflag:s15] =	ssyncadd.s32 $0xFFFFFB00  }
0x4a: {  	_ =	sfence.sel $0x180000  }
0x4b: {  	[bflag:$0x0] =	sbarrier.arrive $0xFFFF  }
0x4c: {  	p0 =	sne.s32 s0, $0x0;
	_ =	strace $0x90000047  }
0x4d: {  	s0 =	sadd.s32 @!p0 $0x100000, s1;
	[bflag:$0x2] =	sbarrier.arrive $0xFFFF  }
0x4e: {  	[sflag:s0] =	ssyncadd.tile.s32 @!p0 $0x1;
	_ =	shalt  }
.Lfunc_end2:
_tile_overlayer_lowered:
.L_overlay_start_2:
0x4f: {  	(tag) =	ssettag $0x2  }
0x50: {  	s0 =	rddreg [dreg:$0x0];
	s2 =	stileid.u32  }
0x51: {  	s1 =	rddreg [dreg:$0x1];
	p0 =	sne.s32 s2, $0x0  }
0x52: {  	s3 =	rddreg [dreg:$0x2];
	[bflag:$0x3] =	sbarrier.arrive $0xFFFF;
	s2 =	simm.s32 @!p0 $0x1C01  }
0x53: {  	[timem:s3], [sflag:s2] =	dma.local @!p0 [hbm:s0], s1  }
0x54: {  	s0 =	simm.s32 @!p0 $0x1  }
0x55: {  	_ =	swait.ge @!p0 [sflag:s0], s1  }
0x56: {  	s1 =	ssub.s32 @!p0 $0x0, s1;
	[sflag:s0] =	ssyncset.done @!p0 $0x0  }
0x57: {  	[sflag:s0] =	ssyncadd.s32 @!p0 s1  }
0x58: {  	[bflag:$0x3] =	sbarrier.arrive $0xFFFF  }
0x59: {  	_ =	shalt  }

</sc_bundles>
